<compile_context>
chip_gen: v7x
topology: tpu7x:2x2x1
jax: 0.10.2.dev20260603
libtpu: 0.0.44.dev20260713+nightly
codegen_flags: <defaults>
</compile_context>

<pallas_src>
import functools

import jax
import jax.numpy as jnp
from jax import lax
from jax.experimental import pallas as pl
from jax.experimental.pallas import tpu as pltpu
from jax.experimental.pallas import tpu_sc as plsc

NC = 2
NS = 16
CH = 128


def _ceil_to(x, m):
    return (x + m - 1) // m * m


def _mesh():
    return plsc.VectorSubcoreMesh(core_axis_name="c", subcore_axis_name="s")


_SC_PARAMS = pltpu.CompilerParams(use_tc_tiling_on_sc=False)


def _sc_big(tlo, thi, idx, idx16, ec, zrow, z16, ones16, npad, stripe, c1):
    Hh = tlo.shape[1]
    f32 = jnp.float32
    c1h = c1
    out_type = (
        jax.ShapeDtypeStruct((npad, Hh), f32),
        jax.ShapeDtypeStruct((npad, Hh), f32),
        jax.ShapeDtypeStruct((npad, 16), f32),
        jax.ShapeDtypeStruct((npad, 16), f32),
    )
    scratch = [
        pltpu.VMEM((c1h, CH), jnp.int32),
        pltpu.VMEM((c1h, CH), jnp.int32),
        pltpu.VMEM((c1h, CH), jnp.int32),
        pltpu.VMEM((CH, Hh), f32),
        pltpu.VMEM((CH, 16), f32),
        pltpu.VMEM((CH, 16), f32),
        pltpu.VMEM_SHARED((npad, Hh), f32),
        pltpu.VMEM_SHARED((npad, 16), f32),
    ]

    @functools.partial(pl.kernel, mesh=_mesh(), out_type=out_type,
                       scratch_types=scratch, compiler_params=_SC_PARAMS)
    def k(tlo_hbm, thi_hbm, idx_hbm, idx16_hbm, ec_hbm,
          zrow_hbm, z16_hbm, ones_hbm,
          slo_o, shi_o, d_o, c_o,
          gi_v, si_v, ci_v, rows_v, ecr_v, ones_v, accS, acc16):
        cid = lax.axis_index("c")
        sid = lax.axis_index("s")
        sl = pl.ds(sid * stripe, stripe)
        pltpu.sync_copy(zrow_hbm, accS.at[sl])
        pltpu.sync_copy(z16_hbm, acc16.at[sl])
        pltpu.sync_copy(ones_hbm, ones_v)
        plsc.subcore_barrier()

        pltpu.sync_copy(idx_hbm.at[0, sid], gi_v)
        pltpu.sync_copy(idx_hbm.at[1, sid], si_v)
        pltpu.sync_copy(idx16_hbm.at[1, sid], ci_v)
        plsc.subcore_barrier()

        @pl.when(cid == 0)
        def _():
            @pl.loop(0, c1)
            def _(j):
                pltpu.sync_copy(tlo_hbm.at[gi_v.at[j]], rows_v)
                pltpu.sync_copy(rows_v, accS.at[si_v.at[j]], add=True)
                pltpu.sync_copy(ones_v, acc16.at[si_v.at[j]], add=True)

        @pl.when(cid == 1)
        def _():
            @pl.loop(0, c1)
            def _(j):
                pltpu.sync_copy(thi_hbm.at[gi_v.at[j]], rows_v)
                pltpu.sync_copy(rows_v, accS.at[si_v.at[j]], add=True)
                pltpu.sync_copy(ec_hbm.at[sid, j], ecr_v)
                pltpu.sync_copy(ecr_v, acc16.at[ci_v.at[j]], add=True)

        plsc.subcore_barrier()

        @pl.when(cid == 0)
        def _():
            pltpu.sync_copy(accS.at[sl], slo_o.at[sl])
            pltpu.sync_copy(acc16.at[sl], d_o.at[sl])

        @pl.when(cid == 1)
        def _():
            pltpu.sync_copy(accS.at[sl], shi_o.at[sl])
            pltpu.sync_copy(acc16.at[sl], c_o.at[sl])

    return k(tlo, thi, idx, idx16, ec, zrow, z16, ones16)


def _sc_half(tq0, tq1, idx, zrow, npad, stripe, c1):
    Hq = tq0.shape[1]
    f32 = jnp.float32
    scratch = [
        pltpu.VMEM((c1, CH), jnp.int32),
        pltpu.VMEM((c1, CH), jnp.int32),
        pltpu.VMEM((CH, Hq), f32),
        pltpu.VMEM_SHARED((npad, Hq), f32),
    ]

    @functools.partial(
        pl.kernel, mesh=_mesh(),
        out_type=(jax.ShapeDtypeStruct((npad, Hq), f32),
                  jax.ShapeDtypeStruct((npad, Hq), f32)),
        scratch_types=scratch, compiler_params=_SC_PARAMS)
    def k(tq0_hbm, tq1_hbm, idx_hbm, zrow_hbm, sq0_o, sq1_o,
          gi_v, si_v, rows_v, acc):
        cid = lax.axis_index("c")
        sid = lax.axis_index("s")
        sl = pl.ds(sid * stripe, stripe)
        pltpu.sync_copy(zrow_hbm, acc.at[sl])
        pltpu.sync_copy(idx_hbm.at[0, sid], gi_v)
        pltpu.sync_copy(idx_hbm.at[1, sid], si_v)
        plsc.subcore_barrier()

        def run(tab):
            @pl.loop(0, c1)
            def _(j):
                pltpu.sync_copy(tab.at[gi_v.at[j]], rows_v)
                pltpu.sync_copy(rows_v, acc.at[si_v.at[j]], add=True)

        @pl.when(cid == 0)
        def _():
            run(tq0_hbm)

        @pl.when(cid == 1)
        def _():
            run(tq1_hbm)

        plsc.subcore_barrier()

        @pl.when(cid == 0)
        def _():
            pltpu.sync_copy(acc.at[sl], sq0_o.at[sl])

        @pl.when(cid == 1)
        def _():
            pltpu.sync_copy(acc.at[sl], sq1_o.at[sl])

    return k(tq0, tq1, idx, zrow)


def _gru_half(S, D, h, WsT, WtT, b, WihT, WhhT, bih, bhh, H):
    d = D[:, 0:1]
    agg = jnp.dot(S, WsT, preferred_element_type=jnp.float32) + d * (
        jnp.dot(h, WtT, preferred_element_type=jnp.float32) + b)
    gi = jnp.dot(agg, WihT, preferred_element_type=jnp.float32) + bih
    gh = jnp.dot(h, WhhT, preferred_element_type=jnp.float32) + bhh
    r = jax.nn.sigmoid(gi[:, :H] + gh[:, :H])
    z = jax.nn.sigmoid(gi[:, H:2 * H] + gh[:, H:2 * H])
    n = jnp.tanh(gi[:, 2 * H:] + r * gh[:, 2 * H:])
    return (1.0 - z) * n + z * h


def _dense_gru(h, Slo, Shi, D, WsT, WtT, b, WihT, WhhT, bih, bhh, blk,
               emit_halves):
    N, H = h.shape
    Hh = H // 2
    grid = (N // blk,)
    row = pl.BlockSpec((blk, H), lambda i: (i, 0))
    rowh = pl.BlockSpec((blk, Hh), lambda i: (i, 0))
    row16 = pl.BlockSpec((blk, 16), lambda i: (i, 0))

    def w_spec(w):
        return pl.BlockSpec(w.shape, lambda i: tuple(0 for _ in w.shape))

    def body(h_r, Slo_r, Shi_r, D_r, Ws_r, Wt_r, b_r, Wih_r, Whh_r,
             bih_r, bhh_r, o_r, *halves):
        S = jnp.concatenate([Slo_r[...], Shi_r[...]], axis=1)
        hg = _gru_half(S, D_r[...], h_r[...], Ws_r[...], Wt_r[...], b_r[...],
                       Wih_r[...], Whh_r[...], bih_r[...], bhh_r[...], H)
        o_r[...] = hg
        for i, q_r in enumerate(halves):
            q_r[...] = hg[:, i * Hh:(i + 1) * Hh]

    nq = 2 if emit_halves else 0
    ws = (WsT, WtT, b, WihT, WhhT, bih, bhh)
    res = pl.pallas_call(
        body,
        grid=grid,
        in_specs=[row, rowh, rowh, row16] + [w_spec(w) for w in ws],
        out_specs=(row,) + (rowh,) * nq,
        out_shape=(jax.ShapeDtypeStruct((N, H), jnp.float32),)
                  + (jax.ShapeDtypeStruct((N, Hh), jnp.float32),) * nq,
    )(h, Slo, Shi, D, *ws)
    return res if emit_halves else res[0]


def _dense_couple(hb, Sq, C, AT, BT, M, b, blk, emit_halves):
    N, H = hb.shape
    Hh = H // 2
    grid = (N // blk,)
    row = pl.BlockSpec((blk, H), lambda i: (i, 0))
    rowh = pl.BlockSpec((blk, Hh), lambda i: (i, 0))
    row16 = pl.BlockSpec((blk, 16), lambda i: (i, 0))

    def w_spec(w):
        return pl.BlockSpec(w.shape, lambda i: tuple(0 for _ in w.shape))

    def body(hb_r, Slo_r, Shi_r, C_r, AT_r, BT_r, M_r, b_r,
             o_r, *halves):
        C_v = C_r[...]
        d = C_v[:, 6:7]
        S = jnp.concatenate([Slo_r[...], Shi_r[...]], axis=1)
        o = (hb_r[...]
             + jnp.dot(S, AT_r[...], preferred_element_type=jnp.float32)
             + d * (jnp.dot(hb_r[...], BT_r[...],
                            preferred_element_type=jnp.float32) + b_r[...])
             + jnp.dot(C_v, M_r[...], preferred_element_type=jnp.float32))
        o_r[...] = o
        for i, q_r in enumerate(halves):
            q_r[...] = o[:, i * Hh:(i + 1) * Hh]

    nq = 2 if emit_halves else 0
    res = pl.pallas_call(
        body,
        grid=grid,
        in_specs=[row, rowh, rowh, row16]
                 + [w_spec(w) for w in (AT, BT, M, b)],
        out_specs=(row,) + (rowh,) * nq,
        out_shape=(jax.ShapeDtypeStruct((N, H), jnp.float32),)
                  + (jax.ShapeDtypeStruct((N, Hh), jnp.float32),) * nq,
    )(hb, *Sq, C, AT, BT, M, b)
    return res if emit_halves else res[0]


def kernel(h1d, h2d, ei_1d, ei_2d, ei_coup, e_coup,
           W_msg1d, b_msg1d, W_msg2d, b_msg2d,
           W_c12, b_c12, W_c21, b_c21,
           Wih1, Whh1, bih1, bhh1, Wih2, Whh2, bih2, bhh2):
    N, H = h1d.shape
    Hh, Hq = H // 2, H // 4
    E = ei_1d.shape[1]
    F = e_coup.shape[1]
    f32 = jnp.float32

    stripe = _ceil_to((N + 1 + NS - 1) // NS, 8)
    npad = stripe * NS
    c1 = (E + NS * CH - 1) // (NS * CH)
    ep = c1 * NS * CH

    def pad_idx(a, fill):
        return jnp.pad(a.astype(jnp.int32), (0, ep - E), constant_values=fill)

    def idx_pair(g, s):
        return jnp.stack([pad_idx(g, 0).reshape(NS, c1, CH),
                          pad_idx(s, N).reshape(NS, c1, CH)])

    idx1 = idx_pair(ei_1d[0], ei_1d[1])
    idx2 = idx_pair(ei_2d[0], ei_2d[1])
    idxc_fwd = idx_pair(ei_coup[0], ei_coup[1])
    idxc_rev = idx_pair(ei_coup[1], ei_coup[0])

    ec = jnp.zeros((E, 16), f32).at[:, :F].set(e_coup).at[:, F].set(1.0)
    ec = jnp.pad(ec, ((0, ep - E), (0, 0))).reshape(NS, c1, CH, 16)

    zrow = jnp.zeros((stripe, Hh), f32)
    zrowq = jnp.zeros((stripe, Hq), f32)
    z16 = jnp.zeros((stripe, 16), f32)
    ones16 = jnp.ones((CH, 16), f32)

    h1lo, h1hi = h1d[:, :Hh], h1d[:, Hh:]
    h2lo, h2hi = h2d[:, :Hh], h2d[:, Hh:]

    S1lo, S1hi, D1p, C1p = _sc_big(h1lo, h1hi, idx1, idxc_rev, ec, zrow, z16,
                                   ones16, npad, stripe, c1)
    S2lo, S2hi, D2p, C2p = _sc_big(h2lo, h2hi, idx2, idxc_fwd, ec, zrow, z16,
                                   ones16, npad, stripe, c1)

    blk = 1000 if N % 1000 == 0 else N
    h1g, h1glo, h1ghi = _dense_gru(
        h1d, S1lo, S1hi, D1p,
        W_msg1d[:, :H].T, W_msg1d[:, H:].T, b_msg1d.reshape(1, H),
        Wih1.T, Whh1.T, bih1.reshape(1, 3 * H), bhh1.reshape(1, 3 * H),
        blk, True)
    h2g = _dense_gru(
        h2d, S2lo, S2hi, D2p,
        W_msg2d[:, :H].T, W_msg2d[:, H:].T, b_msg2d.reshape(1, H),
        Wih2.T, Whh2.T, bih2.reshape(1, 3 * H), bhh2.reshape(1, 3 * H),
        blk, False)

    def pad_we(We):
        return jnp.zeros((16, H), f32).at[:F, :].set(We.T)

    Sc12lo, Sc12hi = _sc_half(h1glo, h1ghi, idxc_fwd, zrow, npad, stripe,
                                 c1)
    h2o, h2olo, h2ohi = _dense_couple(
        h2g, (Sc12lo, Sc12hi), C2p,
        W_c12[:, :H].T, W_c12[:, H:2 * H].T,
        pad_we(W_c12[:, 2 * H:]), b_c12.reshape(1, H), blk, True)

    Sc21lo, Sc21hi = _sc_half(h2olo, h2ohi, idxc_rev, zrow, npad, stripe,
                                 c1)
    h1o = _dense_couple(
        h1g, (Sc21lo, Sc21hi), C1p,
        W_c21[:, :H].T, W_c21[:, H:2 * H].T,
        pad_we(W_c21[:, 2 * H:]), b_c21.reshape(1, H), blk, False)

    return (h1o, h2o)

# --- scband reference (transcript-rebuilt; emitter-appended) ---
"""Pipeline reference for scband-message-passing-layer-48086453846275 (READ-ONLY COPY).

The authoritative reference and input builder live on the scoring server;
editing this copy changes nothing except your own understanding.
"""

import jax, jax.numpy as jnp
import numpy as np


def _gru(x, h, w_ih, w_hh, b_ih, b_hh):
    gi = x @ w_ih.T + b_ih
    gh = h @ w_hh.T + b_hh
    i_r, i_z, i_n = jnp.split(gi, 3, axis=-1)
    h_r, h_z, h_n = jnp.split(gh, 3, axis=-1)
    r = jax.nn.sigmoid(i_r + h_r)
    z = jax.nn.sigmoid(i_z + h_z)
    n = jnp.tanh(i_n + r * h_n)
    return (1.0 - z) * n + z * h


def setup_inputs(seed: int = 0) -> dict:
    key = jax.random.key(seed)
    ks = jax.random.split(key, 24)
    N, H, E, F = 10000, 128, 320000, 6
    s = 0.05
    inp = {}
    inp['h1d'] = jax.random.normal(ks[0], (N, H), jnp.float32)
    inp['h2d'] = jax.random.normal(ks[1], (N, H), jnp.float32)
    inp['ei_1d'] = jax.random.randint(ks[2], (2, E), 0, N, dtype=jnp.int64 if jax.config.jax_enable_x64 else jnp.int32)
    inp['ei_2d'] = jax.random.randint(ks[3], (2, E), 0, N, dtype=jnp.int64 if jax.config.jax_enable_x64 else jnp.int32)
    inp['ei_coup'] = jax.random.randint(ks[4], (2, E), 0, N, dtype=jnp.int64 if jax.config.jax_enable_x64 else jnp.int32)
    inp['e_coup'] = jax.random.normal(ks[5], (E, F), jnp.float32)
    inp['W_msg1d'] = jax.random.normal(ks[6], (H, 2 * H), jnp.float32) * s
    inp['b_msg1d'] = jax.random.normal(ks[7], (H,), jnp.float32) * s
    inp['W_msg2d'] = jax.random.normal(ks[8], (H, 2 * H), jnp.float32) * s
    inp['b_msg2d'] = jax.random.normal(ks[9], (H,), jnp.float32) * s
    inp['W_c12'] = jax.random.normal(ks[10], (H, 2 * H + F), jnp.float32) * s
    inp['b_c12'] = jax.random.normal(ks[11], (H,), jnp.float32) * s
    inp['W_c21'] = jax.random.normal(ks[12], (H, 2 * H + F), jnp.float32) * s
    inp['b_c21'] = jax.random.normal(ks[13], (H,), jnp.float32) * s
    inp['Wih1'] = jax.random.normal(ks[14], (3 * H, H), jnp.float32) * s
    inp['Whh1'] = jax.random.normal(ks[15], (3 * H, H), jnp.float32) * s
    inp['bih1'] = jax.random.normal(ks[16], (3 * H,), jnp.float32) * s
    inp['bhh1'] = jax.random.normal(ks[17], (3 * H,), jnp.float32) * s
    inp['Wih2'] = jax.random.normal(ks[18], (3 * H, H), jnp.float32) * s
    inp['Whh2'] = jax.random.normal(ks[19], (3 * H, H), jnp.float32) * s
    inp['bih2'] = jax.random.normal(ks[20], (3 * H,), jnp.float32) * s
    inp['bhh2'] = jax.random.normal(ks[21], (3 * H,), jnp.float32) * s
    return inp


def reference(h1d, h2d, ei_1d, ei_2d, ei_coup, e_coup,
              W_msg1d, b_msg1d, W_msg2d, b_msg2d,
              W_c12, b_c12, W_c21, b_c21,
              Wih1, Whh1, bih1, bhh1, Wih2, Whh2, bih2, bhh2):
    src_1d, tgt_1d = ei_1d[0], ei_1d[1]
    msg_1d = jnp.concatenate([h1d[src_1d], h1d[tgt_1d]], axis=-1) @ W_msg1d.T + b_msg1d
    agg_1d = jnp.zeros_like(h1d).at[tgt_1d].add(msg_1d)
    h1d = _gru(agg_1d, h1d, Wih1, Whh1, bih1, bhh1)
    src_2d, tgt_2d = ei_2d[0], ei_2d[1]
    msg_2d = jnp.concatenate([h2d[src_2d], h2d[tgt_2d]], axis=-1) @ W_msg2d.T + b_msg2d
    agg_2d = jnp.zeros_like(h2d).at[tgt_2d].add(msg_2d)
    h2d = _gru(agg_2d, h2d, Wih2, Whh2, bih2, bhh2)
    src_c, tgt_c = ei_coup[0], ei_coup[1]
    msg_c12 = jnp.concatenate([h1d[src_c], h2d[tgt_c], e_coup], axis=-1) @ W_c12.T + b_c12
    agg_c2d = jnp.zeros_like(h2d).at[tgt_c].add(msg_c12)
    h2d = h2d + agg_c2d
    msg_c21 = jnp.concatenate([h2d[tgt_c], h1d[src_c], e_coup], axis=-1) @ W_c21.T + b_c21
    agg_c1d = jnp.zeros_like(h1d).at[src_c].add(msg_c21)
    h1d = h1d + agg_c1d
    return (h1d, h2d)

if __name__ == "__main__":
    import jax
    _d = setup_inputs()
    print(jax.jit(kernel)(*tuple(_d.values())))

</pallas_src>

<mosaic_0001>
#map = affine_map<(d0, d1) -> (0, 0)>
#map1 = affine_map<(d0, d1) -> (0, 0, 0, 0)>
module attributes {stable_mosaic.version = 14 : i64} {
  func.func @k(%arg0: i32, %arg1: i32, %arg2: memref<10000x64xf32, #tpu.memory_space<hbm>>, %arg3: memref<10000x64xf32, #tpu.memory_space<hbm>>, %arg4: memref<2x16x157x128xi32, #tpu.memory_space<hbm>>, %arg5: memref<632x64xf32, #tpu.memory_space<hbm>>, %arg6: memref<10112x64xf32, #tpu.memory_space<hbm>>, %arg7: memref<10112x64xf32, #tpu.memory_space<hbm>>, %arg8: memref<157x128xi32, #tpu.memory_space<vmem>>, %arg9: memref<157x128xi32, #tpu.memory_space<vmem>>, %arg10: memref<128x64xf32, #tpu.memory_space<vmem>>, %arg11: memref<10112x64xf32, #tpu.memory_space<vmem_shared>>) attributes {dimension_semantics = [#tpu.dimension_semantics<core_parallel>, #tpu.dimension_semantics<subcore_parallel>], iteration_bounds = array<i64: 2, 16>, scalar_prefetch = 0 : i64, scratch_operands = 4 : i64, tpu.core_type = #tpu.core_type<sc_vector_subcore>, window_params = [{transform_indices = #map}, {transform_indices = #map}, {transform_indices = #map1}, {transform_indices = #map}, {transform_indices = #map}, {transform_indices = #map}]} {
    %mul3A = arith.constant 632 : i32
    %mul3A_0 = arith.muli %arg1, %mul3A : i32
    "tpu.region"() ({
      %run_scoped3A_20 = tpu.sem_alloc : memref<!tpu.dma_semaphore, #tpu.memory_space<semaphore_mem>>
      %dma_start3A = arith.constant 0 : i32
      %dma_start3A_21 = tpu.memref_slice %arg11[%mul3A_0, %dma_start3A] : memref<10112x64xf32, #tpu.memory_space<vmem_shared>> -> memref<632x64xf32, #tpu.memory_space<vmem_shared>>
      tpu.enqueue_dma source(%arg5 : memref<632x64xf32, #tpu.memory_space<hbm>>) target(%dma_start3A_21 : memref<632x64xf32, #tpu.memory_space<vmem_shared>>) target_semaphore(%run_scoped3A_20 : memref<!tpu.dma_semaphore, #tpu.memory_space<semaphore_mem>>)
      %dma_wait3A = arith.constant 0 : i32
      %dma_wait3A_22 = tpu.memref_slice %arg11[%mul3A_0, %dma_wait3A] : memref<10112x64xf32, #tpu.memory_space<vmem_shared>> -> memref<632x64xf32, #tpu.memory_space<vmem_shared>>
      tpu.wait_dma2 semaphore(%run_scoped3A_20 : memref<!tpu.dma_semaphore, #tpu.memory_space<semaphore_mem>>) src(%arg5 : memref<632x64xf32, #tpu.memory_space<hbm>>) dst(%dma_wait3A_22 : memref<632x64xf32, #tpu.memory_space<vmem_shared>>)
      tpu.yield
    }) : () -> ()
    %run_scoped3A = arith.constant 0 : i32
    "tpu.region"() ({
      %run_scoped3A_20 = tpu.sem_alloc : memref<!tpu.dma_semaphore, #tpu.memory_space<semaphore_mem>>
      %dma_start3A = arith.constant 0 : i32
      %dma_start3A_21 = arith.constant 0 : i32
      %dma_start3A_22 = tpu.memref_slice %arg4[%run_scoped3A, %arg1, %dma_start3A, %dma_start3A_21] : memref<2x16x157x128xi32, #tpu.memory_space<hbm>> -> memref<1x1x157x128xi32, #tpu.memory_space<hbm>>
      %dma_start3A_23 = tpu.memref_squeeze %dma_start3A_22 : memref<1x1x157x128xi32, #tpu.memory_space<hbm>> -> memref<157x128xi32, #tpu.memory_space<hbm>>
      %dma_start3A_24 = arith.constant 0 : i32
      %dma_start3A_25 = arith.constant 0 : i32
      %dma_start3A_26 = tpu.memref_slice %arg4[%run_scoped3A, %arg1, %dma_start3A_24, %dma_start3A_25] : memref<2x16x157x128xi32, #tpu.memory_space<hbm>> -> memref<1x1x157x128xi32, #tpu.memory_space<hbm>>
      %dma_start3A_27 = tpu.memref_squeeze %dma_start3A_26 : memref<1x1x157x128xi32, #tpu.memory_space<hbm>> -> memref<157x128xi32, #tpu.memory_space<hbm>>
      tpu.enqueue_dma source(%dma_start3A_27 : memref<157x128xi32, #tpu.memory_space<hbm>>) target(%arg8 : memref<157x128xi32, #tpu.memory_space<vmem>>) target_semaphore(%run_scoped3A_20 : memref<!tpu.dma_semaphore, #tpu.memory_space<semaphore_mem>>)
      %dma_wait3A = arith.constant 0 : i32
      %dma_wait3A_28 = arith.constant 0 : i32
      %dma_wait3A_29 = tpu.memref_slice %arg4[%run_scoped3A, %arg1, %dma_wait3A, %dma_wait3A_28] : memref<2x16x157x128xi32, #tpu.memory_space<hbm>> -> memref<1x1x157x128xi32, #tpu.memory_space<hbm>>
      %dma_wait3A_30 = tpu.memref_squeeze %dma_wait3A_29 : memref<1x1x157x128xi32, #tpu.memory_space<hbm>> -> memref<157x128xi32, #tpu.memory_space<hbm>>
      %dma_wait3A_31 = arith.constant 0 : i32
      %dma_wait3A_32 = arith.constant 0 : i32
      %dma_wait3A_33 = tpu.memref_slice %arg4[%run_scoped3A, %arg1, %dma_wait3A_31, %dma_wait3A_32] : memref<2x16x157x128xi32, #tpu.memory_space<hbm>> -> memref<1x1x157x128xi32, #tpu.memory_space<hbm>>
      %dma_wait3A_34 = tpu.memref_squeeze %dma_wait3A_33 : memref<1x1x157x128xi32, #tpu.memory_space<hbm>> -> memref<157x128xi32, #tpu.memory_space<hbm>>
      tpu.wait_dma2 semaphore(%run_scoped3A_20 : memref<!tpu.dma_semaphore, #tpu.memory_space<semaphore_mem>>) src(%dma_wait3A_34 : memref<157x128xi32, #tpu.memory_space<hbm>>) dst(%arg8 : memref<157x128xi32, #tpu.memory_space<vmem>>)
      tpu.yield
    }) : () -> ()
    %run_scoped3A_1 = arith.constant 1 : i32
    "tpu.region"() ({
      %run_scoped3A_20 = tpu.sem_alloc : memref<!tpu.dma_semaphore, #tpu.memory_space<semaphore_mem>>
      %dma_start3A = arith.constant 0 : i32
      %dma_start3A_21 = arith.constant 0 : i32
      %dma_start3A_22 = tpu.memref_slice %arg4[%run_scoped3A_1, %arg1, %dma_start3A, %dma_start3A_21] : memref<2x16x157x128xi32, #tpu.memory_space<hbm>> -> memref<1x1x157x128xi32, #tpu.memory_space<hbm>>
      %dma_start3A_23 = tpu.memref_squeeze %dma_start3A_22 : memref<1x1x157x128xi32, #tpu.memory_space<hbm>> -> memref<157x128xi32, #tpu.memory_space<hbm>>
      %dma_start3A_24 = arith.constant 0 : i32
      %dma_start3A_25 = arith.constant 0 : i32
      %dma_start3A_26 = tpu.memref_slice %arg4[%run_scoped3A_1, %arg1, %dma_start3A_24, %dma_start3A_25] : memref<2x16x157x128xi32, #tpu.memory_space<hbm>> -> memref<1x1x157x128xi32, #tpu.memory_space<hbm>>
      %dma_start3A_27 = tpu.memref_squeeze %dma_start3A_26 : memref<1x1x157x128xi32, #tpu.memory_space<hbm>> -> memref<157x128xi32, #tpu.memory_space<hbm>>
      tpu.enqueue_dma source(%dma_start3A_27 : memref<157x128xi32, #tpu.memory_space<hbm>>) target(%arg9 : memref<157x128xi32, #tpu.memory_space<vmem>>) target_semaphore(%run_scoped3A_20 : memref<!tpu.dma_semaphore, #tpu.memory_space<semaphore_mem>>)
      %dma_wait3A = arith.constant 0 : i32
      %dma_wait3A_28 = arith.constant 0 : i32
      %dma_wait3A_29 = tpu.memref_slice %arg4[%run_scoped3A_1, %arg1, %dma_wait3A, %dma_wait3A_28] : memref<2x16x157x128xi32, #tpu.memory_space<hbm>> -> memref<1x1x157x128xi32, #tpu.memory_space<hbm>>
      %dma_wait3A_30 = tpu.memref_squeeze %dma_wait3A_29 : memref<1x1x157x128xi32, #tpu.memory_space<hbm>> -> memref<157x128xi32, #tpu.memory_space<hbm>>
      %dma_wait3A_31 = arith.constant 0 : i32
      %dma_wait3A_32 = arith.constant 0 : i32
      %dma_wait3A_33 = tpu.memref_slice %arg4[%run_scoped3A_1, %arg1, %dma_wait3A_31, %dma_wait3A_32] : memref<2x16x157x128xi32, #tpu.memory_space<hbm>> -> memref<1x1x157x128xi32, #tpu.memory_space<hbm>>
      %dma_wait3A_34 = tpu.memref_squeeze %dma_wait3A_33 : memref<1x1x157x128xi32, #tpu.memory_space<hbm>> -> memref<157x128xi32, #tpu.memory_space<hbm>>
      tpu.wait_dma2 semaphore(%run_scoped3A_20 : memref<!tpu.dma_semaphore, #tpu.memory_space<semaphore_mem>>) src(%dma_wait3A_34 : memref<157x128xi32, #tpu.memory_space<hbm>>) dst(%arg9 : memref<157x128xi32, #tpu.memory_space<vmem>>)
      tpu.yield
    }) : () -> ()
    %barrier3A = arith.constant 0 : index
    tpu.barrier barrier_id(%barrier3A)
    %eq3A = arith.constant 0 : i32
    %eq3A_2 = arith.cmpi eq, %arg0, %eq3A : i32
    %convert_element_type3A = arith.extui %eq3A_2 : i1 to i32
    %cond3A = arith.constant 0 : i32
    %cond3A_3 = arith.cmpi ne, %convert_element_type3A, %cond3A : i32
    scf.if %cond3A_3 {
      %scan3A = arith.constant 0 : i32
      %scan3A_20 = arith.constant 157 : i32
      %scan3A_21 = arith.addi %scan3A, %scan3A_20 : i32
      %scan3A_22 = arith.constant 1 : i32
      scf.for %scan3A_24 = %scan3A to %scan3A_21 step %scan3A_22  : i32 {
        %mul3A_25 = arith.constant 1 : i32
        %mul3A_26 = arith.muli %scan3A_24, %mul3A_25 : i32
        %add3A = arith.constant 0 : i32
        %add3A_27 = arith.addi %add3A, %mul3A_26 : i32
        "tpu.region"() ({
          %run_scoped3A_28 = tpu.sem_alloc : memref<!tpu.dma_semaphore, #tpu.memory_space<semaphore_mem>>
          %dma_start3A = arith.constant 0 : i32
          %dma_start3A_29 = tpu.memref_slice %arg8[%add3A_27, %dma_start3A] : memref<157x128xi32, #tpu.memory_space<vmem>> -> memref<1x128xi32, #tpu.memory_space<vmem>>
          %dma_start3A_30 = tpu.memref_squeeze %dma_start3A_29 : memref<1x128xi32, #tpu.memory_space<vmem>> -> memref<128xi32, #tpu.memory_space<vmem>>
          %dma_start3A_31 = arith.constant 0 : i32
          %dma_start3A_32 = arith.constant 0 : i32
          %dma_start3A_33 = tpu.memref_slice %arg2[%dma_start3A_31, %dma_start3A_32] : memref<10000x64xf32, #tpu.memory_space<hbm>> -> memref<10000x64xf32, #tpu.memory_space<hbm>>
          tpu.enqueue_indirect_dma source(%dma_start3A_33 : memref<10000x64xf32, #tpu.memory_space<hbm>>) target(%arg10 : memref<128x64xf32, #tpu.memory_space<vmem>>) offsets(%dma_start3A_30 : memref<128xi32, #tpu.memory_space<vmem>>) semaphore(%run_scoped3A_28 : memref<!tpu.dma_semaphore, #tpu.memory_space<semaphore_mem>>)
          %dma_wait3A = arith.constant 0 : i32
          %dma_wait3A_34 = tpu.memref_slice %arg8[%add3A_27, %dma_wait3A] : memref<157x128xi32, #tpu.memory_space<vmem>> -> memref<1x128xi32, #tpu.memory_space<vmem>>
          %dma_wait3A_35 = tpu.memref_squeeze %dma_wait3A_34 : memref<1x128xi32, #tpu.memory_space<vmem>> -> memref<128xi32, #tpu.memory_space<vmem>>
          %dma_wait3A_36 = arith.constant 0 : i32
          %dma_wait3A_37 = arith.constant 0 : i32
          %dma_wait3A_38 = tpu.memref_slice %arg2[%dma_wait3A_36, %dma_wait3A_37] : memref<10000x64xf32, #tpu.memory_space<hbm>> -> memref<10000x64xf32, #tpu.memory_space<hbm>>
          tpu.wait_indirect_dma semaphore(%run_scoped3A_28 : memref<!tpu.dma_semaphore, #tpu.memory_space<semaphore_mem>>) src(%dma_wait3A_38 : memref<10000x64xf32, #tpu.memory_space<hbm>>) dst(%arg10 : memref<128x64xf32, #tpu.memory_space<vmem>>)
          tpu.yield
        }) : () -> ()
        "tpu.region"() ({
          %run_scoped3A_28 = tpu.sem_alloc : memref<!tpu.dma_semaphore, #tpu.memory_space<semaphore_mem>>
          %dma_start3A = arith.constant 0 : i32
          %dma_start3A_29 = tpu.memref_slice %arg9[%add3A_27, %dma_start3A] : memref<157x128xi32, #tpu.memory_space<vmem>> -> memref<1x128xi32, #tpu.memory_space<vmem>>
          %dma_start3A_30 = tpu.memref_squeeze %dma_start3A_29 : memref<1x128xi32, #tpu.memory_space<vmem>> -> memref<128xi32, #tpu.memory_space<vmem>>
          %dma_start3A_31 = arith.constant 0 : i32
          %dma_start3A_32 = arith.constant 0 : i32
          %dma_start3A_33 = tpu.memref_slice %arg11[%dma_start3A_31, %dma_start3A_32] : memref<10112x64xf32, #tpu.memory_space<vmem_shared>> -> memref<10112x64xf32, #tpu.memory_space<vmem_shared>>
          tpu.enqueue_indirect_dma source(%arg10 : memref<128x64xf32, #tpu.memory_space<vmem>>) target(%dma_start3A_33 : memref<10112x64xf32, #tpu.memory_space<vmem_shared>>) offsets(%dma_start3A_30 : memref<128xi32, #tpu.memory_space<vmem>>) semaphore(%run_scoped3A_28 : memref<!tpu.dma_semaphore, #tpu.memory_space<semaphore_mem>>) {add = true}
          %dma_wait3A = arith.constant 0 : i32
          %dma_wait3A_34 = tpu.memref_slice %arg9[%add3A_27, %dma_wait3A] : memref<157x128xi32, #tpu.memory_space<vmem>> -> memref<1x128xi32, #tpu.memory_space<vmem>>
          %dma_wait3A_35 = tpu.memref_squeeze %dma_wait3A_34 : memref<1x128xi32, #tpu.memory_space<vmem>> -> memref<128xi32, #tpu.memory_space<vmem>>
          %dma_wait3A_36 = arith.constant 0 : i32
          %dma_wait3A_37 = arith.constant 0 : i32
          %dma_wait3A_38 = tpu.memref_slice %arg11[%dma_wait3A_36, %dma_wait3A_37] : memref<10112x64xf32, #tpu.memory_space<vmem_shared>> -> memref<10112x64xf32, #tpu.memory_space<vmem_shared>>
          tpu.wait_indirect_dma semaphore(%run_scoped3A_28 : memref<!tpu.dma_semaphore, #tpu.memory_space<semaphore_mem>>) src(%arg10 : memref<128x64xf32, #tpu.memory_space<vmem>>) dst(%dma_wait3A_38 : memref<10112x64xf32, #tpu.memory_space<vmem_shared>>)
          tpu.yield
        }) : () -> ()
      }
      %scan3A_23 = arith.constant 157 : i32
    } else {
    }
    %eq3A_4 = arith.constant 1 : i32
    %eq3A_5 = arith.cmpi eq, %arg0, %eq3A_4 : i32
    %convert_element_type3A_6 = arith.extui %eq3A_5 : i1 to i32
    %cond3A_7 = arith.constant 0 : i32
    %cond3A_8 = arith.cmpi ne, %convert_element_type3A_6, %cond3A_7 : i32
    scf.if %cond3A_8 {
      %scan3A = arith.constant 0 : i32
      %scan3A_20 = arith.constant 157 : i32
      %scan3A_21 = arith.addi %scan3A, %scan3A_20 : i32
      %scan3A_22 = arith.constant 1 : i32
      scf.for %scan3A_24 = %scan3A to %scan3A_21 step %scan3A_22  : i32 {
        %mul3A_25 = arith.constant 1 : i32
        %mul3A_26 = arith.muli %scan3A_24, %mul3A_25 : i32
        %add3A = arith.constant 0 : i32
        %add3A_27 = arith.addi %add3A, %mul3A_26 : i32
        "tpu.region"() ({
          %run_scoped3A_28 = tpu.sem_alloc : memref<!tpu.dma_semaphore, #tpu.memory_space<semaphore_mem>>
          %dma_start3A = arith.constant 0 : i32
          %dma_start3A_29 = tpu.memref_slice %arg8[%add3A_27, %dma_start3A] : memref<157x128xi32, #tpu.memory_space<vmem>> -> memref<1x128xi32, #tpu.memory_space<vmem>>
          %dma_start3A_30 = tpu.memref_squeeze %dma_start3A_29 : memref<1x128xi32, #tpu.memory_space<vmem>> -> memref<128xi32, #tpu.memory_space<vmem>>
          %dma_start3A_31 = arith.constant 0 : i32
          %dma_start3A_32 = arith.constant 0 : i32
          %dma_start3A_33 = tpu.memref_slice %arg3[%dma_start3A_31, %dma_start3A_32] : memref<10000x64xf32, #tpu.memory_space<hbm>> -> memref<10000x64xf32, #tpu.memory_space<hbm>>
          tpu.enqueue_indirect_dma source(%dma_start3A_33 : memref<10000x64xf32, #tpu.memory_space<hbm>>) target(%arg10 : memref<128x64xf32, #tpu.memory_space<vmem>>) offsets(%dma_start3A_30 : memref<128xi32, #tpu.memory_space<vmem>>) semaphore(%run_scoped3A_28 : memref<!tpu.dma_semaphore, #tpu.memory_space<semaphore_mem>>)
          %dma_wait3A = arith.constant 0 : i32
          %dma_wait3A_34 = tpu.memref_slice %arg8[%add3A_27, %dma_wait3A] : memref<157x128xi32, #tpu.memory_space<vmem>> -> memref<1x128xi32, #tpu.memory_space<vmem>>
          %dma_wait3A_35 = tpu.memref_squeeze %dma_wait3A_34 : memref<1x128xi32, #tpu.memory_space<vmem>> -> memref<128xi32, #tpu.memory_space<vmem>>
          %dma_wait3A_36 = arith.constant 0 : i32
          %dma_wait3A_37 = arith.constant 0 : i32
          %dma_wait3A_38 = tpu.memref_slice %arg3[%dma_wait3A_36, %dma_wait3A_37] : memref<10000x64xf32, #tpu.memory_space<hbm>> -> memref<10000x64xf32, #tpu.memory_space<hbm>>
          tpu.wait_indirect_dma semaphore(%run_scoped3A_28 : memref<!tpu.dma_semaphore, #tpu.memory_space<semaphore_mem>>) src(%dma_wait3A_38 : memref<10000x64xf32, #tpu.memory_space<hbm>>) dst(%arg10 : memref<128x64xf32, #tpu.memory_space<vmem>>)
          tpu.yield
        }) : () -> ()
        "tpu.region"() ({
          %run_scoped3A_28 = tpu.sem_alloc : memref<!tpu.dma_semaphore, #tpu.memory_space<semaphore_mem>>
          %dma_start3A = arith.constant 0 : i32
          %dma_start3A_29 = tpu.memref_slice %arg9[%add3A_27, %dma_start3A] : memref<157x128xi32, #tpu.memory_space<vmem>> -> memref<1x128xi32, #tpu.memory_space<vmem>>
          %dma_start3A_30 = tpu.memref_squeeze %dma_start3A_29 : memref<1x128xi32, #tpu.memory_space<vmem>> -> memref<128xi32, #tpu.memory_space<vmem>>
          %dma_start3A_31 = arith.constant 0 : i32
          %dma_start3A_32 = arith.constant 0 : i32
          %dma_start3A_33 = tpu.memref_slice %arg11[%dma_start3A_31, %dma_start3A_32] : memref<10112x64xf32, #tpu.memory_space<vmem_shared>> -> memref<10112x64xf32, #tpu.memory_space<vmem_shared>>
          tpu.enqueue_indirect_dma source(%arg10 : memref<128x64xf32, #tpu.memory_space<vmem>>) target(%dma_start3A_33 : memref<10112x64xf32, #tpu.memory_space<vmem_shared>>) offsets(%dma_start3A_30 : memref<128xi32, #tpu.memory_space<vmem>>) semaphore(%run_scoped3A_28 : memref<!tpu.dma_semaphore, #tpu.memory_space<semaphore_mem>>) {add = true}
          %dma_wait3A = arith.constant 0 : i32
          %dma_wait3A_34 = tpu.memref_slice %arg9[%add3A_27, %dma_wait3A] : memref<157x128xi32, #tpu.memory_space<vmem>> -> memref<1x128xi32, #tpu.memory_space<vmem>>
          %dma_wait3A_35 = tpu.memref_squeeze %dma_wait3A_34 : memref<1x128xi32, #tpu.memory_space<vmem>> -> memref<128xi32, #tpu.memory_space<vmem>>
          %dma_wait3A_36 = arith.constant 0 : i32
          %dma_wait3A_37 = arith.constant 0 : i32
          %dma_wait3A_38 = tpu.memref_slice %arg11[%dma_wait3A_36, %dma_wait3A_37] : memref<10112x64xf32, #tpu.memory_space<vmem_shared>> -> memref<10112x64xf32, #tpu.memory_space<vmem_shared>>
          tpu.wait_indirect_dma semaphore(%run_scoped3A_28 : memref<!tpu.dma_semaphore, #tpu.memory_space<semaphore_mem>>) src(%arg10 : memref<128x64xf32, #tpu.memory_space<vmem>>) dst(%dma_wait3A_38 : memref<10112x64xf32, #tpu.memory_space<vmem_shared>>)
          tpu.yield
        }) : () -> ()
      }
      %scan3A_23 = arith.constant 157 : i32
    } else {
    }
    %barrier3A_9 = arith.constant 0 : index
    tpu.barrier barrier_id(%barrier3A_9)
    %eq3A_10 = arith.constant 0 : i32
    %eq3A_11 = arith.cmpi eq, %arg0, %eq3A_10 : i32
    %convert_element_type3A_12 = arith.extui %eq3A_11 : i1 to i32
    %cond3A_13 = arith.constant 0 : i32
    %cond3A_14 = arith.cmpi ne, %convert_element_type3A_12, %cond3A_13 : i32
    scf.if %cond3A_14 {
      "tpu.region"() ({
        %run_scoped3A_20 = tpu.sem_alloc : memref<!tpu.dma_semaphore, #tpu.memory_space<semaphore_mem>>
        %dma_start3A = arith.constant 0 : i32
        %dma_start3A_21 = tpu.memref_slice %arg6[%mul3A_0, %dma_start3A] : memref<10112x64xf32, #tpu.memory_space<hbm>> -> memref<632x64xf32, #tpu.memory_space<hbm>>
        %dma_start3A_22 = arith.constant 0 : i32
        %dma_start3A_23 = tpu.memref_slice %arg11[%mul3A_0, %dma_start3A_22] : memref<10112x64xf32, #tpu.memory_space<vmem_shared>> -> memref<632x64xf32, #tpu.memory_space<vmem_shared>>
        tpu.enqueue_dma source(%dma_start3A_23 : memref<632x64xf32, #tpu.memory_space<vmem_shared>>) target(%dma_start3A_21 : memref<632x64xf32, #tpu.memory_space<hbm>>) target_semaphore(%run_scoped3A_20 : memref<!tpu.dma_semaphore, #tpu.memory_space<semaphore_mem>>)
        %dma_wait3A = arith.constant 0 : i32
        %dma_wait3A_24 = tpu.memref_slice %arg6[%mul3A_0, %dma_wait3A] : memref<10112x64xf32, #tpu.memory_space<hbm>> -> memref<632x64xf32, #tpu.memory_space<hbm>>
        %dma_wait3A_25 = arith.constant 0 : i32
        %dma_wait3A_26 = tpu.memref_slice %arg11[%mul3A_0, %dma_wait3A_25] : memref<10112x64xf32, #tpu.memory_space<vmem_shared>> -> memref<632x64xf32, #tpu.memory_space<vmem_shared>>
        tpu.wait_dma2 semaphore(%run_scoped3A_20 : memref<!tpu.dma_semaphore, #tpu.memory_space<semaphore_mem>>) src(%dma_wait3A_26 : memref<632x64xf32, #tpu.memory_space<vmem_shared>>) dst(%dma_wait3A_24 : memref<632x64xf32, #tpu.memory_space<hbm>>)
        tpu.yield
      }) : () -> ()
    } else {
    }
    %eq3A_15 = arith.constant 1 : i32
    %eq3A_16 = arith.cmpi eq, %arg0, %eq3A_15 : i32
    %convert_element_type3A_17 = arith.extui %eq3A_16 : i1 to i32
    %cond3A_18 = arith.constant 0 : i32
    %cond3A_19 = arith.cmpi ne, %convert_element_type3A_17, %cond3A_18 : i32
    scf.if %cond3A_19 {
      "tpu.region"() ({
        %run_scoped3A_20 = tpu.sem_alloc : memref<!tpu.dma_semaphore, #tpu.memory_space<semaphore_mem>>
        %dma_start3A = arith.constant 0 : i32
        %dma_start3A_21 = tpu.memref_slice %arg7[%mul3A_0, %dma_start3A] : memref<10112x64xf32, #tpu.memory_space<hbm>> -> memref<632x64xf32, #tpu.memory_space<hbm>>
        %dma_start3A_22 = arith.constant 0 : i32
        %dma_start3A_23 = tpu.memref_slice %arg11[%mul3A_0, %dma_start3A_22] : memref<10112x64xf32, #tpu.memory_space<vmem_shared>> -> memref<632x64xf32, #tpu.memory_space<vmem_shared>>
        tpu.enqueue_dma source(%dma_start3A_23 : memref<632x64xf32, #tpu.memory_space<vmem_shared>>) target(%dma_start3A_21 : memref<632x64xf32, #tpu.memory_space<hbm>>) target_semaphore(%run_scoped3A_20 : memref<!tpu.dma_semaphore, #tpu.memory_space<semaphore_mem>>)
        %dma_wait3A = arith.constant 0 : i32
        %dma_wait3A_24 = tpu.memref_slice %arg7[%mul3A_0, %dma_wait3A] : memref<10112x64xf32, #tpu.memory_space<hbm>> -> memref<632x64xf32, #tpu.memory_space<hbm>>
        %dma_wait3A_25 = arith.constant 0 : i32
        %dma_wait3A_26 = tpu.memref_slice %arg11[%mul3A_0, %dma_wait3A_25] : memref<10112x64xf32, #tpu.memory_space<vmem_shared>> -> memref<632x64xf32, #tpu.memory_space<vmem_shared>>
        tpu.wait_dma2 semaphore(%run_scoped3A_20 : memref<!tpu.dma_semaphore, #tpu.memory_space<semaphore_mem>>) src(%dma_wait3A_26 : memref<632x64xf32, #tpu.memory_space<vmem_shared>>) dst(%dma_wait3A_24 : memref<632x64xf32, #tpu.memory_space<hbm>>)
        tpu.yield
      }) : () -> ()
    } else {
    }
    return
  }
}

#map = affine_map<(d0, d1) -> (0, 0)>
#map1 = affine_map<(d0, d1) -> (0, 0, 0, 0)>
module attributes {stable_mosaic.version = 14 : i64} {
  func.func @k(%arg0: i32, %arg1: i32, %arg2: memref<10000x64xf32, #tpu.memory_space<hbm>>, %arg3: memref<10000x64xf32, #tpu.memory_space<hbm>>, %arg4: memref<2x16x157x128xi32, #tpu.memory_space<hbm>>, %arg5: memref<632x64xf32, #tpu.memory_space<hbm>>, %arg6: memref<10112x64xf32, #tpu.memory_space<hbm>>, %arg7: memref<10112x64xf32, #tpu.memory_space<hbm>>, %arg8: memref<157x128xi32, #tpu.memory_space<vmem>>, %arg9: memref<157x128xi32, #tpu.memory_space<vmem>>, %arg10: memref<128x64xf32, #tpu.memory_space<vmem>>, %arg11: memref<10112x64xf32, #tpu.memory_space<vmem_shared>>) attributes {dimension_semantics = [#tpu.dimension_semantics<core_parallel>, #tpu.dimension_semantics<subcore_parallel>], iteration_bounds = array<i64: 2, 16>, scalar_prefetch = 0 : i64, scratch_operands = 4 : i64, tpu.core_type = #tpu.core_type<sc_vector_subcore>, window_params = [{transform_indices = #map}, {transform_indices = #map}, {transform_indices = #map1}, {transform_indices = #map}, {transform_indices = #map}, {transform_indices = #map}]} {
    %mul3A = arith.constant 632 : i32
    %mul3A_0 = arith.muli %arg1, %mul3A : i32
    "tpu.region"() ({
      %run_scoped3A_20 = tpu.sem_alloc : memref<!tpu.dma_semaphore, #tpu.memory_space<semaphore_mem>>
      %dma_start3A = arith.constant 0 : i32
      %dma_start3A_21 = tpu.memref_slice %arg11[%mul3A_0, %dma_start3A] : memref<10112x64xf32, #tpu.memory_space<vmem_shared>> -> memref<632x64xf32, #tpu.memory_space<vmem_shared>>
      tpu.enqueue_dma source(%arg5 : memref<632x64xf32, #tpu.memory_space<hbm>>) target(%dma_start3A_21 : memref<632x64xf32, #tpu.memory_space<vmem_shared>>) target_semaphore(%run_scoped3A_20 : memref<!tpu.dma_semaphore, #tpu.memory_space<semaphore_mem>>)
      %dma_wait3A = arith.constant 0 : i32
      %dma_wait3A_22 = tpu.memref_slice %arg11[%mul3A_0, %dma_wait3A] : memref<10112x64xf32, #tpu.memory_space<vmem_shared>> -> memref<632x64xf32, #tpu.memory_space<vmem_shared>>
      tpu.wait_dma2 semaphore(%run_scoped3A_20 : memref<!tpu.dma_semaphore, #tpu.memory_space<semaphore_mem>>) src(%arg5 : memref<632x64xf32, #tpu.memory_space<hbm>>) dst(%dma_wait3A_22 : memref<632x64xf32, #tpu.memory_space<vmem_shared>>)
      tpu.yield
    }) : () -> ()
    %run_scoped3A = arith.constant 0 : i32
    "tpu.region"() ({
      %run_scoped3A_20 = tpu.sem_alloc : memref<!tpu.dma_semaphore, #tpu.memory_space<semaphore_mem>>
      %dma_start3A = arith.constant 0 : i32
      %dma_start3A_21 = arith.constant 0 : i32
      %dma_start3A_22 = tpu.memref_slice %arg4[%run_scoped3A, %arg1, %dma_start3A, %dma_start3A_21] : memref<2x16x157x128xi32, #tpu.memory_space<hbm>> -> memref<1x1x157x128xi32, #tpu.memory_space<hbm>>
      %dma_start3A_23 = tpu.memref_squeeze %dma_start3A_22 : memref<1x1x157x128xi32, #tpu.memory_space<hbm>> -> memref<157x128xi32, #tpu.memory_space<hbm>>
      %dma_start3A_24 = arith.constant 0 : i32
      %dma_start3A_25 = arith.constant 0 : i32
      %dma_start3A_26 = tpu.memref_slice %arg4[%run_scoped3A, %arg1, %dma_start3A_24, %dma_start3A_25] : memref<2x16x157x128xi32, #tpu.memory_space<hbm>> -> memref<1x1x157x128xi32, #tpu.memory_space<hbm>>
      %dma_start3A_27 = tpu.memref_squeeze %dma_start3A_26 : memref<1x1x157x128xi32, #tpu.memory_space<hbm>> -> memref<157x128xi32, #tpu.memory_space<hbm>>
      tpu.enqueue_dma source(%dma_start3A_27 : memref<157x128xi32, #tpu.memory_space<hbm>>) target(%arg8 : memref<157x128xi32, #tpu.memory_space<vmem>>) target_semaphore(%run_scoped3A_20 : memref<!tpu.dma_semaphore, #tpu.memory_space<semaphore_mem>>)
      %dma_wait3A = arith.constant 0 : i32
      %dma_wait3A_28 = arith.constant 0 : i32
      %dma_wait3A_29 = tpu.memref_slice %arg4[%run_scoped3A, %arg1, %dma_wait3A, %dma_wait3A_28] : memref<2x16x157x128xi32, #tpu.memory_space<hbm>> -> memref<1x1x157x128xi32, #tpu.memory_space<hbm>>
      %dma_wait3A_30 = tpu.memref_squeeze %dma_wait3A_29 : memref<1x1x157x128xi32, #tpu.memory_space<hbm>> -> memref<157x128xi32, #tpu.memory_space<hbm>>
      %dma_wait3A_31 = arith.constant 0 : i32
      %dma_wait3A_32 = arith.constant 0 : i32
      %dma_wait3A_33 = tpu.memref_slice %arg4[%run_scoped3A, %arg1, %dma_wait3A_31, %dma_wait3A_32] : memref<2x16x157x128xi32, #tpu.memory_space<hbm>> -> memref<1x1x157x128xi32, #tpu.memory_space<hbm>>
      %dma_wait3A_34 = tpu.memref_squeeze %dma_wait3A_33 : memref<1x1x157x128xi32, #tpu.memory_space<hbm>> -> memref<157x128xi32, #tpu.memory_space<hbm>>
      tpu.wait_dma2 semaphore(%run_scoped3A_20 : memref<!tpu.dma_semaphore, #tpu.memory_space<semaphore_mem>>) src(%dma_wait3A_34 : memref<157x128xi32, #tpu.memory_space<hbm>>) dst(%arg8 : memref<157x128xi32, #tpu.memory_space<vmem>>)
      tpu.yield
    }) : () -> ()
    %run_scoped3A_1 = arith.constant 1 : i32
    "tpu.region"() ({
      %run_scoped3A_20 = tpu.sem_alloc : memref<!tpu.dma_semaphore, #tpu.memory_space<semaphore_mem>>
      %dma_start3A = arith.constant 0 : i32
      %dma_start3A_21 = arith.constant 0 : i32
      %dma_start3A_22 = tpu.memref_slice %arg4[%run_scoped3A_1, %arg1, %dma_start3A, %dma_start3A_21] : memref<2x16x157x128xi32, #tpu.memory_space<hbm>> -> memref<1x1x157x128xi32, #tpu.memory_space<hbm>>
      %dma_start3A_23 = tpu.memref_squeeze %dma_start3A_22 : memref<1x1x157x128xi32, #tpu.memory_space<hbm>> -> memref<157x128xi32, #tpu.memory_space<hbm>>
      %dma_start3A_24 = arith.constant 0 : i32
      %dma_start3A_25 = arith.constant 0 : i32
      %dma_start3A_26 = tpu.memref_slice %arg4[%run_scoped3A_1, %arg1, %dma_start3A_24, %dma_start3A_25] : memref<2x16x157x128xi32, #tpu.memory_space<hbm>> -> memref<1x1x157x128xi32, #tpu.memory_space<hbm>>
      %dma_start3A_27 = tpu.memref_squeeze %dma_start3A_26 : memref<1x1x157x128xi32, #tpu.memory_space<hbm>> -> memref<157x128xi32, #tpu.memory_space<hbm>>
      tpu.enqueue_dma source(%dma_start3A_27 : memref<157x128xi32, #tpu.memory_space<hbm>>) target(%arg9 : memref<157x128xi32, #tpu.memory_space<vmem>>) target_semaphore(%run_scoped3A_20 : memref<!tpu.dma_semaphore, #tpu.memory_space<semaphore_mem>>)
      %dma_wait3A = arith.constant 0 : i32
      %dma_wait3A_28 = arith.constant 0 : i32
      %dma_wait3A_29 = tpu.memref_slice %arg4[%run_scoped3A_1, %arg1, %dma_wait3A, %dma_wait3A_28] : memref<2x16x157x128xi32, #tpu.memory_space<hbm>> -> memref<1x1x157x128xi32, #tpu.memory_space<hbm>>
      %dma_wait3A_30 = tpu.memref_squeeze %dma_wait3A_29 : memref<1x1x157x128xi32, #tpu.memory_space<hbm>> -> memref<157x128xi32, #tpu.memory_space<hbm>>
      %dma_wait3A_31 = arith.constant 0 : i32
      %dma_wait3A_32 = arith.constant 0 : i32
      %dma_wait3A_33 = tpu.memref_slice %arg4[%run_scoped3A_1, %arg1, %dma_wait3A_31, %dma_wait3A_32] : memref<2x16x157x128xi32, #tpu.memory_space<hbm>> -> memref<1x1x157x128xi32, #tpu.memory_space<hbm>>
      %dma_wait3A_34 = tpu.memref_squeeze %dma_wait3A_33 : memref<1x1x157x128xi32, #tpu.memory_space<hbm>> -> memref<157x128xi32, #tpu.memory_space<hbm>>
      tpu.wait_dma2 semaphore(%run_scoped3A_20 : memref<!tpu.dma_semaphore, #tpu.memory_space<semaphore_mem>>) src(%dma_wait3A_34 : memref<157x128xi32, #tpu.memory_space<hbm>>) dst(%arg9 : memref<157x128xi32, #tpu.memory_space<vmem>>)
      tpu.yield
    }) : () -> ()
    %barrier3A = arith.constant 0 : index
    tpu.barrier barrier_id(%barrier3A)
    %eq3A = arith.constant 0 : i32
    %eq3A_2 = arith.cmpi eq, %arg0, %eq3A : i32
    %convert_element_type3A = arith.extui %eq3A_2 : i1 to i32
    %cond3A = arith.constant 0 : i32
    %cond3A_3 = arith.cmpi ne, %convert_element_type3A, %cond3A : i32
    scf.if %cond3A_3 {
      %scan3A = arith.constant 0 : i32
      %scan3A_20 = arith.constant 157 : i32
      %scan3A_21 = arith.addi %scan3A, %scan3A_20 : i32
      %scan3A_22 = arith.constant 1 : i32
      scf.for %scan3A_24 = %scan3A to %scan3A_21 step %scan3A_22  : i32 {
        %mul3A_25 = arith.constant 1 : i32
        %mul3A_26 = arith.muli %scan3A_24, %mul3A_25 : i32
        %add3A = arith.constant 0 : i32
        %add3A_27 = arith.addi %add3A, %mul3A_26 : i32
        "tpu.region"() ({
          %run_scoped3A_28 = tpu.sem_alloc : memref<!tpu.dma_semaphore, #tpu.memory_space<semaphore_mem>>
          %dma_start3A = arith.constant 0 : i32
          %dma_start3A_29 = tpu.memref_slice %arg8[%add3A_27, %dma_start3A] : memref<157x128xi32, #tpu.memory_space<vmem>> -> memref<1x128xi32, #tpu.memory_space<vmem>>
          %dma_start3A_30 = tpu.memref_squeeze %dma_start3A_29 : memref<1x128xi32, #tpu.memory_space<vmem>> -> memref<128xi32, #tpu.memory_space<vmem>>
          %dma_start3A_31 = arith.constant 0 : i32
          %dma_start3A_32 = arith.constant 0 : i32
          %dma_start3A_33 = tpu.memref_slice %arg2[%dma_start3A_31, %dma_start3A_32] : memref<10000x64xf32, #tpu.memory_space<hbm>> -> memref<10000x64xf32, #tpu.memory_space<hbm>>
          tpu.enqueue_indirect_dma source(%dma_start3A_33 : memref<10000x64xf32, #tpu.memory_space<hbm>>) target(%arg10 : memref<128x64xf32, #tpu.memory_space<vmem>>) offsets(%dma_start3A_30 : memref<128xi32, #tpu.memory_space<vmem>>) semaphore(%run_scoped3A_28 : memref<!tpu.dma_semaphore, #tpu.memory_space<semaphore_mem>>)
          %dma_wait3A = arith.constant 0 : i32
          %dma_wait3A_34 = tpu.memref_slice %arg8[%add3A_27, %dma_wait3A] : memref<157x128xi32, #tpu.memory_space<vmem>> -> memref<1x128xi32, #tpu.memory_space<vmem>>
          %dma_wait3A_35 = tpu.memref_squeeze %dma_wait3A_34 : memref<1x128xi32, #tpu.memory_space<vmem>> -> memref<128xi32, #tpu.memory_space<vmem>>
          %dma_wait3A_36 = arith.constant 0 : i32
          %dma_wait3A_37 = arith.constant 0 : i32
          %dma_wait3A_38 = tpu.memref_slice %arg2[%dma_wait3A_36, %dma_wait3A_37] : memref<10000x64xf32, #tpu.memory_space<hbm>> -> memref<10000x64xf32, #tpu.memory_space<hbm>>
          tpu.wait_indirect_dma semaphore(%run_scoped3A_28 : memref<!tpu.dma_semaphore, #tpu.memory_space<semaphore_mem>>) src(%dma_wait3A_38 : memref<10000x64xf32, #tpu.memory_space<hbm>>) dst(%arg10 : memref<128x64xf32, #tpu.memory_space<vmem>>)
          tpu.yield
        }) : () -> ()
        "tpu.region"() ({
          %run_scoped3A_28 = tpu.sem_alloc : memref<!tpu.dma_semaphore, #tpu.memory_space<semaphore_mem>>
          %dma_start3A = arith.constant 0 : i32
          %dma_start3A_29 = tpu.memref_slice %arg9[%add3A_27, %dma_start3A] : memref<157x128xi32, #tpu.memory_space<vmem>> -> memref<1x128xi32, #tpu.memory_space<vmem>>
          %dma_start3A_30 = tpu.memref_squeeze %dma_start3A_29 : memref<1x128xi32, #tpu.memory_space<vmem>> -> memref<128xi32, #tpu.memory_space<vmem>>
          %dma_start3A_31 = arith.constant 0 : i32
          %dma_start3A_32 = arith.constant 0 : i32
          %dma_start3A_33 = tpu.memref_slice %arg11[%dma_start3A_31, %dma_start3A_32] : memref<10112x64xf32, #tpu.memory_space<vmem_shared>> -> memref<10112x64xf32, #tpu.memory_space<vmem_shared>>
          tpu.enqueue_indirect_dma source(%arg10 : memref<128x64xf32, #tpu.memory_space<vmem>>) target(%dma_start3A_33 : memref<10112x64xf32, #tpu.memory_space<vmem_shared>>) offsets(%dma_start3A_30 : memref<128xi32, #tpu.memory_space<vmem>>) semaphore(%run_scoped3A_28 : memref<!tpu.dma_semaphore, #tpu.memory_space<semaphore_mem>>) {add = true}
          %dma_wait3A = arith.constant 0 : i32
          %dma_wait3A_34 = tpu.memref_slice %arg9[%add3A_27, %dma_wait3A] : memref<157x128xi32, #tpu.memory_space<vmem>> -> memref<1x128xi32, #tpu.memory_space<vmem>>
          %dma_wait3A_35 = tpu.memref_squeeze %dma_wait3A_34 : memref<1x128xi32, #tpu.memory_space<vmem>> -> memref<128xi32, #tpu.memory_space<vmem>>
          %dma_wait3A_36 = arith.constant 0 : i32
          %dma_wait3A_37 = arith.constant 0 : i32
          %dma_wait3A_38 = tpu.memref_slice %arg11[%dma_wait3A_36, %dma_wait3A_37] : memref<10112x64xf32, #tpu.memory_space<vmem_shared>> -> memref<10112x64xf32, #tpu.memory_space<vmem_shared>>
          tpu.wait_indirect_dma semaphore(%run_scoped3A_28 : memref<!tpu.dma_semaphore, #tpu.memory_space<semaphore_mem>>) src(%arg10 : memref<128x64xf32, #tpu.memory_space<vmem>>) dst(%dma_wait3A_38 : memref<10112x64xf32, #tpu.memory_space<vmem_shared>>)
          tpu.yield
        }) : () -> ()
      }
      %scan3A_23 = arith.constant 157 : i32
    } else {
    }
    %eq3A_4 = arith.constant 1 : i32
    %eq3A_5 = arith.cmpi eq, %arg0, %eq3A_4 : i32
    %convert_element_type3A_6 = arith.extui %eq3A_5 : i1 to i32
    %cond3A_7 = arith.constant 0 : i32
    %cond3A_8 = arith.cmpi ne, %convert_element_type3A_6, %cond3A_7 : i32
    scf.if %cond3A_8 {
      %scan3A = arith.constant 0 : i32
      %scan3A_20 = arith.constant 157 : i32
      %scan3A_21 = arith.addi %scan3A, %scan3A_20 : i32
      %scan3A_22 = arith.constant 1 : i32
      scf.for %scan3A_24 = %scan3A to %scan3A_21 step %scan3A_22  : i32 {
        %mul3A_25 = arith.constant 1 : i32
        %mul3A_26 = arith.muli %scan3A_24, %mul3A_25 : i32
        %add3A = arith.constant 0 : i32
        %add3A_27 = arith.addi %add3A, %mul3A_26 : i32
        "tpu.region"() ({
          %run_scoped3A_28 = tpu.sem_alloc : memref<!tpu.dma_semaphore, #tpu.memory_space<semaphore_mem>>
          %dma_start3A = arith.constant 0 : i32
          %dma_start3A_29 = tpu.memref_slice %arg8[%add3A_27, %dma_start3A] : memref<157x128xi32, #tpu.memory_space<vmem>> -> memref<1x128xi32, #tpu.memory_space<vmem>>
          %dma_start3A_30 = tpu.memref_squeeze %dma_start3A_29 : memref<1x128xi32, #tpu.memory_space<vmem>> -> memref<128xi32, #tpu.memory_space<vmem>>
          %dma_start3A_31 = arith.constant 0 : i32
          %dma_start3A_32 = arith.constant 0 : i32
          %dma_start3A_33 = tpu.memref_slice %arg3[%dma_start3A_31, %dma_start3A_32] : memref<10000x64xf32, #tpu.memory_space<hbm>> -> memref<10000x64xf32, #tpu.memory_space<hbm>>
          tpu.enqueue_indirect_dma source(%dma_start3A_33 : memref<10000x64xf32, #tpu.memory_space<hbm>>) target(%arg10 : memref<128x64xf32, #tpu.memory_space<vmem>>) offsets(%dma_start3A_30 : memref<128xi32, #tpu.memory_space<vmem>>) semaphore(%run_scoped3A_28 : memref<!tpu.dma_semaphore, #tpu.memory_space<semaphore_mem>>)
          %dma_wait3A = arith.constant 0 : i32
          %dma_wait3A_34 = tpu.memref_slice %arg8[%add3A_27, %dma_wait3A] : memref<157x128xi32, #tpu.memory_space<vmem>> -> memref<1x128xi32, #tpu.memory_space<vmem>>
          %dma_wait3A_35 = tpu.memref_squeeze %dma_wait3A_34 : memref<1x128xi32, #tpu.memory_space<vmem>> -> memref<128xi32, #tpu.memory_space<vmem>>
          %dma_wait3A_36 = arith.constant 0 : i32
          %dma_wait3A_37 = arith.constant 0 : i32
          %dma_wait3A_38 = tpu.memref_slice %arg3[%dma_wait3A_36, %dma_wait3A_37] : memref<10000x64xf32, #tpu.memory_space<hbm>> -> memref<10000x64xf32, #tpu.memory_space<hbm>>
          tpu.wait_indirect_dma semaphore(%run_scoped3A_28 : memref<!tpu.dma_semaphore, #tpu.memory_space<semaphore_mem>>) src(%dma_wait3A_38 : memref<10000x64xf32, #tpu.memory_space<hbm>>) dst(%arg10 : memref<128x64xf32, #tpu.memory_space<vmem>>)
          tpu.yield
        }) : () -> ()
        "tpu.region"() ({
          %run_scoped3A_28 = tpu.sem_alloc : memref<!tpu.dma_semaphore, #tpu.memory_space<semaphore_mem>>
          %dma_start3A = arith.constant 0 : i32
          %dma_start3A_29 = tpu.memref_slice %arg9[%add3A_27, %dma_start3A] : memref<157x128xi32, #tpu.memory_space<vmem>> -> memref<1x128xi32, #tpu.memory_space<vmem>>
          %dma_start3A_30 = tpu.memref_squeeze %dma_start3A_29 : memref<1x128xi32, #tpu.memory_space<vmem>> -> memref<128xi32, #tpu.memory_space<vmem>>
          %dma_start3A_31 = arith.constant 0 : i32
          %dma_start3A_32 = arith.constant 0 : i32
          %dma_start3A_33 = tpu.memref_slice %arg11[%dma_start3A_31, %dma_start3A_32] : memref<10112x64xf32, #tpu.memory_space<vmem_shared>> -> memref<10112x64xf32, #tpu.memory_space<vmem_shared>>
          tpu.enqueue_indirect_dma source(%arg10 : memref<128x64xf32, #tpu.memory_space<vmem>>) target(%dma_start3A_33 : memref<10112x64xf32, #tpu.memory_space<vmem_shared>>) offsets(%dma_start3A_30 : memref<128xi32, #tpu.memory_space<vmem>>) semaphore(%run_scoped3A_28 : memref<!tpu.dma_semaphore, #tpu.memory_space<semaphore_mem>>) {add = true}
          %dma_wait3A = arith.constant 0 : i32
          %dma_wait3A_34 = tpu.memref_slice %arg9[%add3A_27, %dma_wait3A] : memref<157x128xi32, #tpu.memory_space<vmem>> -> memref<1x128xi32, #tpu.memory_space<vmem>>
          %dma_wait3A_35 = tpu.memref_squeeze %dma_wait3A_34 : memref<1x128xi32, #tpu.memory_space<vmem>> -> memref<128xi32, #tpu.memory_space<vmem>>
          %dma_wait3A_36 = arith.constant 0 : i32
          %dma_wait3A_37 = arith.constant 0 : i32
          %dma_wait3A_38 = tpu.memref_slice %arg11[%dma_wait3A_36, %dma_wait3A_37] : memref<10112x64xf32, #tpu.memory_space<vmem_shared>> -> memref<10112x64xf32, #tpu.memory_space<vmem_shared>>
          tpu.wait_indirect_dma semaphore(%run_scoped3A_28 : memref<!tpu.dma_semaphore, #tpu.memory_space<semaphore_mem>>) src(%arg10 : memref<128x64xf32, #tpu.memory_space<vmem>>) dst(%dma_wait3A_38 : memref<10112x64xf32, #tpu.memory_space<vmem_shared>>)
          tpu.yield
        }) : () -> ()
      }
      %scan3A_23 = arith.constant 157 : i32
    } else {
    }
    %barrier3A_9 = arith.constant 0 : index
    tpu.barrier barrier_id(%barrier3A_9)
    %eq3A_10 = arith.constant 0 : i32
    %eq3A_11 = arith.cmpi eq, %arg0, %eq3A_10 : i32
    %convert_element_type3A_12 = arith.extui %eq3A_11 : i1 to i32
    %cond3A_13 = arith.constant 0 : i32
    %cond3A_14 = arith.cmpi ne, %convert_element_type3A_12, %cond3A_13 : i32
    scf.if %cond3A_14 {
      "tpu.region"() ({
        %run_scoped3A_20 = tpu.sem_alloc : memref<!tpu.dma_semaphore, #tpu.memory_space<semaphore_mem>>
        %dma_start3A = arith.constant 0 : i32
        %dma_start3A_21 = tpu.memref_slice %arg6[%mul3A_0, %dma_start3A] : memref<10112x64xf32, #tpu.memory_space<hbm>> -> memref<632x64xf32, #tpu.memory_space<hbm>>
        %dma_start3A_22 = arith.constant 0 : i32
        %dma_start3A_23 = tpu.memref_slice %arg11[%mul3A_0, %dma_start3A_22] : memref<10112x64xf32, #tpu.memory_space<vmem_shared>> -> memref<632x64xf32, #tpu.memory_space<vmem_shared>>
        tpu.enqueue_dma source(%dma_start3A_23 : memref<632x64xf32, #tpu.memory_space<vmem_shared>>) target(%dma_start3A_21 : memref<632x64xf32, #tpu.memory_space<hbm>>) target_semaphore(%run_scoped3A_20 : memref<!tpu.dma_semaphore, #tpu.memory_space<semaphore_mem>>)
        %dma_wait3A = arith.constant 0 : i32
        %dma_wait3A_24 = tpu.memref_slice %arg6[%mul3A_0, %dma_wait3A] : memref<10112x64xf32, #tpu.memory_space<hbm>> -> memref<632x64xf32, #tpu.memory_space<hbm>>
        %dma_wait3A_25 = arith.constant 0 : i32
        %dma_wait3A_26 = tpu.memref_slice %arg11[%mul3A_0, %dma_wait3A_25] : memref<10112x64xf32, #tpu.memory_space<vmem_shared>> -> memref<632x64xf32, #tpu.memory_space<vmem_shared>>
        tpu.wait_dma2 semaphore(%run_scoped3A_20 : memref<!tpu.dma_semaphore, #tpu.memory_space<semaphore_mem>>) src(%dma_wait3A_26 : memref<632x64xf32, #tpu.memory_space<vmem_shared>>) dst(%dma_wait3A_24 : memref<632x64xf32, #tpu.memory_space<hbm>>)
        tpu.yield
      }) : () -> ()
    } else {
    }
    %eq3A_15 = arith.constant 1 : i32
    %eq3A_16 = arith.cmpi eq, %arg0, %eq3A_15 : i32
    %convert_element_type3A_17 = arith.extui %eq3A_16 : i1 to i32
    %cond3A_18 = arith.constant 0 : i32
    %cond3A_19 = arith.cmpi ne, %convert_element_type3A_17, %cond3A_18 : i32
    scf.if %cond3A_19 {
      "tpu.region"() ({
        %run_scoped3A_20 = tpu.sem_alloc : memref<!tpu.dma_semaphore, #tpu.memory_space<semaphore_mem>>
        %dma_start3A = arith.constant 0 : i32
        %dma_start3A_21 = tpu.memref_slice %arg7[%mul3A_0, %dma_start3A] : memref<10112x64xf32, #tpu.memory_space<hbm>> -> memref<632x64xf32, #tpu.memory_space<hbm>>
        %dma_start3A_22 = arith.constant 0 : i32
        %dma_start3A_23 = tpu.memref_slice %arg11[%mul3A_0, %dma_start3A_22] : memref<10112x64xf32, #tpu.memory_space<vmem_shared>> -> memref<632x64xf32, #tpu.memory_space<vmem_shared>>
        tpu.enqueue_dma source(%dma_start3A_23 : memref<632x64xf32, #tpu.memory_space<vmem_shared>>) target(%dma_start3A_21 : memref<632x64xf32, #tpu.memory_space<hbm>>) target_semaphore(%run_scoped3A_20 : memref<!tpu.dma_semaphore, #tpu.memory_space<semaphore_mem>>)
        %dma_wait3A = arith.constant 0 : i32
        %dma_wait3A_24 = tpu.memref_slice %arg7[%mul3A_0, %dma_wait3A] : memref<10112x64xf32, #tpu.memory_space<hbm>> -> memref<632x64xf32, #tpu.memory_space<hbm>>
        %dma_wait3A_25 = arith.constant 0 : i32
        %dma_wait3A_26 = tpu.memref_slice %arg11[%mul3A_0, %dma_wait3A_25] : memref<10112x64xf32, #tpu.memory_space<vmem_shared>> -> memref<632x64xf32, #tpu.memory_space<vmem_shared>>
        tpu.wait_dma2 semaphore(%run_scoped3A_20 : memref<!tpu.dma_semaphore, #tpu.memory_space<semaphore_mem>>) src(%dma_wait3A_26 : memref<632x64xf32, #tpu.memory_space<vmem_shared>>) dst(%dma_wait3A_24 : memref<632x64xf32, #tpu.memory_space<hbm>>)
        tpu.yield
      }) : () -> ()
    } else {
    }
    return
  }
}

#map = affine_map<(d0, d1) -> (0, 0)>
#map1 = affine_map<(d0, d1) -> (0, 0, 0, 0)>
module attributes {stable_mosaic.version = 14 : i64} {
  func.func @k(%arg0: i32, %arg1: i32, %arg2: memref<10000x64xf32, #tpu.memory_space<hbm>>, %arg3: memref<10000x64xf32, #tpu.memory_space<hbm>>, %arg4: memref<2x16x157x128xi32, #tpu.memory_space<hbm>>, %arg5: memref<2x16x157x128xi32, #tpu.memory_space<hbm>>, %arg6: memref<16x157x128x16xf32, #tpu.memory_space<hbm>>, %arg7: memref<632x64xf32, #tpu.memory_space<hbm>>, %arg8: memref<632x16xf32, #tpu.memory_space<hbm>>, %arg9: memref<128x16xf32, #tpu.memory_space<hbm>>, %arg10: memref<10112x64xf32, #tpu.memory_space<hbm>>, %arg11: memref<10112x64xf32, #tpu.memory_space<hbm>>, %arg12: memref<10112x16xf32, #tpu.memory_space<hbm>>, %arg13: memref<10112x16xf32, #tpu.memory_space<hbm>>, %arg14: memref<157x128xi32, #tpu.memory_space<vmem>>, %arg15: memref<157x128xi32, #tpu.memory_space<vmem>>, %arg16: memref<157x128xi32, #tpu.memory_space<vmem>>, %arg17: memref<128x64xf32, #tpu.memory_space<vmem>>, %arg18: memref<128x16xf32, #tpu.memory_space<vmem>>, %arg19: memref<128x16xf32, #tpu.memory_space<vmem>>, %arg20: memref<10112x64xf32, #tpu.memory_space<vmem_shared>>, %arg21: memref<10112x16xf32, #tpu.memory_space<vmem_shared>>) attributes {dimension_semantics = [#tpu.dimension_semantics<core_parallel>, #tpu.dimension_semantics<subcore_parallel>], iteration_bounds = array<i64: 2, 16>, scalar_prefetch = 0 : i64, scratch_operands = 8 : i64, tpu.core_type = #tpu.core_type<sc_vector_subcore>, window_params = [{transform_indices = #map}, {transform_indices = #map}, {transform_indices = #map1}, {transform_indices = #map1}, {transform_indices = #map1}, {transform_indices = #map}, {transform_indices = #map}, {transform_indices = #map}, {transform_indices = #map}, {transform_indices = #map}, {transform_indices = #map}, {transform_indices = #map}]} {
    %mul3A = arith.constant 632 : i32
    %mul3A_0 = arith.muli %arg1, %mul3A : i32
    "tpu.region"() ({
      %run_scoped3A_22 = tpu.sem_alloc : memref<!tpu.dma_semaphore, #tpu.memory_space<semaphore_mem>>
      %dma_start3A = arith.constant 0 : i32
      %dma_start3A_23 = tpu.memref_slice %arg20[%mul3A_0, %dma_start3A] : memref<10112x64xf32, #tpu.memory_space<vmem_shared>> -> memref<632x64xf32, #tpu.memory_space<vmem_shared>>
      tpu.enqueue_dma source(%arg7 : memref<632x64xf32, #tpu.memory_space<hbm>>) target(%dma_start3A_23 : memref<632x64xf32, #tpu.memory_space<vmem_shared>>) target_semaphore(%run_scoped3A_22 : memref<!tpu.dma_semaphore, #tpu.memory_space<semaphore_mem>>)
      %dma_wait3A = arith.constant 0 : i32
      %dma_wait3A_24 = tpu.memref_slice %arg20[%mul3A_0, %dma_wait3A] : memref<10112x64xf32, #tpu.memory_space<vmem_shared>> -> memref<632x64xf32, #tpu.memory_space<vmem_shared>>
      tpu.wait_dma2 semaphore(%run_scoped3A_22 : memref<!tpu.dma_semaphore, #tpu.memory_space<semaphore_mem>>) src(%arg7 : memref<632x64xf32, #tpu.memory_space<hbm>>) dst(%dma_wait3A_24 : memref<632x64xf32, #tpu.memory_space<vmem_shared>>)
      tpu.yield
    }) : () -> ()
    "tpu.region"() ({
      %run_scoped3A_22 = tpu.sem_alloc : memref<!tpu.dma_semaphore, #tpu.memory_space<semaphore_mem>>
      %dma_start3A = arith.constant 0 : i32
      %dma_start3A_23 = tpu.memref_slice %arg21[%mul3A_0, %dma_start3A] : memref<10112x16xf32, #tpu.memory_space<vmem_shared>> -> memref<632x16xf32, #tpu.memory_space<vmem_shared>>
      tpu.enqueue_dma source(%arg8 : memref<632x16xf32, #tpu.memory_space<hbm>>) target(%dma_start3A_23 : memref<632x16xf32, #tpu.memory_space<vmem_shared>>) target_semaphore(%run_scoped3A_22 : memref<!tpu.dma_semaphore, #tpu.memory_space<semaphore_mem>>)
      %dma_wait3A = arith.constant 0 : i32
      %dma_wait3A_24 = tpu.memref_slice %arg21[%mul3A_0, %dma_wait3A] : memref<10112x16xf32, #tpu.memory_space<vmem_shared>> -> memref<632x16xf32, #tpu.memory_space<vmem_shared>>
      tpu.wait_dma2 semaphore(%run_scoped3A_22 : memref<!tpu.dma_semaphore, #tpu.memory_space<semaphore_mem>>) src(%arg8 : memref<632x16xf32, #tpu.memory_space<hbm>>) dst(%dma_wait3A_24 : memref<632x16xf32, #tpu.memory_space<vmem_shared>>)
      tpu.yield
    }) : () -> ()
    "tpu.region"() ({
      %run_scoped3A_22 = tpu.sem_alloc : memref<!tpu.dma_semaphore, #tpu.memory_space<semaphore_mem>>
      tpu.enqueue_dma source(%arg9 : memref<128x16xf32, #tpu.memory_space<hbm>>) target(%arg19 : memref<128x16xf32, #tpu.memory_space<vmem>>) target_semaphore(%run_scoped3A_22 : memref<!tpu.dma_semaphore, #tpu.memory_space<semaphore_mem>>)
      tpu.wait_dma2 semaphore(%run_scoped3A_22 : memref<!tpu.dma_semaphore, #tpu.memory_space<semaphore_mem>>) src(%arg9 : memref<128x16xf32, #tpu.memory_space<hbm>>) dst(%arg19 : memref<128x16xf32, #tpu.memory_space<vmem>>)
      tpu.yield
    }) : () -> ()
    %barrier3A = arith.constant 0 : index
    tpu.barrier barrier_id(%barrier3A)
    %run_scoped3A = arith.constant 0 : i32
    "tpu.region"() ({
      %run_scoped3A_22 = tpu.sem_alloc : memref<!tpu.dma_semaphore, #tpu.memory_space<semaphore_mem>>
      %dma_start3A = arith.constant 0 : i32
      %dma_start3A_23 = arith.constant 0 : i32
      %dma_start3A_24 = tpu.memref_slice %arg4[%run_scoped3A, %arg1, %dma_start3A, %dma_start3A_23] : memref<2x16x157x128xi32, #tpu.memory_space<hbm>> -> memref<1x1x157x128xi32, #tpu.memory_space<hbm>>
      %dma_start3A_25 = tpu.memref_squeeze %dma_start3A_24 : memref<1x1x157x128xi32, #tpu.memory_space<hbm>> -> memref<157x128xi32, #tpu.memory_space<hbm>>
      %dma_start3A_26 = arith.constant 0 : i32
      %dma_start3A_27 = arith.constant 0 : i32
      %dma_start3A_28 = tpu.memref_slice %arg4[%run_scoped3A, %arg1, %dma_start3A_26, %dma_start3A_27] : memref<2x16x157x128xi32, #tpu.memory_space<hbm>> -> memref<1x1x157x128xi32, #tpu.memory_space<hbm>>
      %dma_start3A_29 = tpu.memref_squeeze %dma_start3A_28 : memref<1x1x157x128xi32, #tpu.memory_space<hbm>> -> memref<157x128xi32, #tpu.memory_space<hbm>>
      tpu.enqueue_dma source(%dma_start3A_29 : memref<157x128xi32, #tpu.memory_space<hbm>>) target(%arg14 : memref<157x128xi32, #tpu.memory_space<vmem>>) target_semaphore(%run_scoped3A_22 : memref<!tpu.dma_semaphore, #tpu.memory_space<semaphore_mem>>)
      %dma_wait3A = arith.constant 0 : i32
      %dma_wait3A_30 = arith.constant 0 : i32
      %dma_wait3A_31 = tpu.memref_slice %arg4[%run_scoped3A, %arg1, %dma_wait3A, %dma_wait3A_30] : memref<2x16x157x128xi32, #tpu.memory_space<hbm>> -> memref<1x1x157x128xi32, #tpu.memory_space<hbm>>
      %dma_wait3A_32 = tpu.memref_squeeze %dma_wait3A_31 : memref<1x1x157x128xi32, #tpu.memory_space<hbm>> -> memref<157x128xi32, #tpu.memory_space<hbm>>
      %dma_wait3A_33 = arith.constant 0 : i32
      %dma_wait3A_34 = arith.constant 0 : i32
      %dma_wait3A_35 = tpu.memref_slice %arg4[%run_scoped3A, %arg1, %dma_wait3A_33, %dma_wait3A_34] : memref<2x16x157x128xi32, #tpu.memory_space<hbm>> -> memref<1x1x157x128xi32, #tpu.memory_space<hbm>>
      %dma_wait3A_36 = tpu.memref_squeeze %dma_wait3A_35 : memref<1x1x157x128xi32, #tpu.memory_space<hbm>> -> memref<157x128xi32, #tpu.memory_space<hbm>>
      tpu.wait_dma2 semaphore(%run_scoped3A_22 : memref<!tpu.dma_semaphore, #tpu.memory_space<semaphore_mem>>) src(%dma_wait3A_36 : memref<157x128xi32, #tpu.memory_space<hbm>>) dst(%arg14 : memref<157x128xi32, #tpu.memory_space<vmem>>)
      tpu.yield
    }) : () -> ()
    %run_scoped3A_1 = arith.constant 1 : i32
    "tpu.region"() ({
      %run_scoped3A_22 = tpu.sem_alloc : memref<!tpu.dma_semaphore, #tpu.memory_space<semaphore_mem>>
      %dma_start3A = arith.constant 0 : i32
      %dma_start3A_23 = arith.constant 0 : i32
      %dma_start3A_24 = tpu.memref_slice %arg4[%run_scoped3A_1, %arg1, %dma_start3A, %dma_start3A_23] : memref<2x16x157x128xi32, #tpu.memory_space<hbm>> -> memref<1x1x157x128xi32, #tpu.memory_space<hbm>>
      %dma_start3A_25 = tpu.memref_squeeze %dma_start3A_24 : memref<1x1x157x128xi32, #tpu.memory_space<hbm>> -> memref<157x128xi32, #tpu.memory_space<hbm>>
      %dma_start3A_26 = arith.constant 0 : i32
      %dma_start3A_27 = arith.constant 0 : i32
      %dma_start3A_28 = tpu.memref_slice %arg4[%run_scoped3A_1, %arg1, %dma_start3A_26, %dma_start3A_27] : memref<2x16x157x128xi32, #tpu.memory_space<hbm>> -> memref<1x1x157x128xi32, #tpu.memory_space<hbm>>
      %dma_start3A_29 = tpu.memref_squeeze %dma_start3A_28 : memref<1x1x157x128xi32, #tpu.memory_space<hbm>> -> memref<157x128xi32, #tpu.memory_space<hbm>>
      tpu.enqueue_dma source(%dma_start3A_29 : memref<157x128xi32, #tpu.memory_space<hbm>>) target(%arg15 : memref<157x128xi32, #tpu.memory_space<vmem>>) target_semaphore(%run_scoped3A_22 : memref<!tpu.dma_semaphore, #tpu.memory_space<semaphore_mem>>)
      %dma_wait3A = arith.constant 0 : i32
      %dma_wait3A_30 = arith.constant 0 : i32
      %dma_wait3A_31 = tpu.memref_slice %arg4[%run_scoped3A_1, %arg1, %dma_wait3A, %dma_wait3A_30] : memref<2x16x157x128xi32, #tpu.memory_space<hbm>> -> memref<1x1x157x128xi32, #tpu.memory_space<hbm>>
      %dma_wait3A_32 = tpu.memref_squeeze %dma_wait3A_31 : memref<1x1x157x128xi32, #tpu.memory_space<hbm>> -> memref<157x128xi32, #tpu.memory_space<hbm>>
      %dma_wait3A_33 = arith.constant 0 : i32
      %dma_wait3A_34 = arith.constant 0 : i32
      %dma_wait3A_35 = tpu.memref_slice %arg4[%run_scoped3A_1, %arg1, %dma_wait3A_33, %dma_wait3A_34] : memref<2x16x157x128xi32, #tpu.memory_space<hbm>> -> memref<1x1x157x128xi32, #tpu.memory_space<hbm>>
      %dma_wait3A_36 = tpu.memref_squeeze %dma_wait3A_35 : memref<1x1x157x128xi32, #tpu.memory_space<hbm>> -> memref<157x128xi32, #tpu.memory_space<hbm>>
      tpu.wait_dma2 semaphore(%run_scoped3A_22 : memref<!tpu.dma_semaphore, #tpu.memory_space<semaphore_mem>>) src(%dma_wait3A_36 : memref<157x128xi32, #tpu.memory_space<hbm>>) dst(%arg15 : memref<157x128xi32, #tpu.memory_space<vmem>>)
      tpu.yield
    }) : () -> ()
    %run_scoped3A_2 = arith.constant 1 : i32
    "tpu.region"() ({
      %run_scoped3A_22 = tpu.sem_alloc : memref<!tpu.dma_semaphore, #tpu.memory_space<semaphore_mem>>
      %dma_start3A = arith.constant 0 : i32
      %dma_start3A_23 = arith.constant 0 : i32
      %dma_start3A_24 = tpu.memref_slice %arg5[%run_scoped3A_2, %arg1, %dma_start3A, %dma_start3A_23] : memref<2x16x157x128xi32, #tpu.memory_space<hbm>> -> memref<1x1x157x128xi32, #tpu.memory_space<hbm>>
      %dma_start3A_25 = tpu.memref_squeeze %dma_start3A_24 : memref<1x1x157x128xi32, #tpu.memory_space<hbm>> -> memref<157x128xi32, #tpu.memory_space<hbm>>
      %dma_start3A_26 = arith.constant 0 : i32
      %dma_start3A_27 = arith.constant 0 : i32
      %dma_start3A_28 = tpu.memref_slice %arg5[%run_scoped3A_2, %arg1, %dma_start3A_26, %dma_start3A_27] : memref<2x16x157x128xi32, #tpu.memory_space<hbm>> -> memref<1x1x157x128xi32, #tpu.memory_space<hbm>>
      %dma_start3A_29 = tpu.memref_squeeze %dma_start3A_28 : memref<1x1x157x128xi32, #tpu.memory_space<hbm>> -> memref<157x128xi32, #tpu.memory_space<hbm>>
      tpu.enqueue_dma source(%dma_start3A_29 : memref<157x128xi32, #tpu.memory_space<hbm>>) target(%arg16 : memref<157x128xi32, #tpu.memory_space<vmem>>) target_semaphore(%run_scoped3A_22 : memref<!tpu.dma_semaphore, #tpu.memory_space<semaphore_mem>>)
      %dma_wait3A = arith.constant 0 : i32
      %dma_wait3A_30 = arith.constant 0 : i32
      %dma_wait3A_31 = tpu.memref_slice %arg5[%run_scoped3A_2, %arg1, %dma_wait3A, %dma_wait3A_30] : memref<2x16x157x128xi32, #tpu.memory_space<hbm>> -> memref<1x1x157x128xi32, #tpu.memory_space<hbm>>
      %dma_wait3A_32 = tpu.memref_squeeze %dma_wait3A_31 : memref<1x1x157x128xi32, #tpu.memory_space<hbm>> -> memref<157x128xi32, #tpu.memory_space<hbm>>
      %dma_wait3A_33 = arith.constant 0 : i32
      %dma_wait3A_34 = arith.constant 0 : i32
      %dma_wait3A_35 = tpu.memref_slice %arg5[%run_scoped3A_2, %arg1, %dma_wait3A_33, %dma_wait3A_34] : memref<2x16x157x128xi32, #tpu.memory_space<hbm>> -> memref<1x1x157x128xi32, #tpu.memory_space<hbm>>
      %dma_wait3A_36 = tpu.memref_squeeze %dma_wait3A_35 : memref<1x1x157x128xi32, #tpu.memory_space<hbm>> -> memref<157x128xi32, #tpu.memory_space<hbm>>
      tpu.wait_dma2 semaphore(%run_scoped3A_22 : memref<!tpu.dma_semaphore, #tpu.memory_space<semaphore_mem>>) src(%dma_wait3A_36 : memref<157x128xi32, #tpu.memory_space<hbm>>) dst(%arg16 : memref<157x128xi32, #tpu.memory_space<vmem>>)
      tpu.yield
    }) : () -> ()
    %barrier3A_3 = arith.constant 0 : index
    tpu.barrier barrier_id(%barrier3A_3)
    %eq3A = arith.constant 0 : i32
    %eq3A_4 = arith.cmpi eq, %arg0, %eq3A : i32
    %convert_element_type3A = arith.extui %eq3A_4 : i1 to i32
    %cond3A = arith.constant 0 : i32
    %cond3A_5 = arith.cmpi ne, %convert_element_type3A, %cond3A : i32
    scf.if %cond3A_5 {
      %scan3A = arith.constant 0 : i32
      %scan3A_22 = arith.constant 157 : i32
      %scan3A_23 = arith.addi %scan3A, %scan3A_22 : i32
      %scan3A_24 = arith.constant 1 : i32
      scf.for %scan3A_26 = %scan3A to %scan3A_23 step %scan3A_24  : i32 {
        %mul3A_27 = arith.constant 1 : i32
        %mul3A_28 = arith.muli %scan3A_26, %mul3A_27 : i32
        %add3A = arith.constant 0 : i32
        %add3A_29 = arith.addi %add3A, %mul3A_28 : i32
        "tpu.region"() ({
          %run_scoped3A_30 = tpu.sem_alloc : memref<!tpu.dma_semaphore, #tpu.memory_space<semaphore_mem>>
          %dma_start3A = arith.constant 0 : i32
          %dma_start3A_31 = tpu.memref_slice %arg14[%add3A_29, %dma_start3A] : memref<157x128xi32, #tpu.memory_space<vmem>> -> memref<1x128xi32, #tpu.memory_space<vmem>>
          %dma_start3A_32 = tpu.memref_squeeze %dma_start3A_31 : memref<1x128xi32, #tpu.memory_space<vmem>> -> memref<128xi32, #tpu.memory_space<vmem>>
          %dma_start3A_33 = arith.constant 0 : i32
          %dma_start3A_34 = arith.constant 0 : i32
          %dma_start3A_35 = tpu.memref_slice %arg2[%dma_start3A_33, %dma_start3A_34] : memref<10000x64xf32, #tpu.memory_space<hbm>> -> memref<10000x64xf32, #tpu.memory_space<hbm>>
          tpu.enqueue_indirect_dma source(%dma_start3A_35 : memref<10000x64xf32, #tpu.memory_space<hbm>>) target(%arg17 : memref<128x64xf32, #tpu.memory_space<vmem>>) offsets(%dma_start3A_32 : memref<128xi32, #tpu.memory_space<vmem>>) semaphore(%run_scoped3A_30 : memref<!tpu.dma_semaphore, #tpu.memory_space<semaphore_mem>>)
          %dma_wait3A = arith.constant 0 : i32
          %dma_wait3A_36 = tpu.memref_slice %arg14[%add3A_29, %dma_wait3A] : memref<157x128xi32, #tpu.memory_space<vmem>> -> memref<1x128xi32, #tpu.memory_space<vmem>>
          %dma_wait3A_37 = tpu.memref_squeeze %dma_wait3A_36 : memref<1x128xi32, #tpu.memory_space<vmem>> -> memref<128xi32, #tpu.memory_space<vmem>>
          %dma_wait3A_38 = arith.constant 0 : i32
          %dma_wait3A_39 = arith.constant 0 : i32
          %dma_wait3A_40 = tpu.memref_slice %arg2[%dma_wait3A_38, %dma_wait3A_39] : memref<10000x64xf32, #tpu.memory_space<hbm>> -> memref<10000x64xf32, #tpu.memory_space<hbm>>
          tpu.wait_indirect_dma semaphore(%run_scoped3A_30 : memref<!tpu.dma_semaphore, #tpu.memory_space<semaphore_mem>>) src(%dma_wait3A_40 : memref<10000x64xf32, #tpu.memory_space<hbm>>) dst(%arg17 : memref<128x64xf32, #tpu.memory_space<vmem>>)
          tpu.yield
        }) : () -> ()
        "tpu.region"() ({
          %run_scoped3A_30 = tpu.sem_alloc : memref<!tpu.dma_semaphore, #tpu.memory_space<semaphore_mem>>
          %dma_start3A = arith.constant 0 : i32
          %dma_start3A_31 = tpu.memref_slice %arg15[%add3A_29, %dma_start3A] : memref<157x128xi32, #tpu.memory_space<vmem>> -> memref<1x128xi32, #tpu.memory_space<vmem>>
          %dma_start3A_32 = tpu.memref_squeeze %dma_start3A_31 : memref<1x128xi32, #tpu.memory_space<vmem>> -> memref<128xi32, #tpu.memory_space<vmem>>
          %dma_start3A_33 = arith.constant 0 : i32
          %dma_start3A_34 = arith.constant 0 : i32
          %dma_start3A_35 = tpu.memref_slice %arg20[%dma_start3A_33, %dma_start3A_34] : memref<10112x64xf32, #tpu.memory_space<vmem_shared>> -> memref<10112x64xf32, #tpu.memory_space<vmem_shared>>
          tpu.enqueue_indirect_dma source(%arg17 : memref<128x64xf32, #tpu.memory_space<vmem>>) target(%dma_start3A_35 : memref<10112x64xf32, #tpu.memory_space<vmem_shared>>) offsets(%dma_start3A_32 : memref<128xi32, #tpu.memory_space<vmem>>) semaphore(%run_scoped3A_30 : memref<!tpu.dma_semaphore, #tpu.memory_space<semaphore_mem>>) {add = true}
          %dma_wait3A = arith.constant 0 : i32
          %dma_wait3A_36 = tpu.memref_slice %arg15[%add3A_29, %dma_wait3A] : memref<157x128xi32, #tpu.memory_space<vmem>> -> memref<1x128xi32, #tpu.memory_space<vmem>>
          %dma_wait3A_37 = tpu.memref_squeeze %dma_wait3A_36 : memref<1x128xi32, #tpu.memory_space<vmem>> -> memref<128xi32, #tpu.memory_space<vmem>>
          %dma_wait3A_38 = arith.constant 0 : i32
          %dma_wait3A_39 = arith.constant 0 : i32
          %dma_wait3A_40 = tpu.memref_slice %arg20[%dma_wait3A_38, %dma_wait3A_39] : memref<10112x64xf32, #tpu.memory_space<vmem_shared>> -> memref<10112x64xf32, #tpu.memory_space<vmem_shared>>
          tpu.wait_indirect_dma semaphore(%run_scoped3A_30 : memref<!tpu.dma_semaphore, #tpu.memory_space<semaphore_mem>>) src(%arg17 : memref<128x64xf32, #tpu.memory_space<vmem>>) dst(%dma_wait3A_40 : memref<10112x64xf32, #tpu.memory_space<vmem_shared>>)
          tpu.yield
        }) : () -> ()
        "tpu.region"() ({
          %run_scoped3A_30 = tpu.sem_alloc : memref<!tpu.dma_semaphore, #tpu.memory_space<semaphore_mem>>
          %dma_start3A = arith.constant 0 : i32
          %dma_start3A_31 = tpu.memref_slice %arg15[%add3A_29, %dma_start3A] : memref<157x128xi32, #tpu.memory_space<vmem>> -> memref<1x128xi32, #tpu.memory_space<vmem>>
          %dma_start3A_32 = tpu.memref_squeeze %dma_start3A_31 : memref<1x128xi32, #tpu.memory_space<vmem>> -> memref<128xi32, #tpu.memory_space<vmem>>
          %dma_start3A_33 = arith.constant 0 : i32
          %dma_start3A_34 = arith.constant 0 : i32
          %dma_start3A_35 = tpu.memref_slice %arg21[%dma_start3A_33, %dma_start3A_34] : memref<10112x16xf32, #tpu.memory_space<vmem_shared>> -> memref<10112x16xf32, #tpu.memory_space<vmem_shared>>
          tpu.enqueue_indirect_dma source(%arg19 : memref<128x16xf32, #tpu.memory_space<vmem>>) target(%dma_start3A_35 : memref<10112x16xf32, #tpu.memory_space<vmem_shared>>) offsets(%dma_start3A_32 : memref<128xi32, #tpu.memory_space<vmem>>) semaphore(%run_scoped3A_30 : memref<!tpu.dma_semaphore, #tpu.memory_space<semaphore_mem>>) {add = true}
          %dma_wait3A = arith.constant 0 : i32
          %dma_wait3A_36 = tpu.memref_slice %arg15[%add3A_29, %dma_wait3A] : memref<157x128xi32, #tpu.memory_space<vmem>> -> memref<1x128xi32, #tpu.memory_space<vmem>>
          %dma_wait3A_37 = tpu.memref_squeeze %dma_wait3A_36 : memref<1x128xi32, #tpu.memory_space<vmem>> -> memref<128xi32, #tpu.memory_space<vmem>>
          %dma_wait3A_38 = arith.constant 0 : i32
          %dma_wait3A_39 = arith.constant 0 : i32
          %dma_wait3A_40 = tpu.memref_slice %arg21[%dma_wait3A_38, %dma_wait3A_39] : memref<10112x16xf32, #tpu.memory_space<vmem_shared>> -> memref<10112x16xf32, #tpu.memory_space<vmem_shared>>
          tpu.wait_indirect_dma semaphore(%run_scoped3A_30 : memref<!tpu.dma_semaphore, #tpu.memory_space<semaphore_mem>>) src(%arg19 : memref<128x16xf32, #tpu.memory_space<vmem>>) dst(%dma_wait3A_40 : memref<10112x16xf32, #tpu.memory_space<vmem_shared>>)
          tpu.yield
        }) : () -> ()
      }
      %scan3A_25 = arith.constant 157 : i32
    } else {
    }
    %eq3A_6 = arith.constant 1 : i32
    %eq3A_7 = arith.cmpi eq, %arg0, %eq3A_6 : i32
    %convert_element_type3A_8 = arith.extui %eq3A_7 : i1 to i32
    %cond3A_9 = arith.constant 0 : i32
    %cond3A_10 = arith.cmpi ne, %convert_element_type3A_8, %cond3A_9 : i32
    scf.if %cond3A_10 {
      %scan3A = arith.constant 0 : i32
      %scan3A_22 = arith.constant 157 : i32
      %scan3A_23 = arith.addi %scan3A, %scan3A_22 : i32
      %scan3A_24 = arith.constant 1 : i32
      scf.for %scan3A_26 = %scan3A to %scan3A_23 step %scan3A_24  : i32 {
        %mul3A_27 = arith.constant 1 : i32
        %mul3A_28 = arith.muli %scan3A_26, %mul3A_27 : i32
        %add3A = arith.constant 0 : i32
        %add3A_29 = arith.addi %add3A, %mul3A_28 : i32
        "tpu.region"() ({
          %run_scoped3A_30 = tpu.sem_alloc : memref<!tpu.dma_semaphore, #tpu.memory_space<semaphore_mem>>
          %dma_start3A = arith.constant 0 : i32
          %dma_start3A_31 = tpu.memref_slice %arg14[%add3A_29, %dma_start3A] : memref<157x128xi32, #tpu.memory_space<vmem>> -> memref<1x128xi32, #tpu.memory_space<vmem>>
          %dma_start3A_32 = tpu.memref_squeeze %dma_start3A_31 : memref<1x128xi32, #tpu.memory_space<vmem>> -> memref<128xi32, #tpu.memory_space<vmem>>
          %dma_start3A_33 = arith.constant 0 : i32
          %dma_start3A_34 = arith.constant 0 : i32
          %dma_start3A_35 = tpu.memref_slice %arg3[%dma_start3A_33, %dma_start3A_34] : memref<10000x64xf32, #tpu.memory_space<hbm>> -> memref<10000x64xf32, #tpu.memory_space<hbm>>
          tpu.enqueue_indirect_dma source(%dma_start3A_35 : memref<10000x64xf32, #tpu.memory_space<hbm>>) target(%arg17 : memref<128x64xf32, #tpu.memory_space<vmem>>) offsets(%dma_start3A_32 : memref<128xi32, #tpu.memory_space<vmem>>) semaphore(%run_scoped3A_30 : memref<!tpu.dma_semaphore, #tpu.memory_space<semaphore_mem>>)
          %dma_wait3A = arith.constant 0 : i32
          %dma_wait3A_36 = tpu.memref_slice %arg14[%add3A_29, %dma_wait3A] : memref<157x128xi32, #tpu.memory_space<vmem>> -> memref<1x128xi32, #tpu.memory_space<vmem>>
          %dma_wait3A_37 = tpu.memref_squeeze %dma_wait3A_36 : memref<1x128xi32, #tpu.memory_space<vmem>> -> memref<128xi32, #tpu.memory_space<vmem>>
          %dma_wait3A_38 = arith.constant 0 : i32
          %dma_wait3A_39 = arith.constant 0 : i32
          %dma_wait3A_40 = tpu.memref_slice %arg3[%dma_wait3A_38, %dma_wait3A_39] : memref<10000x64xf32, #tpu.memory_space<hbm>> -> memref<10000x64xf32, #tpu.memory_space<hbm>>
          tpu.wait_indirect_dma semaphore(%run_scoped3A_30 : memref<!tpu.dma_semaphore, #tpu.memory_space<semaphore_mem>>) src(%dma_wait3A_40 : memref<10000x64xf32, #tpu.memory_space<hbm>>) dst(%arg17 : memref<128x64xf32, #tpu.memory_space<vmem>>)
          tpu.yield
        }) : () -> ()
        "tpu.region"() ({
          %run_scoped3A_30 = tpu.sem_alloc : memref<!tpu.dma_semaphore, #tpu.memory_space<semaphore_mem>>
          %dma_start3A = arith.constant 0 : i32
          %dma_start3A_31 = tpu.memref_slice %arg15[%add3A_29, %dma_start3A] : memref<157x128xi32, #tpu.memory_space<vmem>> -> memref<1x128xi32, #tpu.memory_space<vmem>>
          %dma_start3A_32 = tpu.memref_squeeze %dma_start3A_31 : memref<1x128xi32, #tpu.memory_space<vmem>> -> memref<128xi32, #tpu.memory_space<vmem>>
          %dma_start3A_33 = arith.constant 0 : i32
          %dma_start3A_34 = arith.constant 0 : i32
          %dma_start3A_35 = tpu.memref_slice %arg20[%dma_start3A_33, %dma_start3A_34] : memref<10112x64xf32, #tpu.memory_space<vmem_shared>> -> memref<10112x64xf32, #tpu.memory_space<vmem_shared>>
          tpu.enqueue_indirect_dma source(%arg17 : memref<128x64xf32, #tpu.memory_space<vmem>>) target(%dma_start3A_35 : memref<10112x64xf32, #tpu.memory_space<vmem_shared>>) offsets(%dma_start3A_32 : memref<128xi32, #tpu.memory_space<vmem>>) semaphore(%run_scoped3A_30 : memref<!tpu.dma_semaphore, #tpu.memory_space<semaphore_mem>>) {add = true}
          %dma_wait3A = arith.constant 0 : i32
          %dma_wait3A_36 = tpu.memref_slice %arg15[%add3A_29, %dma_wait3A] : memref<157x128xi32, #tpu.memory_space<vmem>> -> memref<1x128xi32, #tpu.memory_space<vmem>>
          %dma_wait3A_37 = tpu.memref_squeeze %dma_wait3A_36 : memref<1x128xi32, #tpu.memory_space<vmem>> -> memref<128xi32, #tpu.memory_space<vmem>>
          %dma_wait3A_38 = arith.constant 0 : i32
          %dma_wait3A_39 = arith.constant 0 : i32
          %dma_wait3A_40 = tpu.memref_slice %arg20[%dma_wait3A_38, %dma_wait3A_39] : memref<10112x64xf32, #tpu.memory_space<vmem_shared>> -> memref<10112x64xf32, #tpu.memory_space<vmem_shared>>
          tpu.wait_indirect_dma semaphore(%run_scoped3A_30 : memref<!tpu.dma_semaphore, #tpu.memory_space<semaphore_mem>>) src(%arg17 : memref<128x64xf32, #tpu.memory_space<vmem>>) dst(%dma_wait3A_40 : memref<10112x64xf32, #tpu.memory_space<vmem_shared>>)
          tpu.yield
        }) : () -> ()
        "tpu.region"() ({
          %run_scoped3A_30 = tpu.sem_alloc : memref<!tpu.dma_semaphore, #tpu.memory_space<semaphore_mem>>
          %dma_start3A = arith.constant 0 : i32
          %dma_start3A_31 = arith.constant 0 : i32
          %dma_start3A_32 = tpu.memref_slice %arg6[%arg1, %add3A_29, %dma_start3A, %dma_start3A_31] : memref<16x157x128x16xf32, #tpu.memory_space<hbm>> -> memref<1x1x128x16xf32, #tpu.memory_space<hbm>>
          %dma_start3A_33 = tpu.memref_squeeze %dma_start3A_32 : memref<1x1x128x16xf32, #tpu.memory_space<hbm>> -> memref<128x16xf32, #tpu.memory_space<hbm>>
          %dma_start3A_34 = arith.constant 0 : i32
          %dma_start3A_35 = arith.constant 0 : i32
          %dma_start3A_36 = tpu.memref_slice %arg6[%arg1, %add3A_29, %dma_start3A_34, %dma_start3A_35] : memref<16x157x128x16xf32, #tpu.memory_space<hbm>> -> memref<1x1x128x16xf32, #tpu.memory_space<hbm>>
          %dma_start3A_37 = tpu.memref_squeeze %dma_start3A_36 : memref<1x1x128x16xf32, #tpu.memory_space<hbm>> -> memref<128x16xf32, #tpu.memory_space<hbm>>
          tpu.enqueue_dma source(%dma_start3A_37 : memref<128x16xf32, #tpu.memory_space<hbm>>) target(%arg18 : memref<128x16xf32, #tpu.memory_space<vmem>>) target_semaphore(%run_scoped3A_30 : memref<!tpu.dma_semaphore, #tpu.memory_space<semaphore_mem>>)
          %dma_wait3A = arith.constant 0 : i32
          %dma_wait3A_38 = arith.constant 0 : i32
          %dma_wait3A_39 = tpu.memref_slice %arg6[%arg1, %add3A_29, %dma_wait3A, %dma_wait3A_38] : memref<16x157x128x16xf32, #tpu.memory_space<hbm>> -> memref<1x1x128x16xf32, #tpu.memory_space<hbm>>
          %dma_wait3A_40 = tpu.memref_squeeze %dma_wait3A_39 : memref<1x1x128x16xf32, #tpu.memory_space<hbm>> -> memref<128x16xf32, #tpu.memory_space<hbm>>
          %dma_wait3A_41 = arith.constant 0 : i32
          %dma_wait3A_42 = arith.constant 0 : i32
          %dma_wait3A_43 = tpu.memref_slice %arg6[%arg1, %add3A_29, %dma_wait3A_41, %dma_wait3A_42] : memref<16x157x128x16xf32, #tpu.memory_space<hbm>> -> memref<1x1x128x16xf32, #tpu.memory_space<hbm>>
          %dma_wait3A_44 = tpu.memref_squeeze %dma_wait3A_43 : memref<1x1x128x16xf32, #tpu.memory_space<hbm>> -> memref<128x16xf32, #tpu.memory_space<hbm>>
          tpu.wait_dma2 semaphore(%run_scoped3A_30 : memref<!tpu.dma_semaphore, #tpu.memory_space<semaphore_mem>>) src(%dma_wait3A_44 : memref<128x16xf32, #tpu.memory_space<hbm>>) dst(%arg18 : memref<128x16xf32, #tpu.memory_space<vmem>>)
          tpu.yield
        }) : () -> ()
        "tpu.region"() ({
          %run_scoped3A_30 = tpu.sem_alloc : memref<!tpu.dma_semaphore, #tpu.memory_space<semaphore_mem>>
          %dma_start3A = arith.constant 0 : i32
          %dma_start3A_31 = tpu.memref_slice %arg16[%add3A_29, %dma_start3A] : memref<157x128xi32, #tpu.memory_space<vmem>> -> memref<1x128xi32, #tpu.memory_space<vmem>>
          %dma_start3A_32 = tpu.memref_squeeze %dma_start3A_31 : memref<1x128xi32, #tpu.memory_space<vmem>> -> memref<128xi32, #tpu.memory_space<vmem>>
          %dma_start3A_33 = arith.constant 0 : i32
          %dma_start3A_34 = arith.constant 0 : i32
          %dma_start3A_35 = tpu.memref_slice %arg21[%dma_start3A_33, %dma_start3A_34] : memref<10112x16xf32, #tpu.memory_space<vmem_shared>> -> memref<10112x16xf32, #tpu.memory_space<vmem_shared>>
          tpu.enqueue_indirect_dma source(%arg18 : memref<128x16xf32, #tpu.memory_space<vmem>>) target(%dma_start3A_35 : memref<10112x16xf32, #tpu.memory_space<vmem_shared>>) offsets(%dma_start3A_32 : memref<128xi32, #tpu.memory_space<vmem>>) semaphore(%run_scoped3A_30 : memref<!tpu.dma_semaphore, #tpu.memory_space<semaphore_mem>>) {add = true}
          %dma_wait3A = arith.constant 0 : i32
          %dma_wait3A_36 = tpu.memref_slice %arg16[%add3A_29, %dma_wait3A] : memref<157x128xi32, #tpu.memory_space<vmem>> -> memref<1x128xi32, #tpu.memory_space<vmem>>
          %dma_wait3A_37 = tpu.memref_squeeze %dma_wait3A_36 : memref<1x128xi32, #tpu.memory_space<vmem>> -> memref<128xi32, #tpu.memory_space<vmem>>
          %dma_wait3A_38 = arith.constant 0 : i32
          %dma_wait3A_39 = arith.constant 0 : i32
          %dma_wait3A_40 = tpu.memref_slice %arg21[%dma_wait3A_38, %dma_wait3A_39] : memref<10112x16xf32, #tpu.memory_space<vmem_shared>> -> memref<10112x16xf32, #tpu.memory_space<vmem_shared>>
          tpu.wait_indirect_dma semaphore(%run_scoped3A_30 : memref<!tpu.dma_semaphore, #tpu.memory_space<semaphore_mem>>) src(%arg18 : memref<128x16xf32, #tpu.memory_space<vmem>>) dst(%dma_wait3A_40 : memref<10112x16xf32, #tpu.memory_space<vmem_shared>>)
          tpu.yield
        }) : () -> ()
      }
      %scan3A_25 = arith.constant 157 : i32
    } else {
    }
    %barrier3A_11 = arith.constant 0 : index
    tpu.barrier barrier_id(%barrier3A_11)
    %eq3A_12 = arith.constant 0 : i32
    %eq3A_13 = arith.cmpi eq, %arg0, %eq3A_12 : i32
    %convert_element_type3A_14 = arith.extui %eq3A_13 : i1 to i32
    %cond3A_15 = arith.constant 0 : i32
    %cond3A_16 = arith.cmpi ne, %convert_element_type3A_14, %cond3A_15 : i32
    scf.if %cond3A_16 {
      "tpu.region"() ({
        %run_scoped3A_22 = tpu.sem_alloc : memref<!tpu.dma_semaphore, #tpu.memory_space<semaphore_mem>>
        %dma_start3A = arith.constant 0 : i32
        %dma_start3A_23 = tpu.memref_slice %arg10[%mul3A_0, %dma_start3A] : memref<10112x64xf32, #tpu.memory_space<hbm>> -> memref<632x64xf32, #tpu.memory_space<hbm>>
        %dma_start3A_24 = arith.constant 0 : i32
        %dma_start3A_25 = tpu.memref_slice %arg20[%mul3A_0, %dma_start3A_24] : memref<10112x64xf32, #tpu.memory_space<vmem_shared>> -> memref<632x64xf32, #tpu.memory_space<vmem_shared>>
        tpu.enqueue_dma source(%dma_start3A_25 : memref<632x64xf32, #tpu.memory_space<vmem_shared>>) target(%dma_start3A_23 : memref<632x64xf32, #tpu.memory_space<hbm>>) target_semaphore(%run_scoped3A_22 : memref<!tpu.dma_semaphore, #tpu.memory_space<semaphore_mem>>)
        %dma_wait3A = arith.constant 0 : i32
        %dma_wait3A_26 = tpu.memref_slice %arg10[%mul3A_0, %dma_wait3A] : memref<10112x64xf32, #tpu.memory_space<hbm>> -> memref<632x64xf32, #tpu.memory_space<hbm>>
        %dma_wait3A_27 = arith.constant 0 : i32
        %dma_wait3A_28 = tpu.memref_slice %arg20[%mul3A_0, %dma_wait3A_27] : memref<10112x64xf32, #tpu.memory_space<vmem_shared>> -> memref<632x64xf32, #tpu.memory_space<vmem_shared>>
        tpu.wait_dma2 semaphore(%run_scoped3A_22 : memref<!tpu.dma_semaphore, #tpu.memory_space<semaphore_mem>>) src(%dma_wait3A_28 : memref<632x64xf32, #tpu.memory_space<vmem_shared>>) dst(%dma_wait3A_26 : memref<632x64xf32, #tpu.memory_space<hbm>>)
        tpu.yield
      }) : () -> ()
      "tpu.region"() ({
        %run_scoped3A_22 = tpu.sem_alloc : memref<!tpu.dma_semaphore, #tpu.memory_space<semaphore_mem>>
        %dma_start3A = arith.constant 0 : i32
        %dma_start3A_23 = tpu.memref_slice %arg12[%mul3A_0, %dma_start3A] : memref<10112x16xf32, #tpu.memory_space<hbm>> -> memref<632x16xf32, #tpu.memory_space<hbm>>
        %dma_start3A_24 = arith.constant 0 : i32
        %dma_start3A_25 = tpu.memref_slice %arg21[%mul3A_0, %dma_start3A_24] : memref<10112x16xf32, #tpu.memory_space<vmem_shared>> -> memref<632x16xf32, #tpu.memory_space<vmem_shared>>
        tpu.enqueue_dma source(%dma_start3A_25 : memref<632x16xf32, #tpu.memory_space<vmem_shared>>) target(%dma_start3A_23 : memref<632x16xf32, #tpu.memory_space<hbm>>) target_semaphore(%run_scoped3A_22 : memref<!tpu.dma_semaphore, #tpu.memory_space<semaphore_mem>>)
        %dma_wait3A = arith.constant 0 : i32
        %dma_wait3A_26 = tpu.memref_slice %arg12[%mul3A_0, %dma_wait3A] : memref<10112x16xf32, #tpu.memory_space<hbm>> -> memref<632x16xf32, #tpu.memory_space<hbm>>
        %dma_wait3A_27 = arith.constant 0 : i32
        %dma_wait3A_28 = tpu.memref_slice %arg21[%mul3A_0, %dma_wait3A_27] : memref<10112x16xf32, #tpu.memory_space<vmem_shared>> -> memref<632x16xf32, #tpu.memory_space<vmem_shared>>
        tpu.wait_dma2 semaphore(%run_scoped3A_22 : memref<!tpu.dma_semaphore, #tpu.memory_space<semaphore_mem>>) src(%dma_wait3A_28 : memref<632x16xf32, #tpu.memory_space<vmem_shared>>) dst(%dma_wait3A_26 : memref<632x16xf32, #tpu.memory_space<hbm>>)
        tpu.yield
      }) : () -> ()
    } else {
    }
    %eq3A_17 = arith.constant 1 : i32
    %eq3A_18 = arith.cmpi eq, %arg0, %eq3A_17 : i32
    %convert_element_type3A_19 = arith.extui %eq3A_18 : i1 to i32
    %cond3A_20 = arith.constant 0 : i32
    %cond3A_21 = arith.cmpi ne, %convert_element_type3A_19, %cond3A_20 : i32
    scf.if %cond3A_21 {
      "tpu.region"() ({
        %run_scoped3A_22 = tpu.sem_alloc : memref<!tpu.dma_semaphore, #tpu.memory_space<semaphore_mem>>
        %dma_start3A = arith.constant 0 : i32
        %dma_start3A_23 = tpu.memref_slice %arg11[%mul3A_0, %dma_start3A] : memref<10112x64xf32, #tpu.memory_space<hbm>> -> memref<632x64xf32, #tpu.memory_space<hbm>>
        %dma_start3A_24 = arith.constant 0 : i32
        %dma_start3A_25 = tpu.memref_slice %arg20[%mul3A_0, %dma_start3A_24] : memref<10112x64xf32, #tpu.memory_space<vmem_shared>> -> memref<632x64xf32, #tpu.memory_space<vmem_shared>>
        tpu.enqueue_dma source(%dma_start3A_25 : memref<632x64xf32, #tpu.memory_space<vmem_shared>>) target(%dma_start3A_23 : memref<632x64xf32, #tpu.memory_space<hbm>>) target_semaphore(%run_scoped3A_22 : memref<!tpu.dma_semaphore, #tpu.memory_space<semaphore_mem>>)
        %dma_wait3A = arith.constant 0 : i32
        %dma_wait3A_26 = tpu.memref_slice %arg11[%mul3A_0, %dma_wait3A] : memref<10112x64xf32, #tpu.memory_space<hbm>> -> memref<632x64xf32, #tpu.memory_space<hbm>>
        %dma_wait3A_27 = arith.constant 0 : i32
        %dma_wait3A_28 = tpu.memref_slice %arg20[%mul3A_0, %dma_wait3A_27] : memref<10112x64xf32, #tpu.memory_space<vmem_shared>> -> memref<632x64xf32, #tpu.memory_space<vmem_shared>>
        tpu.wait_dma2 semaphore(%run_scoped3A_22 : memref<!tpu.dma_semaphore, #tpu.memory_space<semaphore_mem>>) src(%dma_wait3A_28 : memref<632x64xf32, #tpu.memory_space<vmem_shared>>) dst(%dma_wait3A_26 : memref<632x64xf32, #tpu.memory_space<hbm>>)
        tpu.yield
      }) : () -> ()
      "tpu.region"() ({
        %run_scoped3A_22 = tpu.sem_alloc : memref<!tpu.dma_semaphore, #tpu.memory_space<semaphore_mem>>
        %dma_start3A = arith.constant 0 : i32
        %dma_start3A_23 = tpu.memref_slice %arg13[%mul3A_0, %dma_start3A] : memref<10112x16xf32, #tpu.memory_space<hbm>> -> memref<632x16xf32, #tpu.memory_space<hbm>>
        %dma_start3A_24 = arith.constant 0 : i32
        %dma_start3A_25 = tpu.memref_slice %arg21[%mul3A_0, %dma_start3A_24] : memref<10112x16xf32, #tpu.memory_space<vmem_shared>> -> memref<632x16xf32, #tpu.memory_space<vmem_shared>>
        tpu.enqueue_dma source(%dma_start3A_25 : memref<632x16xf32, #tpu.memory_space<vmem_shared>>) target(%dma_start3A_23 : memref<632x16xf32, #tpu.memory_space<hbm>>) target_semaphore(%run_scoped3A_22 : memref<!tpu.dma_semaphore, #tpu.memory_space<semaphore_mem>>)
        %dma_wait3A = arith.constant 0 : i32
        %dma_wait3A_26 = tpu.memref_slice %arg13[%mul3A_0, %dma_wait3A] : memref<10112x16xf32, #tpu.memory_space<hbm>> -> memref<632x16xf32, #tpu.memory_space<hbm>>
        %dma_wait3A_27 = arith.constant 0 : i32
        %dma_wait3A_28 = tpu.memref_slice %arg21[%mul3A_0, %dma_wait3A_27] : memref<10112x16xf32, #tpu.memory_space<vmem_shared>> -> memref<632x16xf32, #tpu.memory_space<vmem_shared>>
        tpu.wait_dma2 semaphore(%run_scoped3A_22 : memref<!tpu.dma_semaphore, #tpu.memory_space<semaphore_mem>>) src(%dma_wait3A_28 : memref<632x16xf32, #tpu.memory_space<vmem_shared>>) dst(%dma_wait3A_26 : memref<632x16xf32, #tpu.memory_space<hbm>>)
        tpu.yield
      }) : () -> ()
    } else {
    }
    return
  }
}

#map = affine_map<(d0, d1) -> (0, 0)>
#map1 = affine_map<(d0, d1) -> (0, 0, 0, 0)>
module attributes {stable_mosaic.version = 14 : i64} {
  func.func @k(%arg0: i32, %arg1: i32, %arg2: memref<10000x64xf32, #tpu.memory_space<hbm>>, %arg3: memref<10000x64xf32, #tpu.memory_space<hbm>>, %arg4: memref<2x16x157x128xi32, #tpu.memory_space<hbm>>, %arg5: memref<2x16x157x128xi32, #tpu.memory_space<hbm>>, %arg6: memref<16x157x128x16xf32, #tpu.memory_space<hbm>>, %arg7: memref<632x64xf32, #tpu.memory_space<hbm>>, %arg8: memref<632x16xf32, #tpu.memory_space<hbm>>, %arg9: memref<128x16xf32, #tpu.memory_space<hbm>>, %arg10: memref<10112x64xf32, #tpu.memory_space<hbm>>, %arg11: memref<10112x64xf32, #tpu.memory_space<hbm>>, %arg12: memref<10112x16xf32, #tpu.memory_space<hbm>>, %arg13: memref<10112x16xf32, #tpu.memory_space<hbm>>, %arg14: memref<157x128xi32, #tpu.memory_space<vmem>>, %arg15: memref<157x128xi32, #tpu.memory_space<vmem>>, %arg16: memref<157x128xi32, #tpu.memory_space<vmem>>, %arg17: memref<128x64xf32, #tpu.memory_space<vmem>>, %arg18: memref<128x16xf32, #tpu.memory_space<vmem>>, %arg19: memref<128x16xf32, #tpu.memory_space<vmem>>, %arg20: memref<10112x64xf32, #tpu.memory_space<vmem_shared>>, %arg21: memref<10112x16xf32, #tpu.memory_space<vmem_shared>>) attributes {dimension_semantics = [#tpu.dimension_semantics<core_parallel>, #tpu.dimension_semantics<subcore_parallel>], iteration_bounds = array<i64: 2, 16>, scalar_prefetch = 0 : i64, scratch_operands = 8 : i64, tpu.core_type = #tpu.core_type<sc_vector_subcore>, window_params = [{transform_indices = #map}, {transform_indices = #map}, {transform_indices = #map1}, {transform_indices = #map1}, {transform_indices = #map1}, {transform_indices = #map}, {transform_indices = #map}, {transform_indices = #map}, {transform_indices = #map}, {transform_indices = #map}, {transform_indices = #map}, {transform_indices = #map}]} {
    %mul3A = arith.constant 632 : i32
    %mul3A_0 = arith.muli %arg1, %mul3A : i32
    "tpu.region"() ({
      %run_scoped3A_22 = tpu.sem_alloc : memref<!tpu.dma_semaphore, #tpu.memory_space<semaphore_mem>>
      %dma_start3A = arith.constant 0 : i32
      %dma_start3A_23 = tpu.memref_slice %arg20[%mul3A_0, %dma_start3A] : memref<10112x64xf32, #tpu.memory_space<vmem_shared>> -> memref<632x64xf32, #tpu.memory_space<vmem_shared>>
      tpu.enqueue_dma source(%arg7 : memref<632x64xf32, #tpu.memory_space<hbm>>) target(%dma_start3A_23 : memref<632x64xf32, #tpu.memory_space<vmem_shared>>) target_semaphore(%run_scoped3A_22 : memref<!tpu.dma_semaphore, #tpu.memory_space<semaphore_mem>>)
      %dma_wait3A = arith.constant 0 : i32
      %dma_wait3A_24 = tpu.memref_slice %arg20[%mul3A_0, %dma_wait3A] : memref<10112x64xf32, #tpu.memory_space<vmem_shared>> -> memref<632x64xf32, #tpu.memory_space<vmem_shared>>
      tpu.wait_dma2 semaphore(%run_scoped3A_22 : memref<!tpu.dma_semaphore, #tpu.memory_space<semaphore_mem>>) src(%arg7 : memref<632x64xf32, #tpu.memory_space<hbm>>) dst(%dma_wait3A_24 : memref<632x64xf32, #tpu.memory_space<vmem_shared>>)
      tpu.yield
    }) : () -> ()
    "tpu.region"() ({
      %run_scoped3A_22 = tpu.sem_alloc : memref<!tpu.dma_semaphore, #tpu.memory_space<semaphore_mem>>
      %dma_start3A = arith.constant 0 : i32
      %dma_start3A_23 = tpu.memref_slice %arg21[%mul3A_0, %dma_start3A] : memref<10112x16xf32, #tpu.memory_space<vmem_shared>> -> memref<632x16xf32, #tpu.memory_space<vmem_shared>>
      tpu.enqueue_dma source(%arg8 : memref<632x16xf32, #tpu.memory_space<hbm>>) target(%dma_start3A_23 : memref<632x16xf32, #tpu.memory_space<vmem_shared>>) target_semaphore(%run_scoped3A_22 : memref<!tpu.dma_semaphore, #tpu.memory_space<semaphore_mem>>)
      %dma_wait3A = arith.constant 0 : i32
      %dma_wait3A_24 = tpu.memref_slice %arg21[%mul3A_0, %dma_wait3A] : memref<10112x16xf32, #tpu.memory_space<vmem_shared>> -> memref<632x16xf32, #tpu.memory_space<vmem_shared>>
      tpu.wait_dma2 semaphore(%run_scoped3A_22 : memref<!tpu.dma_semaphore, #tpu.memory_space<semaphore_mem>>) src(%arg8 : memref<632x16xf32, #tpu.memory_space<hbm>>) dst(%dma_wait3A_24 : memref<632x16xf32, #tpu.memory_space<vmem_shared>>)
      tpu.yield
    }) : () -> ()
    "tpu.region"() ({
      %run_scoped3A_22 = tpu.sem_alloc : memref<!tpu.dma_semaphore, #tpu.memory_space<semaphore_mem>>
      tpu.enqueue_dma source(%arg9 : memref<128x16xf32, #tpu.memory_space<hbm>>) target(%arg19 : memref<128x16xf32, #tpu.memory_space<vmem>>) target_semaphore(%run_scoped3A_22 : memref<!tpu.dma_semaphore, #tpu.memory_space<semaphore_mem>>)
      tpu.wait_dma2 semaphore(%run_scoped3A_22 : memref<!tpu.dma_semaphore, #tpu.memory_space<semaphore_mem>>) src(%arg9 : memref<128x16xf32, #tpu.memory_space<hbm>>) dst(%arg19 : memref<128x16xf32, #tpu.memory_space<vmem>>)
      tpu.yield
    }) : () -> ()
    %barrier3A = arith.constant 0 : index
    tpu.barrier barrier_id(%barrier3A)
    %run_scoped3A = arith.constant 0 : i32
    "tpu.region"() ({
      %run_scoped3A_22 = tpu.sem_alloc : memref<!tpu.dma_semaphore, #tpu.memory_space<semaphore_mem>>
      %dma_start3A = arith.constant 0 : i32
      %dma_start3A_23 = arith.constant 0 : i32
      %dma_start3A_24 = tpu.memref_slice %arg4[%run_scoped3A, %arg1, %dma_start3A, %dma_start3A_23] : memref<2x16x157x128xi32, #tpu.memory_space<hbm>> -> memref<1x1x157x128xi32, #tpu.memory_space<hbm>>
      %dma_start3A_25 = tpu.memref_squeeze %dma_start3A_24 : memref<1x1x157x128xi32, #tpu.memory_space<hbm>> -> memref<157x128xi32, #tpu.memory_space<hbm>>
      %dma_start3A_26 = arith.constant 0 : i32
      %dma_start3A_27 = arith.constant 0 : i32
      %dma_start3A_28 = tpu.memref_slice %arg4[%run_scoped3A, %arg1, %dma_start3A_26, %dma_start3A_27] : memref<2x16x157x128xi32, #tpu.memory_space<hbm>> -> memref<1x1x157x128xi32, #tpu.memory_space<hbm>>
      %dma_start3A_29 = tpu.memref_squeeze %dma_start3A_28 : memref<1x1x157x128xi32, #tpu.memory_space<hbm>> -> memref<157x128xi32, #tpu.memory_space<hbm>>
      tpu.enqueue_dma source(%dma_start3A_29 : memref<157x128xi32, #tpu.memory_space<hbm>>) target(%arg14 : memref<157x128xi32, #tpu.memory_space<vmem>>) target_semaphore(%run_scoped3A_22 : memref<!tpu.dma_semaphore, #tpu.memory_space<semaphore_mem>>)
      %dma_wait3A = arith.constant 0 : i32
      %dma_wait3A_30 = arith.constant 0 : i32
      %dma_wait3A_31 = tpu.memref_slice %arg4[%run_scoped3A, %arg1, %dma_wait3A, %dma_wait3A_30] : memref<2x16x157x128xi32, #tpu.memory_space<hbm>> -> memref<1x1x157x128xi32, #tpu.memory_space<hbm>>
      %dma_wait3A_32 = tpu.memref_squeeze %dma_wait3A_31 : memref<1x1x157x128xi32, #tpu.memory_space<hbm>> -> memref<157x128xi32, #tpu.memory_space<hbm>>
      %dma_wait3A_33 = arith.constant 0 : i32
      %dma_wait3A_34 = arith.constant 0 : i32
      %dma_wait3A_35 = tpu.memref_slice %arg4[%run_scoped3A, %arg1, %dma_wait3A_33, %dma_wait3A_34] : memref<2x16x157x128xi32, #tpu.memory_space<hbm>> -> memref<1x1x157x128xi32, #tpu.memory_space<hbm>>
      %dma_wait3A_36 = tpu.memref_squeeze %dma_wait3A_35 : memref<1x1x157x128xi32, #tpu.memory_space<hbm>> -> memref<157x128xi32, #tpu.memory_space<hbm>>
      tpu.wait_dma2 semaphore(%run_scoped3A_22 : memref<!tpu.dma_semaphore, #tpu.memory_space<semaphore_mem>>) src(%dma_wait3A_36 : memref<157x128xi32, #tpu.memory_space<hbm>>) dst(%arg14 : memref<157x128xi32, #tpu.memory_space<vmem>>)
      tpu.yield
    }) : () -> ()
    %run_scoped3A_1 = arith.constant 1 : i32
    "tpu.region"() ({
      %run_scoped3A_22 = tpu.sem_alloc : memref<!tpu.dma_semaphore, #tpu.memory_space<semaphore_mem>>
      %dma_start3A = arith.constant 0 : i32
      %dma_start3A_23 = arith.constant 0 : i32
      %dma_start3A_24 = tpu.memref_slice %arg4[%run_scoped3A_1, %arg1, %dma_start3A, %dma_start3A_23] : memref<2x16x157x128xi32, #tpu.memory_space<hbm>> -> memref<1x1x157x128xi32, #tpu.memory_space<hbm>>
      %dma_start3A_25 = tpu.memref_squeeze %dma_start3A_24 : memref<1x1x157x128xi32, #tpu.memory_space<hbm>> -> memref<157x128xi32, #tpu.memory_space<hbm>>
      %dma_start3A_26 = arith.constant 0 : i32
      %dma_start3A_27 = arith.constant 0 : i32
      %dma_start3A_28 = tpu.memref_slice %arg4[%run_scoped3A_1, %arg1, %dma_start3A_26, %dma_start3A_27] : memref<2x16x157x128xi32, #tpu.memory_space<hbm>> -> memref<1x1x157x128xi32, #tpu.memory_space<hbm>>
      %dma_start3A_29 = tpu.memref_squeeze %dma_start3A_28 : memref<1x1x157x128xi32, #tpu.memory_space<hbm>> -> memref<157x128xi32, #tpu.memory_space<hbm>>
      tpu.enqueue_dma source(%dma_start3A_29 : memref<157x128xi32, #tpu.memory_space<hbm>>) target(%arg15 : memref<157x128xi32, #tpu.memory_space<vmem>>) target_semaphore(%run_scoped3A_22 : memref<!tpu.dma_semaphore, #tpu.memory_space<semaphore_mem>>)
      %dma_wait3A = arith.constant 0 : i32
      %dma_wait3A_30 = arith.constant 0 : i32
      %dma_wait3A_31 = tpu.memref_slice %arg4[%run_scoped3A_1, %arg1, %dma_wait3A, %dma_wait3A_30] : memref<2x16x157x128xi32, #tpu.memory_space<hbm>> -> memref<1x1x157x128xi32, #tpu.memory_space<hbm>>
      %dma_wait3A_32 = tpu.memref_squeeze %dma_wait3A_31 : memref<1x1x157x128xi32, #tpu.memory_space<hbm>> -> memref<157x128xi32, #tpu.memory_space<hbm>>
      %dma_wait3A_33 = arith.constant 0 : i32
      %dma_wait3A_34 = arith.constant 0 : i32
      %dma_wait3A_35 = tpu.memref_slice %arg4[%run_scoped3A_1, %arg1, %dma_wait3A_33, %dma_wait3A_34] : memref<2x16x157x128xi32, #tpu.memory_space<hbm>> -> memref<1x1x157x128xi32, #tpu.memory_space<hbm>>
      %dma_wait3A_36 = tpu.memref_squeeze %dma_wait3A_35 : memref<1x1x157x128xi32, #tpu.memory_space<hbm>> -> memref<157x128xi32, #tpu.memory_space<hbm>>
      tpu.wait_dma2 semaphore(%run_scoped3A_22 : memref<!tpu.dma_semaphore, #tpu.memory_space<semaphore_mem>>) src(%dma_wait3A_36 : memref<157x128xi32, #tpu.memory_space<hbm>>) dst(%arg15 : memref<157x128xi32, #tpu.memory_space<vmem>>)
      tpu.yield
    }) : () -> ()
    %run_scoped3A_2 = arith.constant 1 : i32
    "tpu.region"() ({
      %run_scoped3A_22 = tpu.sem_alloc : memref<!tpu.dma_semaphore, #tpu.memory_space<semaphore_mem>>
      %dma_start3A = arith.constant 0 : i32
      %dma_start3A_23 = arith.constant 0 : i32
      %dma_start3A_24 = tpu.memref_slice %arg5[%run_scoped3A_2, %arg1, %dma_start3A, %dma_start3A_23] : memref<2x16x157x128xi32, #tpu.memory_space<hbm>> -> memref<1x1x157x128xi32, #tpu.memory_space<hbm>>
      %dma_start3A_25 = tpu.memref_squeeze %dma_start3A_24 : memref<1x1x157x128xi32, #tpu.memory_space<hbm>> -> memref<157x128xi32, #tpu.memory_space<hbm>>
      %dma_start3A_26 = arith.constant 0 : i32
      %dma_start3A_27 = arith.constant 0 : i32
      %dma_start3A_28 = tpu.memref_slice %arg5[%run_scoped3A_2, %arg1, %dma_start3A_26, %dma_start3A_27] : memref<2x16x157x128xi32, #tpu.memory_space<hbm>> -> memref<1x1x157x128xi32, #tpu.memory_space<hbm>>
      %dma_start3A_29 = tpu.memref_squeeze %dma_start3A_28 : memref<1x1x157x128xi32, #tpu.memory_space<hbm>> -> memref<157x128xi32, #tpu.memory_space<hbm>>
      tpu.enqueue_dma source(%dma_start3A_29 : memref<157x128xi32, #tpu.memory_space<hbm>>) target(%arg16 : memref<157x128xi32, #tpu.memory_space<vmem>>) target_semaphore(%run_scoped3A_22 : memref<!tpu.dma_semaphore, #tpu.memory_space<semaphore_mem>>)
      %dma_wait3A = arith.constant 0 : i32
      %dma_wait3A_30 = arith.constant 0 : i32
      %dma_wait3A_31 = tpu.memref_slice %arg5[%run_scoped3A_2, %arg1, %dma_wait3A, %dma_wait3A_30] : memref<2x16x157x128xi32, #tpu.memory_space<hbm>> -> memref<1x1x157x128xi32, #tpu.memory_space<hbm>>
      %dma_wait3A_32 = tpu.memref_squeeze %dma_wait3A_31 : memref<1x1x157x128xi32, #tpu.memory_space<hbm>> -> memref<157x128xi32, #tpu.memory_space<hbm>>
      %dma_wait3A_33 = arith.constant 0 : i32
      %dma_wait3A_34 = arith.constant 0 : i32
      %dma_wait3A_35 = tpu.memref_slice %arg5[%run_scoped3A_2, %arg1, %dma_wait3A_33, %dma_wait3A_34] : memref<2x16x157x128xi32, #tpu.memory_space<hbm>> -> memref<1x1x157x128xi32, #tpu.memory_space<hbm>>
      %dma_wait3A_36 = tpu.memref_squeeze %dma_wait3A_35 : memref<1x1x157x128xi32, #tpu.memory_space<hbm>> -> memref<157x128xi32, #tpu.memory_space<hbm>>
      tpu.wait_dma2 semaphore(%run_scoped3A_22 : memref<!tpu.dma_semaphore, #tpu.memory_space<semaphore_mem>>) src(%dma_wait3A_36 : memref<157x128xi32, #tpu.memory_space<hbm>>) dst(%arg16 : memref<157x128xi32, #tpu.memory_space<vmem>>)
      tpu.yield
    }) : () -> ()
    %barrier3A_3 = arith.constant 0 : index
    tpu.barrier barrier_id(%barrier3A_3)
    %eq3A = arith.constant 0 : i32
    %eq3A_4 = arith.cmpi eq, %arg0, %eq3A : i32
    %convert_element_type3A = arith.extui %eq3A_4 : i1 to i32
    %cond3A = arith.constant 0 : i32
    %cond3A_5 = arith.cmpi ne, %convert_element_type3A, %cond3A : i32
    scf.if %cond3A_5 {
      %scan3A = arith.constant 0 : i32
      %scan3A_22 = arith.constant 157 : i32
      %scan3A_23 = arith.addi %scan3A, %scan3A_22 : i32
      %scan3A_24 = arith.constant 1 : i32
      scf.for %scan3A_26 = %scan3A to %scan3A_23 step %scan3A_24  : i32 {
        %mul3A_27 = arith.constant 1 : i32
        %mul3A_28 = arith.muli %scan3A_26, %mul3A_27 : i32
        %add3A = arith.constant 0 : i32
        %add3A_29 = arith.addi %add3A, %mul3A_28 : i32
        "tpu.region"() ({
          %run_scoped3A_30 = tpu.sem_alloc : memref<!tpu.dma_semaphore, #tpu.memory_space<semaphore_mem>>
          %dma_start3A = arith.constant 0 : i32
          %dma_start3A_31 = tpu.memref_slice %arg14[%add3A_29, %dma_start3A] : memref<157x128xi32, #tpu.memory_space<vmem>> -> memref<1x128xi32, #tpu.memory_space<vmem>>
          %dma_start3A_32 = tpu.memref_squeeze %dma_start3A_31 : memref<1x128xi32, #tpu.memory_space<vmem>> -> memref<128xi32, #tpu.memory_space<vmem>>
          %dma_start3A_33 = arith.constant 0 : i32
          %dma_start3A_34 = arith.constant 0 : i32
          %dma_start3A_35 = tpu.memref_slice %arg2[%dma_start3A_33, %dma_start3A_34] : memref<10000x64xf32, #tpu.memory_space<hbm>> -> memref<10000x64xf32, #tpu.memory_space<hbm>>
          tpu.enqueue_indirect_dma source(%dma_start3A_35 : memref<10000x64xf32, #tpu.memory_space<hbm>>) target(%arg17 : memref<128x64xf32, #tpu.memory_space<vmem>>) offsets(%dma_start3A_32 : memref<128xi32, #tpu.memory_space<vmem>>) semaphore(%run_scoped3A_30 : memref<!tpu.dma_semaphore, #tpu.memory_space<semaphore_mem>>)
          %dma_wait3A = arith.constant 0 : i32
          %dma_wait3A_36 = tpu.memref_slice %arg14[%add3A_29, %dma_wait3A] : memref<157x128xi32, #tpu.memory_space<vmem>> -> memref<1x128xi32, #tpu.memory_space<vmem>>
          %dma_wait3A_37 = tpu.memref_squeeze %dma_wait3A_36 : memref<1x128xi32, #tpu.memory_space<vmem>> -> memref<128xi32, #tpu.memory_space<vmem>>
          %dma_wait3A_38 = arith.constant 0 : i32
          %dma_wait3A_39 = arith.constant 0 : i32
          %dma_wait3A_40 = tpu.memref_slice %arg2[%dma_wait3A_38, %dma_wait3A_39] : memref<10000x64xf32, #tpu.memory_space<hbm>> -> memref<10000x64xf32, #tpu.memory_space<hbm>>
          tpu.wait_indirect_dma semaphore(%run_scoped3A_30 : memref<!tpu.dma_semaphore, #tpu.memory_space<semaphore_mem>>) src(%dma_wait3A_40 : memref<10000x64xf32, #tpu.memory_space<hbm>>) dst(%arg17 : memref<128x64xf32, #tpu.memory_space<vmem>>)
          tpu.yield
        }) : () -> ()
        "tpu.region"() ({
          %run_scoped3A_30 = tpu.sem_alloc : memref<!tpu.dma_semaphore, #tpu.memory_space<semaphore_mem>>
          %dma_start3A = arith.constant 0 : i32
          %dma_start3A_31 = tpu.memref_slice %arg15[%add3A_29, %dma_start3A] : memref<157x128xi32, #tpu.memory_space<vmem>> -> memref<1x128xi32, #tpu.memory_space<vmem>>
          %dma_start3A_32 = tpu.memref_squeeze %dma_start3A_31 : memref<1x128xi32, #tpu.memory_space<vmem>> -> memref<128xi32, #tpu.memory_space<vmem>>
          %dma_start3A_33 = arith.constant 0 : i32
          %dma_start3A_34 = arith.constant 0 : i32
          %dma_start3A_35 = tpu.memref_slice %arg20[%dma_start3A_33, %dma_start3A_34] : memref<10112x64xf32, #tpu.memory_space<vmem_shared>> -> memref<10112x64xf32, #tpu.memory_space<vmem_shared>>
          tpu.enqueue_indirect_dma source(%arg17 : memref<128x64xf32, #tpu.memory_space<vmem>>) target(%dma_start3A_35 : memref<10112x64xf32, #tpu.memory_space<vmem_shared>>) offsets(%dma_start3A_32 : memref<128xi32, #tpu.memory_space<vmem>>) semaphore(%run_scoped3A_30 : memref<!tpu.dma_semaphore, #tpu.memory_space<semaphore_mem>>) {add = true}
          %dma_wait3A = arith.constant 0 : i32
          %dma_wait3A_36 = tpu.memref_slice %arg15[%add3A_29, %dma_wait3A] : memref<157x128xi32, #tpu.memory_space<vmem>> -> memref<1x128xi32, #tpu.memory_space<vmem>>
          %dma_wait3A_37 = tpu.memref_squeeze %dma_wait3A_36 : memref<1x128xi32, #tpu.memory_space<vmem>> -> memref<128xi32, #tpu.memory_space<vmem>>
          %dma_wait3A_38 = arith.constant 0 : i32
          %dma_wait3A_39 = arith.constant 0 : i32
          %dma_wait3A_40 = tpu.memref_slice %arg20[%dma_wait3A_38, %dma_wait3A_39] : memref<10112x64xf32, #tpu.memory_space<vmem_shared>> -> memref<10112x64xf32, #tpu.memory_space<vmem_shared>>
          tpu.wait_indirect_dma semaphore(%run_scoped3A_30 : memref<!tpu.dma_semaphore, #tpu.memory_space<semaphore_mem>>) src(%arg17 : memref<128x64xf32, #tpu.memory_space<vmem>>) dst(%dma_wait3A_40 : memref<10112x64xf32, #tpu.memory_space<vmem_shared>>)
          tpu.yield
        }) : () -> ()
        "tpu.region"() ({
          %run_scoped3A_30 = tpu.sem_alloc : memref<!tpu.dma_semaphore, #tpu.memory_space<semaphore_mem>>
          %dma_start3A = arith.constant 0 : i32
          %dma_start3A_31 = tpu.memref_slice %arg15[%add3A_29, %dma_start3A] : memref<157x128xi32, #tpu.memory_space<vmem>> -> memref<1x128xi32, #tpu.memory_space<vmem>>
          %dma_start3A_32 = tpu.memref_squeeze %dma_start3A_31 : memref<1x128xi32, #tpu.memory_space<vmem>> -> memref<128xi32, #tpu.memory_space<vmem>>
          %dma_start3A_33 = arith.constant 0 : i32
          %dma_start3A_34 = arith.constant 0 : i32
          %dma_start3A_35 = tpu.memref_slice %arg21[%dma_start3A_33, %dma_start3A_34] : memref<10112x16xf32, #tpu.memory_space<vmem_shared>> -> memref<10112x16xf32, #tpu.memory_space<vmem_shared>>
          tpu.enqueue_indirect_dma source(%arg19 : memref<128x16xf32, #tpu.memory_space<vmem>>) target(%dma_start3A_35 : memref<10112x16xf32, #tpu.memory_space<vmem_shared>>) offsets(%dma_start3A_32 : memref<128xi32, #tpu.memory_space<vmem>>) semaphore(%run_scoped3A_30 : memref<!tpu.dma_semaphore, #tpu.memory_space<semaphore_mem>>) {add = true}
          %dma_wait3A = arith.constant 0 : i32
          %dma_wait3A_36 = tpu.memref_slice %arg15[%add3A_29, %dma_wait3A] : memref<157x128xi32, #tpu.memory_space<vmem>> -> memref<1x128xi32, #tpu.memory_space<vmem>>
          %dma_wait3A_37 = tpu.memref_squeeze %dma_wait3A_36 : memref<1x128xi32, #tpu.memory_space<vmem>> -> memref<128xi32, #tpu.memory_space<vmem>>
          %dma_wait3A_38 = arith.constant 0 : i32
          %dma_wait3A_39 = arith.constant 0 : i32
          %dma_wait3A_40 = tpu.memref_slice %arg21[%dma_wait3A_38, %dma_wait3A_39] : memref<10112x16xf32, #tpu.memory_space<vmem_shared>> -> memref<10112x16xf32, #tpu.memory_space<vmem_shared>>
          tpu.wait_indirect_dma semaphore(%run_scoped3A_30 : memref<!tpu.dma_semaphore, #tpu.memory_space<semaphore_mem>>) src(%arg19 : memref<128x16xf32, #tpu.memory_space<vmem>>) dst(%dma_wait3A_40 : memref<10112x16xf32, #tpu.memory_space<vmem_shared>>)
          tpu.yield
        }) : () -> ()
      }
      %scan3A_25 = arith.constant 157 : i32
    } else {
    }
    %eq3A_6 = arith.constant 1 : i32
    %eq3A_7 = arith.cmpi eq, %arg0, %eq3A_6 : i32
    %convert_element_type3A_8 = arith.extui %eq3A_7 : i1 to i32
    %cond3A_9 = arith.constant 0 : i32
    %cond3A_10 = arith.cmpi ne, %convert_element_type3A_8, %cond3A_9 : i32
    scf.if %cond3A_10 {
      %scan3A = arith.constant 0 : i32
      %scan3A_22 = arith.constant 157 : i32
      %scan3A_23 = arith.addi %scan3A, %scan3A_22 : i32
      %scan3A_24 = arith.constant 1 : i32
      scf.for %scan3A_26 = %scan3A to %scan3A_23 step %scan3A_24  : i32 {
        %mul3A_27 = arith.constant 1 : i32
        %mul3A_28 = arith.muli %scan3A_26, %mul3A_27 : i32
        %add3A = arith.constant 0 : i32
        %add3A_29 = arith.addi %add3A, %mul3A_28 : i32
        "tpu.region"() ({
          %run_scoped3A_30 = tpu.sem_alloc : memref<!tpu.dma_semaphore, #tpu.memory_space<semaphore_mem>>
          %dma_start3A = arith.constant 0 : i32
          %dma_start3A_31 = tpu.memref_slice %arg14[%add3A_29, %dma_start3A] : memref<157x128xi32, #tpu.memory_space<vmem>> -> memref<1x128xi32, #tpu.memory_space<vmem>>
          %dma_start3A_32 = tpu.memref_squeeze %dma_start3A_31 : memref<1x128xi32, #tpu.memory_space<vmem>> -> memref<128xi32, #tpu.memory_space<vmem>>
          %dma_start3A_33 = arith.constant 0 : i32
          %dma_start3A_34 = arith.constant 0 : i32
          %dma_start3A_35 = tpu.memref_slice %arg3[%dma_start3A_33, %dma_start3A_34] : memref<10000x64xf32, #tpu.memory_space<hbm>> -> memref<10000x64xf32, #tpu.memory_space<hbm>>
          tpu.enqueue_indirect_dma source(%dma_start3A_35 : memref<10000x64xf32, #tpu.memory_space<hbm>>) target(%arg17 : memref<128x64xf32, #tpu.memory_space<vmem>>) offsets(%dma_start3A_32 : memref<128xi32, #tpu.memory_space<vmem>>) semaphore(%run_scoped3A_30 : memref<!tpu.dma_semaphore, #tpu.memory_space<semaphore_mem>>)
          %dma_wait3A = arith.constant 0 : i32
          %dma_wait3A_36 = tpu.memref_slice %arg14[%add3A_29, %dma_wait3A] : memref<157x128xi32, #tpu.memory_space<vmem>> -> memref<1x128xi32, #tpu.memory_space<vmem>>
          %dma_wait3A_37 = tpu.memref_squeeze %dma_wait3A_36 : memref<1x128xi32, #tpu.memory_space<vmem>> -> memref<128xi32, #tpu.memory_space<vmem>>
          %dma_wait3A_38 = arith.constant 0 : i32
          %dma_wait3A_39 = arith.constant 0 : i32
          %dma_wait3A_40 = tpu.memref_slice %arg3[%dma_wait3A_38, %dma_wait3A_39] : memref<10000x64xf32, #tpu.memory_space<hbm>> -> memref<10000x64xf32, #tpu.memory_space<hbm>>
          tpu.wait_indirect_dma semaphore(%run_scoped3A_30 : memref<!tpu.dma_semaphore, #tpu.memory_space<semaphore_mem>>) src(%dma_wait3A_40 : memref<10000x64xf32, #tpu.memory_space<hbm>>) dst(%arg17 : memref<128x64xf32, #tpu.memory_space<vmem>>)
          tpu.yield
        }) : () -> ()
        "tpu.region"() ({
          %run_scoped3A_30 = tpu.sem_alloc : memref<!tpu.dma_semaphore, #tpu.memory_space<semaphore_mem>>
          %dma_start3A = arith.constant 0 : i32
          %dma_start3A_31 = tpu.memref_slice %arg15[%add3A_29, %dma_start3A] : memref<157x128xi32, #tpu.memory_space<vmem>> -> memref<1x128xi32, #tpu.memory_space<vmem>>
          %dma_start3A_32 = tpu.memref_squeeze %dma_start3A_31 : memref<1x128xi32, #tpu.memory_space<vmem>> -> memref<128xi32, #tpu.memory_space<vmem>>
          %dma_start3A_33 = arith.constant 0 : i32
          %dma_start3A_34 = arith.constant 0 : i32
          %dma_start3A_35 = tpu.memref_slice %arg20[%dma_start3A_33, %dma_start3A_34] : memref<10112x64xf32, #tpu.memory_space<vmem_shared>> -> memref<10112x64xf32, #tpu.memory_space<vmem_shared>>
          tpu.enqueue_indirect_dma source(%arg17 : memref<128x64xf32, #tpu.memory_space<vmem>>) target(%dma_start3A_35 : memref<10112x64xf32, #tpu.memory_space<vmem_shared>>) offsets(%dma_start3A_32 : memref<128xi32, #tpu.memory_space<vmem>>) semaphore(%run_scoped3A_30 : memref<!tpu.dma_semaphore, #tpu.memory_space<semaphore_mem>>) {add = true}
          %dma_wait3A = arith.constant 0 : i32
          %dma_wait3A_36 = tpu.memref_slice %arg15[%add3A_29, %dma_wait3A] : memref<157x128xi32, #tpu.memory_space<vmem>> -> memref<1x128xi32, #tpu.memory_space<vmem>>
          %dma_wait3A_37 = tpu.memref_squeeze %dma_wait3A_36 : memref<1x128xi32, #tpu.memory_space<vmem>> -> memref<128xi32, #tpu.memory_space<vmem>>
          %dma_wait3A_38 = arith.constant 0 : i32
          %dma_wait3A_39 = arith.constant 0 : i32
          %dma_wait3A_40 = tpu.memref_slice %arg20[%dma_wait3A_38, %dma_wait3A_39] : memref<10112x64xf32, #tpu.memory_space<vmem_shared>> -> memref<10112x64xf32, #tpu.memory_space<vmem_shared>>
          tpu.wait_indirect_dma semaphore(%run_scoped3A_30 : memref<!tpu.dma_semaphore, #tpu.memory_space<semaphore_mem>>) src(%arg17 : memref<128x64xf32, #tpu.memory_space<vmem>>) dst(%dma_wait3A_40 : memref<10112x64xf32, #tpu.memory_space<vmem_shared>>)
          tpu.yield
        }) : () -> ()
        "tpu.region"() ({
          %run_scoped3A_30 = tpu.sem_alloc : memref<!tpu.dma_semaphore, #tpu.memory_space<semaphore_mem>>
          %dma_start3A = arith.constant 0 : i32
          %dma_start3A_31 = arith.constant 0 : i32
          %dma_start3A_32 = tpu.memref_slice %arg6[%arg1, %add3A_29, %dma_start3A, %dma_start3A_31] : memref<16x157x128x16xf32, #tpu.memory_space<hbm>> -> memref<1x1x128x16xf32, #tpu.memory_space<hbm>>
          %dma_start3A_33 = tpu.memref_squeeze %dma_start3A_32 : memref<1x1x128x16xf32, #tpu.memory_space<hbm>> -> memref<128x16xf32, #tpu.memory_space<hbm>>
          %dma_start3A_34 = arith.constant 0 : i32
          %dma_start3A_35 = arith.constant 0 : i32
          %dma_start3A_36 = tpu.memref_slice %arg6[%arg1, %add3A_29, %dma_start3A_34, %dma_start3A_35] : memref<16x157x128x16xf32, #tpu.memory_space<hbm>> -> memref<1x1x128x16xf32, #tpu.memory_space<hbm>>
          %dma_start3A_37 = tpu.memref_squeeze %dma_start3A_36 : memref<1x1x128x16xf32, #tpu.memory_space<hbm>> -> memref<128x16xf32, #tpu.memory_space<hbm>>
          tpu.enqueue_dma source(%dma_start3A_37 : memref<128x16xf32, #tpu.memory_space<hbm>>) target(%arg18 : memref<128x16xf32, #tpu.memory_space<vmem>>) target_semaphore(%run_scoped3A_30 : memref<!tpu.dma_semaphore, #tpu.memory_space<semaphore_mem>>)
          %dma_wait3A = arith.constant 0 : i32
          %dma_wait3A_38 = arith.constant 0 : i32
          %dma_wait3A_39 = tpu.memref_slice %arg6[%arg1, %add3A_29, %dma_wait3A, %dma_wait3A_38] : memref<16x157x128x16xf32, #tpu.memory_space<hbm>> -> memref<1x1x128x16xf32, #tpu.memory_space<hbm>>
          %dma_wait3A_40 = tpu.memref_squeeze %dma_wait3A_39 : memref<1x1x128x16xf32, #tpu.memory_space<hbm>> -> memref<128x16xf32, #tpu.memory_space<hbm>>
          %dma_wait3A_41 = arith.constant 0 : i32
          %dma_wait3A_42 = arith.constant 0 : i32
          %dma_wait3A_43 = tpu.memref_slice %arg6[%arg1, %add3A_29, %dma_wait3A_41, %dma_wait3A_42] : memref<16x157x128x16xf32, #tpu.memory_space<hbm>> -> memref<1x1x128x16xf32, #tpu.memory_space<hbm>>
          %dma_wait3A_44 = tpu.memref_squeeze %dma_wait3A_43 : memref<1x1x128x16xf32, #tpu.memory_space<hbm>> -> memref<128x16xf32, #tpu.memory_space<hbm>>
          tpu.wait_dma2 semaphore(%run_scoped3A_30 : memref<!tpu.dma_semaphore, #tpu.memory_space<semaphore_mem>>) src(%dma_wait3A_44 : memref<128x16xf32, #tpu.memory_space<hbm>>) dst(%arg18 : memref<128x16xf32, #tpu.memory_space<vmem>>)
          tpu.yield
        }) : () -> ()
        "tpu.region"() ({
          %run_scoped3A_30 = tpu.sem_alloc : memref<!tpu.dma_semaphore, #tpu.memory_space<semaphore_mem>>
          %dma_start3A = arith.constant 0 : i32
          %dma_start3A_31 = tpu.memref_slice %arg16[%add3A_29, %dma_start3A] : memref<157x128xi32, #tpu.memory_space<vmem>> -> memref<1x128xi32, #tpu.memory_space<vmem>>
          %dma_start3A_32 = tpu.memref_squeeze %dma_start3A_31 : memref<1x128xi32, #tpu.memory_space<vmem>> -> memref<128xi32, #tpu.memory_space<vmem>>
          %dma_start3A_33 = arith.constant 0 : i32
          %dma_start3A_34 = arith.constant 0 : i32
          %dma_start3A_35 = tpu.memref_slice %arg21[%dma_start3A_33, %dma_start3A_34] : memref<10112x16xf32, #tpu.memory_space<vmem_shared>> -> memref<10112x16xf32, #tpu.memory_space<vmem_shared>>
          tpu.enqueue_indirect_dma source(%arg18 : memref<128x16xf32, #tpu.memory_space<vmem>>) target(%dma_start3A_35 : memref<10112x16xf32, #tpu.memory_space<vmem_shared>>) offsets(%dma_start3A_32 : memref<128xi32, #tpu.memory_space<vmem>>) semaphore(%run_scoped3A_30 : memref<!tpu.dma_semaphore, #tpu.memory_space<semaphore_mem>>) {add = true}
          %dma_wait3A = arith.constant 0 : i32
          %dma_wait3A_36 = tpu.memref_slice %arg16[%add3A_29, %dma_wait3A] : memref<157x128xi32, #tpu.memory_space<vmem>> -> memref<1x128xi32, #tpu.memory_space<vmem>>
          %dma_wait3A_37 = tpu.memref_squeeze %dma_wait3A_36 : memref<1x128xi32, #tpu.memory_space<vmem>> -> memref<128xi32, #tpu.memory_space<vmem>>
          %dma_wait3A_38 = arith.constant 0 : i32
          %dma_wait3A_39 = arith.constant 0 : i32
          %dma_wait3A_40 = tpu.memref_slice %arg21[%dma_wait3A_38, %dma_wait3A_39] : memref<10112x16xf32, #tpu.memory_space<vmem_shared>> -> memref<10112x16xf32, #tpu.memory_space<vmem_shared>>
          tpu.wait_indirect_dma semaphore(%run_scoped3A_30 : memref<!tpu.dma_semaphore, #tpu.memory_space<semaphore_mem>>) src(%arg18 : memref<128x16xf32, #tpu.memory_space<vmem>>) dst(%dma_wait3A_40 : memref<10112x16xf32, #tpu.memory_space<vmem_shared>>)
          tpu.yield
        }) : () -> ()
      }
      %scan3A_25 = arith.constant 157 : i32
    } else {
    }
    %barrier3A_11 = arith.constant 0 : index
    tpu.barrier barrier_id(%barrier3A_11)
    %eq3A_12 = arith.constant 0 : i32
    %eq3A_13 = arith.cmpi eq, %arg0, %eq3A_12 : i32
    %convert_element_type3A_14 = arith.extui %eq3A_13 : i1 to i32
    %cond3A_15 = arith.constant 0 : i32
    %cond3A_16 = arith.cmpi ne, %convert_element_type3A_14, %cond3A_15 : i32
    scf.if %cond3A_16 {
      "tpu.region"() ({
        %run_scoped3A_22 = tpu.sem_alloc : memref<!tpu.dma_semaphore, #tpu.memory_space<semaphore_mem>>
        %dma_start3A = arith.constant 0 : i32
        %dma_start3A_23 = tpu.memref_slice %arg10[%mul3A_0, %dma_start3A] : memref<10112x64xf32, #tpu.memory_space<hbm>> -> memref<632x64xf32, #tpu.memory_space<hbm>>
        %dma_start3A_24 = arith.constant 0 : i32
        %dma_start3A_25 = tpu.memref_slice %arg20[%mul3A_0, %dma_start3A_24] : memref<10112x64xf32, #tpu.memory_space<vmem_shared>> -> memref<632x64xf32, #tpu.memory_space<vmem_shared>>
        tpu.enqueue_dma source(%dma_start3A_25 : memref<632x64xf32, #tpu.memory_space<vmem_shared>>) target(%dma_start3A_23 : memref<632x64xf32, #tpu.memory_space<hbm>>) target_semaphore(%run_scoped3A_22 : memref<!tpu.dma_semaphore, #tpu.memory_space<semaphore_mem>>)
        %dma_wait3A = arith.constant 0 : i32
        %dma_wait3A_26 = tpu.memref_slice %arg10[%mul3A_0, %dma_wait3A] : memref<10112x64xf32, #tpu.memory_space<hbm>> -> memref<632x64xf32, #tpu.memory_space<hbm>>
        %dma_wait3A_27 = arith.constant 0 : i32
        %dma_wait3A_28 = tpu.memref_slice %arg20[%mul3A_0, %dma_wait3A_27] : memref<10112x64xf32, #tpu.memory_space<vmem_shared>> -> memref<632x64xf32, #tpu.memory_space<vmem_shared>>
        tpu.wait_dma2 semaphore(%run_scoped3A_22 : memref<!tpu.dma_semaphore, #tpu.memory_space<semaphore_mem>>) src(%dma_wait3A_28 : memref<632x64xf32, #tpu.memory_space<vmem_shared>>) dst(%dma_wait3A_26 : memref<632x64xf32, #tpu.memory_space<hbm>>)
        tpu.yield
      }) : () -> ()
      "tpu.region"() ({
        %run_scoped3A_22 = tpu.sem_alloc : memref<!tpu.dma_semaphore, #tpu.memory_space<semaphore_mem>>
        %dma_start3A = arith.constant 0 : i32
        %dma_start3A_23 = tpu.memref_slice %arg12[%mul3A_0, %dma_start3A] : memref<10112x16xf32, #tpu.memory_space<hbm>> -> memref<632x16xf32, #tpu.memory_space<hbm>>
        %dma_start3A_24 = arith.constant 0 : i32
        %dma_start3A_25 = tpu.memref_slice %arg21[%mul3A_0, %dma_start3A_24] : memref<10112x16xf32, #tpu.memory_space<vmem_shared>> -> memref<632x16xf32, #tpu.memory_space<vmem_shared>>
        tpu.enqueue_dma source(%dma_start3A_25 : memref<632x16xf32, #tpu.memory_space<vmem_shared>>) target(%dma_start3A_23 : memref<632x16xf32, #tpu.memory_space<hbm>>) target_semaphore(%run_scoped3A_22 : memref<!tpu.dma_semaphore, #tpu.memory_space<semaphore_mem>>)
        %dma_wait3A = arith.constant 0 : i32
        %dma_wait3A_26 = tpu.memref_slice %arg12[%mul3A_0, %dma_wait3A] : memref<10112x16xf32, #tpu.memory_space<hbm>> -> memref<632x16xf32, #tpu.memory_space<hbm>>
        %dma_wait3A_27 = arith.constant 0 : i32
        %dma_wait3A_28 = tpu.memref_slice %arg21[%mul3A_0, %dma_wait3A_27] : memref<10112x16xf32, #tpu.memory_space<vmem_shared>> -> memref<632x16xf32, #tpu.memory_space<vmem_shared>>
        tpu.wait_dma2 semaphore(%run_scoped3A_22 : memref<!tpu.dma_semaphore, #tpu.memory_space<semaphore_mem>>) src(%dma_wait3A_28 : memref<632x16xf32, #tpu.memory_space<vmem_shared>>) dst(%dma_wait3A_26 : memref<632x16xf32, #tpu.memory_space<hbm>>)
        tpu.yield
      }) : () -> ()
    } else {
    }
    %eq3A_17 = arith.constant 1 : i32
    %eq3A_18 = arith.cmpi eq, %arg0, %eq3A_17 : i32
    %convert_element_type3A_19 = arith.extui %eq3A_18 : i1 to i32
    %cond3A_20 = arith.constant 0 : i32
    %cond3A_21 = arith.cmpi ne, %convert_element_type3A_19, %cond3A_20 : i32
    scf.if %cond3A_21 {
      "tpu.region"() ({
        %run_scoped3A_22 = tpu.sem_alloc : memref<!tpu.dma_semaphore, #tpu.memory_space<semaphore_mem>>
        %dma_start3A = arith.constant 0 : i32
        %dma_start3A_23 = tpu.memref_slice %arg11[%mul3A_0, %dma_start3A] : memref<10112x64xf32, #tpu.memory_space<hbm>> -> memref<632x64xf32, #tpu.memory_space<hbm>>
        %dma_start3A_24 = arith.constant 0 : i32
        %dma_start3A_25 = tpu.memref_slice %arg20[%mul3A_0, %dma_start3A_24] : memref<10112x64xf32, #tpu.memory_space<vmem_shared>> -> memref<632x64xf32, #tpu.memory_space<vmem_shared>>
        tpu.enqueue_dma source(%dma_start3A_25 : memref<632x64xf32, #tpu.memory_space<vmem_shared>>) target(%dma_start3A_23 : memref<632x64xf32, #tpu.memory_space<hbm>>) target_semaphore(%run_scoped3A_22 : memref<!tpu.dma_semaphore, #tpu.memory_space<semaphore_mem>>)
        %dma_wait3A = arith.constant 0 : i32
        %dma_wait3A_26 = tpu.memref_slice %arg11[%mul3A_0, %dma_wait3A] : memref<10112x64xf32, #tpu.memory_space<hbm>> -> memref<632x64xf32, #tpu.memory_space<hbm>>
        %dma_wait3A_27 = arith.constant 0 : i32
        %dma_wait3A_28 = tpu.memref_slice %arg20[%mul3A_0, %dma_wait3A_27] : memref<10112x64xf32, #tpu.memory_space<vmem_shared>> -> memref<632x64xf32, #tpu.memory_space<vmem_shared>>
        tpu.wait_dma2 semaphore(%run_scoped3A_22 : memref<!tpu.dma_semaphore, #tpu.memory_space<semaphore_mem>>) src(%dma_wait3A_28 : memref<632x64xf32, #tpu.memory_space<vmem_shared>>) dst(%dma_wait3A_26 : memref<632x64xf32, #tpu.memory_space<hbm>>)
        tpu.yield
      }) : () -> ()
      "tpu.region"() ({
        %run_scoped3A_22 = tpu.sem_alloc : memref<!tpu.dma_semaphore, #tpu.memory_space<semaphore_mem>>
        %dma_start3A = arith.constant 0 : i32
        %dma_start3A_23 = tpu.memref_slice %arg13[%mul3A_0, %dma_start3A] : memref<10112x16xf32, #tpu.memory_space<hbm>> -> memref<632x16xf32, #tpu.memory_space<hbm>>
        %dma_start3A_24 = arith.constant 0 : i32
        %dma_start3A_25 = tpu.memref_slice %arg21[%mul3A_0, %dma_start3A_24] : memref<10112x16xf32, #tpu.memory_space<vmem_shared>> -> memref<632x16xf32, #tpu.memory_space<vmem_shared>>
        tpu.enqueue_dma source(%dma_start3A_25 : memref<632x16xf32, #tpu.memory_space<vmem_shared>>) target(%dma_start3A_23 : memref<632x16xf32, #tpu.memory_space<hbm>>) target_semaphore(%run_scoped3A_22 : memref<!tpu.dma_semaphore, #tpu.memory_space<semaphore_mem>>)
        %dma_wait3A = arith.constant 0 : i32
        %dma_wait3A_26 = tpu.memref_slice %arg13[%mul3A_0, %dma_wait3A] : memref<10112x16xf32, #tpu.memory_space<hbm>> -> memref<632x16xf32, #tpu.memory_space<hbm>>
        %dma_wait3A_27 = arith.constant 0 : i32
        %dma_wait3A_28 = tpu.memref_slice %arg21[%mul3A_0, %dma_wait3A_27] : memref<10112x16xf32, #tpu.memory_space<vmem_shared>> -> memref<632x16xf32, #tpu.memory_space<vmem_shared>>
        tpu.wait_dma2 semaphore(%run_scoped3A_22 : memref<!tpu.dma_semaphore, #tpu.memory_space<semaphore_mem>>) src(%dma_wait3A_28 : memref<632x16xf32, #tpu.memory_space<vmem_shared>>) dst(%dma_wait3A_26 : memref<632x16xf32, #tpu.memory_space<hbm>>)
        tpu.yield
      }) : () -> ()
    } else {
    }
    return
  }
}

module attributes {stable_mosaic.version = 14 : i64} {
  func.func @body(%arg0: i32, %arg1: memref<1000x128xf32, #tpu.memory_space<vmem>>, %arg2: memref<1000x64xf32, #tpu.memory_space<vmem>>, %arg3: memref<1000x64xf32, #tpu.memory_space<vmem>>, %arg4: memref<1000x16xf32, #tpu.memory_space<vmem>>, %arg5: memref<128x128xf32, #tpu.memory_space<vmem>>, %arg6: memref<128x128xf32, #tpu.memory_space<vmem>>, %arg7: memref<1x128xf32, #tpu.memory_space<vmem>>, %arg8: memref<128x384xf32, #tpu.memory_space<vmem>>, %arg9: memref<128x384xf32, #tpu.memory_space<vmem>>, %arg10: memref<1x384xf32, #tpu.memory_space<vmem>>, %arg11: memref<1x384xf32, #tpu.memory_space<vmem>>, %arg12: memref<1000x128xf32, #tpu.memory_space<vmem>>, %arg13: memref<1000x64xf32, #tpu.memory_space<vmem>>, %arg14: memref<1000x64xf32, #tpu.memory_space<vmem>>) attributes {dimension_semantics = [#tpu.dimension_semantics<arbitrary>], iteration_bounds = array<i64: 10>, scalar_prefetch = 0 : i64, scratch_operands = 0 : i64, tpu.core_type = #tpu.core_type<tc>, window_params = [{transform_indices = @transform_0, window_bounds = array<i64: 1000, 128>}, {transform_indices = @transform_1, window_bounds = array<i64: 1000, 64>}, {transform_indices = @transform_2, window_bounds = array<i64: 1000, 64>}, {transform_indices = @transform_3, window_bounds = array<i64: 1000, 16>}, {pipeline_mode = #tpu.pipeline_mode<synchronous>, transform_indices = @transform_4, window_bounds = array<i64: 128, 128>}, {pipeline_mode = #tpu.pipeline_mode<synchronous>, transform_indices = @transform_5, window_bounds = array<i64: 128, 128>}, {pipeline_mode = #tpu.pipeline_mode<synchronous>, transform_indices = @transform_6, window_bounds = array<i64: 1, 128>}, {pipeline_mode = #tpu.pipeline_mode<synchronous>, transform_indices = @transform_7, window_bounds = array<i64: 128, 384>}, {pipeline_mode = #tpu.pipeline_mode<synchronous>, transform_indices = @transform_8, window_bounds = array<i64: 128, 384>}, {pipeline_mode = #tpu.pipeline_mode<synchronous>, transform_indices = @transform_9, window_bounds = array<i64: 1, 384>}, {pipeline_mode = #tpu.pipeline_mode<synchronous>, transform_indices = @transform_10, window_bounds = array<i64: 1, 384>}, {transform_indices = @transform_11, window_bounds = array<i64: 1000, 128>}, {transform_indices = @transform_12, window_bounds = array<i64: 1000, 64>}, {transform_indices = @transform_13, window_bounds = array<i64: 1000, 64>}]} {
    %get3A = arith.constant 0 : index
    %get3A_0 = arith.constant 0 : index
    %get3A_1 = vector.load %arg2[%get3A, %get3A_0] : memref<1000x64xf32, #tpu.memory_space<vmem>>, vector<1000x64xf32>
    %get3A_2 = arith.constant 0 : index
    %get3A_3 = arith.constant 0 : index
    %get3A_4 = vector.load %arg3[%get3A_2, %get3A_3] : memref<1000x64xf32, #tpu.memory_space<vmem>>, vector<1000x64xf32>
    %concatenate3A = tpu.concatenate %get3A_1, %get3A_4 in 1 : vector<1000x64xf32>, vector<1000x64xf32> -> vector<1000x128xf32>
    %get3A_5 = arith.constant 0 : index
    %get3A_6 = arith.constant 0 : index
    %get3A_7 = vector.load %arg4[%get3A_5, %get3A_6] : memref<1000x16xf32, #tpu.memory_space<vmem>>, vector<1000x16xf32>
    %get3A_8 = arith.constant 0 : index
    %get3A_9 = arith.constant 0 : index
    %get3A_10 = vector.load %arg1[%get3A_8, %get3A_9] : memref<1000x128xf32, #tpu.memory_space<vmem>>, vector<1000x128xf32>
    %get3A_11 = arith.constant 0 : index
    %get3A_12 = arith.constant 0 : index
    %get3A_13 = vector.load %arg5[%get3A_11, %get3A_12] : memref<128x128xf32, #tpu.memory_space<vmem>>, vector<128x128xf32>
    %get3A_14 = arith.constant 0 : index
    %get3A_15 = arith.constant 0 : index
    %get3A_16 = vector.load %arg6[%get3A_14, %get3A_15] : memref<128x128xf32, #tpu.memory_space<vmem>>, vector<128x128xf32>
    %get3A_17 = arith.constant 0 : index
    %get3A_18 = arith.constant 0 : index
    %get3A_19 = vector.load %arg7[%get3A_17, %get3A_18] : memref<1x128xf32, #tpu.memory_space<vmem>>, vector<1x128xf32>
    %get3A_20 = arith.constant 0 : index
    %get3A_21 = arith.constant 0 : index
    %get3A_22 = vector.load %arg8[%get3A_20, %get3A_21] : memref<128x384xf32, #tpu.memory_space<vmem>>, vector<128x384xf32>
    %get3A_23 = arith.constant 0 : index
    %get3A_24 = arith.constant 0 : index
    %get3A_25 = vector.load %arg9[%get3A_23, %get3A_24] : memref<128x384xf32, #tpu.memory_space<vmem>>, vector<128x384xf32>
    %get3A_26 = arith.constant 0 : index
    %get3A_27 = arith.constant 0 : index
    %get3A_28 = vector.load %arg10[%get3A_26, %get3A_27] : memref<1x384xf32, #tpu.memory_space<vmem>>, vector<1x384xf32>
    %get3A_29 = arith.constant 0 : index
    %get3A_30 = arith.constant 0 : index
    %get3A_31 = vector.load %arg11[%get3A_29, %get3A_30] : memref<1x384xf32, #tpu.memory_space<vmem>>, vector<1x384xf32>
    %slice3A = vector.extract_strided_slice %get3A_7 {offsets = [0, 0], sizes = [1000, 1], strides = [1, 1]} : vector<1000x16xf32> to vector<1000x1xf32>
    %dot_general3A = arith.constant dense<0.000000e+00> : vector<1000x128xf32>
    %dot_general3A_32 = tpu.matmul %concatenate3A, %get3A_13, %dot_general3A {dimension_numbers = #tpu.dot_dimension_numbers<[1], [0], [0], [1], [0, 0, 1, 1], [], []>, transpose_lhs_hint = false} : vector<1000x128xf32>, vector<128x128xf32>, vector<1000x128xf32> -> vector<1000x128xf32>
    %dot_general3A_33 = arith.constant dense<0.000000e+00> : vector<1000x128xf32>
    %dot_general3A_34 = tpu.matmul %get3A_10, %get3A_16, %dot_general3A_33 {dimension_numbers = #tpu.dot_dimension_numbers<[1], [0], [0], [1], [0, 0, 1, 1], [], []>, transpose_lhs_hint = false} : vector<1000x128xf32>, vector<128x128xf32>, vector<1000x128xf32> -> vector<1000x128xf32>
    %add3A = vector.broadcast %get3A_19 : vector<1x128xf32> to vector<1000x128xf32>
    %add3A_35 = arith.addf %dot_general3A_34, %add3A : vector<1000x128xf32>
    %mul3A = vector.broadcast %slice3A : vector<1000x1xf32> to vector<1000x128xf32>
    %mul3A_36 = arith.mulf %mul3A, %add3A_35 : vector<1000x128xf32>
    %add3A_37 = arith.addf %dot_general3A_32, %mul3A_36 : vector<1000x128xf32>
    %dot_general3A_38 = arith.constant dense<0.000000e+00> : vector<1000x384xf32>
    %dot_general3A_39 = tpu.matmul %add3A_37, %get3A_22, %dot_general3A_38 {dimension_numbers = #tpu.dot_dimension_numbers<[1], [0], [0], [1], [0, 0, 1, 1], [], []>, transpose_lhs_hint = false} : vector<1000x128xf32>, vector<128x384xf32>, vector<1000x384xf32> -> vector<1000x384xf32>
    %add3A_40 = vector.broadcast %get3A_28 : vector<1x384xf32> to vector<1000x384xf32>
    %add3A_41 = arith.addf %dot_general3A_39, %add3A_40 : vector<1000x384xf32>
    %dot_general3A_42 = arith.constant dense<0.000000e+00> : vector<1000x384xf32>
    %dot_general3A_43 = tpu.matmul %get3A_10, %get3A_25, %dot_general3A_42 {dimension_numbers = #tpu.dot_dimension_numbers<[1], [0], [0], [1], [0, 0, 1, 1], [], []>, transpose_lhs_hint = false} : vector<1000x128xf32>, vector<128x384xf32>, vector<1000x384xf32> -> vector<1000x384xf32>
    %add3A_44 = vector.broadcast %get3A_31 : vector<1x384xf32> to vector<1000x384xf32>
    %add3A_45 = arith.addf %dot_general3A_43, %add3A_44 : vector<1000x384xf32>
    %slice3A_46 = vector.extract_strided_slice %add3A_41 {offsets = [0, 0], sizes = [1000, 128], strides = [1, 1]} : vector<1000x384xf32> to vector<1000x128xf32>
    %slice3A_47 = vector.extract_strided_slice %add3A_45 {offsets = [0, 0], sizes = [1000, 128], strides = [1, 1]} : vector<1000x384xf32> to vector<1000x128xf32>
    %add3A_48 = arith.addf %slice3A_46, %slice3A_47 : vector<1000x128xf32>
    %logistic3A = arith.negf %add3A_48 : vector<1000x128xf32>
    %logistic3A_49 = math.exp %logistic3A : vector<1000x128xf32>
    %logistic3A_50 = arith.constant 1.000000e+00 : f32
    %logistic3A_51 = vector.broadcast %logistic3A_50 : f32 to vector<1000x128xf32>
    %logistic3A_52 = arith.addf %logistic3A_51, %logistic3A_49 : vector<1000x128xf32>
    %logistic3A_53 = arith.divf %logistic3A_51, %logistic3A_52 : vector<1000x128xf32>
    %slice3A_54 = vector.extract_strided_slice %add3A_41 {offsets = [0, 128], sizes = [1000, 128], strides = [1, 1]} : vector<1000x384xf32> to vector<1000x128xf32>
    %slice3A_55 = vector.extract_strided_slice %add3A_45 {offsets = [0, 128], sizes = [1000, 128], strides = [1, 1]} : vector<1000x384xf32> to vector<1000x128xf32>
    %add3A_56 = arith.addf %slice3A_54, %slice3A_55 : vector<1000x128xf32>
    %logistic3A_57 = arith.negf %add3A_56 : vector<1000x128xf32>
    %logistic3A_58 = math.exp %logistic3A_57 : vector<1000x128xf32>
    %logistic3A_59 = arith.constant 1.000000e+00 : f32
    %logistic3A_60 = vector.broadcast %logistic3A_59 : f32 to vector<1000x128xf32>
    %logistic3A_61 = arith.addf %logistic3A_60, %logistic3A_58 : vector<1000x128xf32>
    %logistic3A_62 = arith.divf %logistic3A_60, %logistic3A_61 : vector<1000x128xf32>
    %slice3A_63 = vector.extract_strided_slice %add3A_41 {offsets = [0, 256], sizes = [1000, 128], strides = [1, 1]} : vector<1000x384xf32> to vector<1000x128xf32>
    %slice3A_64 = vector.extract_strided_slice %add3A_45 {offsets = [0, 256], sizes = [1000, 128], strides = [1, 1]} : vector<1000x384xf32> to vector<1000x128xf32>
    %mul3A_65 = arith.mulf %logistic3A_53, %slice3A_64 : vector<1000x128xf32>
    %add3A_66 = arith.addf %slice3A_63, %mul3A_65 : vector<1000x128xf32>
    %tanh3A = math.tanh %add3A_66 : vector<1000x128xf32>
    %sub3A = arith.constant 1.000000e+00 : f32
    %sub3A_67 = vector.broadcast %sub3A : f32 to vector<1000x128xf32>
    %sub3A_68 = arith.subf %sub3A_67, %logistic3A_62 : vector<1000x128xf32>
    %mul3A_69 = arith.mulf %sub3A_68, %tanh3A : vector<1000x128xf32>
    %mul3A_70 = arith.mulf %logistic3A_62, %get3A_10 : vector<1000x128xf32>
    %add3A_71 = arith.addf %mul3A_69, %mul3A_70 : vector<1000x128xf32>
    %swap3A = arith.constant 0 : index
    %swap3A_72 = arith.constant 0 : index
    %swap3A_73 = vector.load %arg12[%swap3A, %swap3A_72] : memref<1000x128xf32, #tpu.memory_space<vmem>>, vector<1000x128xf32>
    tpu.vector_store %arg12[%swap3A, %swap3A_72], %add3A_71 {strides = array<i32>} : memref<1000x128xf32, #tpu.memory_space<vmem>>, vector<1000x128xf32>,
    %slice3A_74 = vector.extract_strided_slice %add3A_71 {offsets = [0, 0], sizes = [1000, 64], strides = [1, 1]} : vector<1000x128xf32> to vector<1000x64xf32>
    %swap3A_75 = arith.constant 0 : index
    %swap3A_76 = arith.constant 0 : index
    %swap3A_77 = vector.load %arg13[%swap3A_75, %swap3A_76] : memref<1000x64xf32, #tpu.memory_space<vmem>>, vector<1000x64xf32>
    tpu.vector_store %arg13[%swap3A_75, %swap3A_76], %slice3A_74 {strides = array<i32>} : memref<1000x64xf32, #tpu.memory_space<vmem>>, vector<1000x64xf32>,
    %slice3A_78 = vector.extract_strided_slice %add3A_71 {offsets = [0, 64], sizes = [1000, 64], strides = [1, 1]} : vector<1000x128xf32> to vector<1000x64xf32>
    %swap3A_79 = arith.constant 0 : index
    %swap3A_80 = arith.constant 0 : index
    %swap3A_81 = vector.load %arg14[%swap3A_79, %swap3A_80] : memref<1000x64xf32, #tpu.memory_space<vmem>>, vector<1000x64xf32>
    tpu.vector_store %arg14[%swap3A_79, %swap3A_80], %slice3A_78 {strides = array<i32>} : memref<1000x64xf32, #tpu.memory_space<vmem>>, vector<1000x64xf32>,
    return
  }
  func.func @transform_0(%arg0: i32) -> (i32, i32) {
    %c0_i32 = arith.constant 0 : i32
    %c0_i32_0 = arith.constant 0 : i32
    return %arg0, %c0_i32 : i32, i32
  }
  func.func @transform_1(%arg0: i32) -> (i32, i32) {
    %c0_i32 = arith.constant 0 : i32
    %c0_i32_0 = arith.constant 0 : i32
    return %arg0, %c0_i32 : i32, i32
  }
  func.func @transform_2(%arg0: i32) -> (i32, i32) {
    %c0_i32 = arith.constant 0 : i32
    %c0_i32_0 = arith.constant 0 : i32
    return %arg0, %c0_i32 : i32, i32
  }
  func.func @transform_3(%arg0: i32) -> (i32, i32) {
    %c0_i32 = arith.constant 0 : i32
    %c0_i32_0 = arith.constant 0 : i32
    return %arg0, %c0_i32 : i32, i32
  }
  func.func @transform_4(%arg0: i32) -> (i32, i32) {
    %c0_i32 = arith.constant 0 : i32
    %c0_i32_0 = arith.constant 0 : i32
    %c0_i32_1 = arith.constant 0 : i32
    return %c0_i32, %c0_i32_0 : i32, i32
  }
  func.func @transform_5(%arg0: i32) -> (i32, i32) {
    %c0_i32 = arith.constant 0 : i32
    %c0_i32_0 = arith.constant 0 : i32
    %c0_i32_1 = arith.constant 0 : i32
    return %c0_i32, %c0_i32_0 : i32, i32
  }
  func.func @transform_6(%arg0: i32) -> (i32, i32) {
    %c0_i32 = arith.constant 0 : i32
    %c0_i32_0 = arith.constant 0 : i32
    %c0_i32_1 = arith.constant 0 : i32
    return %c0_i32, %c0_i32_0 : i32, i32
  }
  func.func @transform_7(%arg0: i32) -> (i32, i32) {
    %c0_i32 = arith.constant 0 : i32
    %c0_i32_0 = arith.constant 0 : i32
    %c0_i32_1 = arith.constant 0 : i32
    return %c0_i32, %c0_i32_0 : i32, i32
  }
  func.func @transform_8(%arg0: i32) -> (i32, i32) {
    %c0_i32 = arith.constant 0 : i32
    %c0_i32_0 = arith.constant 0 : i32
    %c0_i32_1 = arith.constant 0 : i32
    return %c0_i32, %c0_i32_0 : i32, i32
  }
  func.func @transform_9(%arg0: i32) -> (i32, i32) {
    %c0_i32 = arith.constant 0 : i32
    %c0_i32_0 = arith.constant 0 : i32
    %c0_i32_1 = arith.constant 0 : i32
    return %c0_i32, %c0_i32_0 : i32, i32
  }
  func.func @transform_10(%arg0: i32) -> (i32, i32) {
    %c0_i32 = arith.constant 0 : i32
    %c0_i32_0 = arith.constant 0 : i32
    %c0_i32_1 = arith.constant 0 : i32
    return %c0_i32, %c0_i32_0 : i32, i32
  }
  func.func @transform_11(%arg0: i32) -> (i32, i32) {
    %c0_i32 = arith.constant 0 : i32
    %c0_i32_0 = arith.constant 0 : i32
    return %arg0, %c0_i32 : i32, i32
  }
  func.func @transform_12(%arg0: i32) -> (i32, i32) {
    %c0_i32 = arith.constant 0 : i32
    %c0_i32_0 = arith.constant 0 : i32
    return %arg0, %c0_i32 : i32, i32
  }
  func.func @transform_13(%arg0: i32) -> (i32, i32) {
    %c0_i32 = arith.constant 0 : i32
    %c0_i32_0 = arith.constant 0 : i32
    return %arg0, %c0_i32 : i32, i32
  }
}

module attributes {stable_mosaic.version = 14 : i64} {
  func.func @body(%arg0: i32, %arg1: memref<1000x128xf32, #tpu.memory_space<vmem>>, %arg2: memref<1000x64xf32, #tpu.memory_space<vmem>>, %arg3: memref<1000x64xf32, #tpu.memory_space<vmem>>, %arg4: memref<1000x16xf32, #tpu.memory_space<vmem>>, %arg5: memref<128x128xf32, #tpu.memory_space<vmem>>, %arg6: memref<128x128xf32, #tpu.memory_space<vmem>>, %arg7: memref<1x128xf32, #tpu.memory_space<vmem>>, %arg8: memref<128x384xf32, #tpu.memory_space<vmem>>, %arg9: memref<128x384xf32, #tpu.memory_space<vmem>>, %arg10: memref<1x384xf32, #tpu.memory_space<vmem>>, %arg11: memref<1x384xf32, #tpu.memory_space<vmem>>, %arg12: memref<1000x128xf32, #tpu.memory_space<vmem>>) attributes {dimension_semantics = [#tpu.dimension_semantics<arbitrary>], iteration_bounds = array<i64: 10>, scalar_prefetch = 0 : i64, scratch_operands = 0 : i64, tpu.core_type = #tpu.core_type<tc>, window_params = [{transform_indices = @transform_0, window_bounds = array<i64: 1000, 128>}, {transform_indices = @transform_1, window_bounds = array<i64: 1000, 64>}, {transform_indices = @transform_2, window_bounds = array<i64: 1000, 64>}, {transform_indices = @transform_3, window_bounds = array<i64: 1000, 16>}, {pipeline_mode = #tpu.pipeline_mode<synchronous>, transform_indices = @transform_4, window_bounds = array<i64: 128, 128>}, {pipeline_mode = #tpu.pipeline_mode<synchronous>, transform_indices = @transform_5, window_bounds = array<i64: 128, 128>}, {pipeline_mode = #tpu.pipeline_mode<synchronous>, transform_indices = @transform_6, window_bounds = array<i64: 1, 128>}, {pipeline_mode = #tpu.pipeline_mode<synchronous>, transform_indices = @transform_7, window_bounds = array<i64: 128, 384>}, {pipeline_mode = #tpu.pipeline_mode<synchronous>, transform_indices = @transform_8, window_bounds = array<i64: 128, 384>}, {pipeline_mode = #tpu.pipeline_mode<synchronous>, transform_indices = @transform_9, window_bounds = array<i64: 1, 384>}, {pipeline_mode = #tpu.pipeline_mode<synchronous>, transform_indices = @transform_10, window_bounds = array<i64: 1, 384>}, {transform_indices = @transform_11, window_bounds = array<i64: 1000, 128>}]} {
    %get3A = arith.constant 0 : index
    %get3A_0 = arith.constant 0 : index
    %get3A_1 = vector.load %arg2[%get3A, %get3A_0] : memref<1000x64xf32, #tpu.memory_space<vmem>>, vector<1000x64xf32>
    %get3A_2 = arith.constant 0 : index
    %get3A_3 = arith.constant 0 : index
    %get3A_4 = vector.load %arg3[%get3A_2, %get3A_3] : memref<1000x64xf32, #tpu.memory_space<vmem>>, vector<1000x64xf32>
    %concatenate3A = tpu.concatenate %get3A_1, %get3A_4 in 1 : vector<1000x64xf32>, vector<1000x64xf32> -> vector<1000x128xf32>
    %get3A_5 = arith.constant 0 : index
    %get3A_6 = arith.constant 0 : index
    %get3A_7 = vector.load %arg4[%get3A_5, %get3A_6] : memref<1000x16xf32, #tpu.memory_space<vmem>>, vector<1000x16xf32>
    %get3A_8 = arith.constant 0 : index
    %get3A_9 = arith.constant 0 : index
    %get3A_10 = vector.load %arg1[%get3A_8, %get3A_9] : memref<1000x128xf32, #tpu.memory_space<vmem>>, vector<1000x128xf32>
    %get3A_11 = arith.constant 0 : index
    %get3A_12 = arith.constant 0 : index
    %get3A_13 = vector.load %arg5[%get3A_11, %get3A_12] : memref<128x128xf32, #tpu.memory_space<vmem>>, vector<128x128xf32>
    %get3A_14 = arith.constant 0 : index
    %get3A_15 = arith.constant 0 : index
    %get3A_16 = vector.load %arg6[%get3A_14, %get3A_15] : memref<128x128xf32, #tpu.memory_space<vmem>>, vector<128x128xf32>
    %get3A_17 = arith.constant 0 : index
    %get3A_18 = arith.constant 0 : index
    %get3A_19 = vector.load %arg7[%get3A_17, %get3A_18] : memref<1x128xf32, #tpu.memory_space<vmem>>, vector<1x128xf32>
    %get3A_20 = arith.constant 0 : index
    %get3A_21 = arith.constant 0 : index
    %get3A_22 = vector.load %arg8[%get3A_20, %get3A_21] : memref<128x384xf32, #tpu.memory_space<vmem>>, vector<128x384xf32>
    %get3A_23 = arith.constant 0 : index
    %get3A_24 = arith.constant 0 : index
    %get3A_25 = vector.load %arg9[%get3A_23, %get3A_24] : memref<128x384xf32, #tpu.memory_space<vmem>>, vector<128x384xf32>
    %get3A_26 = arith.constant 0 : index
    %get3A_27 = arith.constant 0 : index
    %get3A_28 = vector.load %arg10[%get3A_26, %get3A_27] : memref<1x384xf32, #tpu.memory_space<vmem>>, vector<1x384xf32>
    %get3A_29 = arith.constant 0 : index
    %get3A_30 = arith.constant 0 : index
    %get3A_31 = vector.load %arg11[%get3A_29, %get3A_30] : memref<1x384xf32, #tpu.memory_space<vmem>>, vector<1x384xf32>
    %slice3A = vector.extract_strided_slice %get3A_7 {offsets = [0, 0], sizes = [1000, 1], strides = [1, 1]} : vector<1000x16xf32> to vector<1000x1xf32>
    %dot_general3A = arith.constant dense<0.000000e+00> : vector<1000x128xf32>
    %dot_general3A_32 = tpu.matmul %concatenate3A, %get3A_13, %dot_general3A {dimension_numbers = #tpu.dot_dimension_numbers<[1], [0], [0], [1], [0, 0, 1, 1], [], []>, transpose_lhs_hint = false} : vector<1000x128xf32>, vector<128x128xf32>, vector<1000x128xf32> -> vector<1000x128xf32>
    %dot_general3A_33 = arith.constant dense<0.000000e+00> : vector<1000x128xf32>
    %dot_general3A_34 = tpu.matmul %get3A_10, %get3A_16, %dot_general3A_33 {dimension_numbers = #tpu.dot_dimension_numbers<[1], [0], [0], [1], [0, 0, 1, 1], [], []>, transpose_lhs_hint = false} : vector<1000x128xf32>, vector<128x128xf32>, vector<1000x128xf32> -> vector<1000x128xf32>
    %add3A = vector.broadcast %get3A_19 : vector<1x128xf32> to vector<1000x128xf32>
    %add3A_35 = arith.addf %dot_general3A_34, %add3A : vector<1000x128xf32>
    %mul3A = vector.broadcast %slice3A : vector<1000x1xf32> to vector<1000x128xf32>
    %mul3A_36 = arith.mulf %mul3A, %add3A_35 : vector<1000x128xf32>
    %add3A_37 = arith.addf %dot_general3A_32, %mul3A_36 : vector<1000x128xf32>
    %dot_general3A_38 = arith.constant dense<0.000000e+00> : vector<1000x384xf32>
    %dot_general3A_39 = tpu.matmul %add3A_37, %get3A_22, %dot_general3A_38 {dimension_numbers = #tpu.dot_dimension_numbers<[1], [0], [0], [1], [0, 0, 1, 1], [], []>, transpose_lhs_hint = false} : vector<1000x128xf32>, vector<128x384xf32>, vector<1000x384xf32> -> vector<1000x384xf32>
    %add3A_40 = vector.broadcast %get3A_28 : vector<1x384xf32> to vector<1000x384xf32>
    %add3A_41 = arith.addf %dot_general3A_39, %add3A_40 : vector<1000x384xf32>
    %dot_general3A_42 = arith.constant dense<0.000000e+00> : vector<1000x384xf32>
    %dot_general3A_43 = tpu.matmul %get3A_10, %get3A_25, %dot_general3A_42 {dimension_numbers = #tpu.dot_dimension_numbers<[1], [0], [0], [1], [0, 0, 1, 1], [], []>, transpose_lhs_hint = false} : vector<1000x128xf32>, vector<128x384xf32>, vector<1000x384xf32> -> vector<1000x384xf32>
    %add3A_44 = vector.broadcast %get3A_31 : vector<1x384xf32> to vector<1000x384xf32>
    %add3A_45 = arith.addf %dot_general3A_43, %add3A_44 : vector<1000x384xf32>
    %slice3A_46 = vector.extract_strided_slice %add3A_41 {offsets = [0, 0], sizes = [1000, 128], strides = [1, 1]} : vector<1000x384xf32> to vector<1000x128xf32>
    %slice3A_47 = vector.extract_strided_slice %add3A_45 {offsets = [0, 0], sizes = [1000, 128], strides = [1, 1]} : vector<1000x384xf32> to vector<1000x128xf32>
    %add3A_48 = arith.addf %slice3A_46, %slice3A_47 : vector<1000x128xf32>
    %logistic3A = arith.negf %add3A_48 : vector<1000x128xf32>
    %logistic3A_49 = math.exp %logistic3A : vector<1000x128xf32>
    %logistic3A_50 = arith.constant 1.000000e+00 : f32
    %logistic3A_51 = vector.broadcast %logistic3A_50 : f32 to vector<1000x128xf32>
    %logistic3A_52 = arith.addf %logistic3A_51, %logistic3A_49 : vector<1000x128xf32>
    %logistic3A_53 = arith.divf %logistic3A_51, %logistic3A_52 : vector<1000x128xf32>
    %slice3A_54 = vector.extract_strided_slice %add3A_41 {offsets = [0, 128], sizes = [1000, 128], strides = [1, 1]} : vector<1000x384xf32> to vector<1000x128xf32>
    %slice3A_55 = vector.extract_strided_slice %add3A_45 {offsets = [0, 128], sizes = [1000, 128], strides = [1, 1]} : vector<1000x384xf32> to vector<1000x128xf32>
    %add3A_56 = arith.addf %slice3A_54, %slice3A_55 : vector<1000x128xf32>
    %logistic3A_57 = arith.negf %add3A_56 : vector<1000x128xf32>
    %logistic3A_58 = math.exp %logistic3A_57 : vector<1000x128xf32>
    %logistic3A_59 = arith.constant 1.000000e+00 : f32
    %logistic3A_60 = vector.broadcast %logistic3A_59 : f32 to vector<1000x128xf32>
    %logistic3A_61 = arith.addf %logistic3A_60, %logistic3A_58 : vector<1000x128xf32>
    %logistic3A_62 = arith.divf %logistic3A_60, %logistic3A_61 : vector<1000x128xf32>
    %slice3A_63 = vector.extract_strided_slice %add3A_41 {offsets = [0, 256], sizes = [1000, 128], strides = [1, 1]} : vector<1000x384xf32> to vector<1000x128xf32>
    %slice3A_64 = vector.extract_strided_slice %add3A_45 {offsets = [0, 256], sizes = [1000, 128], strides = [1, 1]} : vector<1000x384xf32> to vector<1000x128xf32>
    %mul3A_65 = arith.mulf %logistic3A_53, %slice3A_64 : vector<1000x128xf32>
    %add3A_66 = arith.addf %slice3A_63, %mul3A_65 : vector<1000x128xf32>
    %tanh3A = math.tanh %add3A_66 : vector<1000x128xf32>
    %sub3A = arith.constant 1.000000e+00 : f32
    %sub3A_67 = vector.broadcast %sub3A : f32 to vector<1000x128xf32>
    %sub3A_68 = arith.subf %sub3A_67, %logistic3A_62 : vector<1000x128xf32>
    %mul3A_69 = arith.mulf %sub3A_68, %tanh3A : vector<1000x128xf32>
    %mul3A_70 = arith.mulf %logistic3A_62, %get3A_10 : vector<1000x128xf32>
    %add3A_71 = arith.addf %mul3A_69, %mul3A_70 : vector<1000x128xf32>
    %swap3A = arith.constant 0 : index
    %swap3A_72 = arith.constant 0 : index
    %swap3A_73 = vector.load %arg12[%swap3A, %swap3A_72] : memref<1000x128xf32, #tpu.memory_space<vmem>>, vector<1000x128xf32>
    tpu.vector_store %arg12[%swap3A, %swap3A_72], %add3A_71 {strides = array<i32>} : memref<1000x128xf32, #tpu.memory_space<vmem>>, vector<1000x128xf32>,
    return
  }
  func.func @transform_0(%arg0: i32) -> (i32, i32) {
    %c0_i32 = arith.constant 0 : i32
    %c0_i32_0 = arith.constant 0 : i32
    return %arg0, %c0_i32 : i32, i32
  }
  func.func @transform_1(%arg0: i32) -> (i32, i32) {
    %c0_i32 = arith.constant 0 : i32
    %c0_i32_0 = arith.constant 0 : i32
    return %arg0, %c0_i32 : i32, i32
  }
  func.func @transform_2(%arg0: i32) -> (i32, i32) {
    %c0_i32 = arith.constant 0 : i32
    %c0_i32_0 = arith.constant 0 : i32
    return %arg0, %c0_i32 : i32, i32
  }
  func.func @transform_3(%arg0: i32) -> (i32, i32) {
    %c0_i32 = arith.constant 0 : i32
    %c0_i32_0 = arith.constant 0 : i32
    return %arg0, %c0_i32 : i32, i32
  }
  func.func @transform_4(%arg0: i32) -> (i32, i32) {
    %c0_i32 = arith.constant 0 : i32
    %c0_i32_0 = arith.constant 0 : i32
    %c0_i32_1 = arith.constant 0 : i32
    return %c0_i32, %c0_i32_0 : i32, i32
  }
  func.func @transform_5(%arg0: i32) -> (i32, i32) {
    %c0_i32 = arith.constant 0 : i32
    %c0_i32_0 = arith.constant 0 : i32
    %c0_i32_1 = arith.constant 0 : i32
    return %c0_i32, %c0_i32_0 : i32, i32
  }
  func.func @transform_6(%arg0: i32) -> (i32, i32) {
    %c0_i32 = arith.constant 0 : i32
    %c0_i32_0 = arith.constant 0 : i32
    %c0_i32_1 = arith.constant 0 : i32
    return %c0_i32, %c0_i32_0 : i32, i32
  }
  func.func @transform_7(%arg0: i32) -> (i32, i32) {
    %c0_i32 = arith.constant 0 : i32
    %c0_i32_0 = arith.constant 0 : i32
    %c0_i32_1 = arith.constant 0 : i32
    return %c0_i32, %c0_i32_0 : i32, i32
  }
  func.func @transform_8(%arg0: i32) -> (i32, i32) {
    %c0_i32 = arith.constant 0 : i32
    %c0_i32_0 = arith.constant 0 : i32
    %c0_i32_1 = arith.constant 0 : i32
    return %c0_i32, %c0_i32_0 : i32, i32
  }
  func.func @transform_9(%arg0: i32) -> (i32, i32) {
    %c0_i32 = arith.constant 0 : i32
    %c0_i32_0 = arith.constant 0 : i32
    %c0_i32_1 = arith.constant 0 : i32
    return %c0_i32, %c0_i32_0 : i32, i32
  }
  func.func @transform_10(%arg0: i32) -> (i32, i32) {
    %c0_i32 = arith.constant 0 : i32
    %c0_i32_0 = arith.constant 0 : i32
    %c0_i32_1 = arith.constant 0 : i32
    return %c0_i32, %c0_i32_0 : i32, i32
  }
  func.func @transform_11(%arg0: i32) -> (i32, i32) {
    %c0_i32 = arith.constant 0 : i32
    %c0_i32_0 = arith.constant 0 : i32
    return %arg0, %c0_i32 : i32, i32
  }
}

module attributes {stable_mosaic.version = 14 : i64} {
  func.func @body(%arg0: i32, %arg1: memref<1000x128xf32, #tpu.memory_space<vmem>>, %arg2: memref<1000x64xf32, #tpu.memory_space<vmem>>, %arg3: memref<1000x64xf32, #tpu.memory_space<vmem>>, %arg4: memref<1000x16xf32, #tpu.memory_space<vmem>>, %arg5: memref<128x128xf32, #tpu.memory_space<vmem>>, %arg6: memref<128x128xf32, #tpu.memory_space<vmem>>, %arg7: memref<16x128xf32, #tpu.memory_space<vmem>>, %arg8: memref<1x128xf32, #tpu.memory_space<vmem>>, %arg9: memref<1000x128xf32, #tpu.memory_space<vmem>>, %arg10: memref<1000x64xf32, #tpu.memory_space<vmem>>, %arg11: memref<1000x64xf32, #tpu.memory_space<vmem>>) attributes {dimension_semantics = [#tpu.dimension_semantics<arbitrary>], iteration_bounds = array<i64: 10>, scalar_prefetch = 0 : i64, scratch_operands = 0 : i64, tpu.core_type = #tpu.core_type<tc>, window_params = [{transform_indices = @transform_0, window_bounds = array<i64: 1000, 128>}, {transform_indices = @transform_1, window_bounds = array<i64: 1000, 64>}, {transform_indices = @transform_2, window_bounds = array<i64: 1000, 64>}, {transform_indices = @transform_3, window_bounds = array<i64: 1000, 16>}, {pipeline_mode = #tpu.pipeline_mode<synchronous>, transform_indices = @transform_4, window_bounds = array<i64: 128, 128>}, {pipeline_mode = #tpu.pipeline_mode<synchronous>, transform_indices = @transform_5, window_bounds = array<i64: 128, 128>}, {pipeline_mode = #tpu.pipeline_mode<synchronous>, transform_indices = @transform_6, window_bounds = array<i64: 16, 128>}, {pipeline_mode = #tpu.pipeline_mode<synchronous>, transform_indices = @transform_7, window_bounds = array<i64: 1, 128>}, {transform_indices = @transform_8, window_bounds = array<i64: 1000, 128>}, {transform_indices = @transform_9, window_bounds = array<i64: 1000, 64>}, {transform_indices = @transform_10, window_bounds = array<i64: 1000, 64>}]} {
    %get3A = arith.constant 0 : index
    %get3A_0 = arith.constant 0 : index
    %get3A_1 = vector.load %arg4[%get3A, %get3A_0] : memref<1000x16xf32, #tpu.memory_space<vmem>>, vector<1000x16xf32>
    %slice3A = vector.extract_strided_slice %get3A_1 {offsets = [0, 6], sizes = [1000, 1], strides = [1, 1]} : vector<1000x16xf32> to vector<1000x1xf32>
    %get3A_2 = arith.constant 0 : index
    %get3A_3 = arith.constant 0 : index
    %get3A_4 = vector.load %arg2[%get3A_2, %get3A_3] : memref<1000x64xf32, #tpu.memory_space<vmem>>, vector<1000x64xf32>
    %get3A_5 = arith.constant 0 : index
    %get3A_6 = arith.constant 0 : index
    %get3A_7 = vector.load %arg3[%get3A_5, %get3A_6] : memref<1000x64xf32, #tpu.memory_space<vmem>>, vector<1000x64xf32>
    %concatenate3A = tpu.concatenate %get3A_4, %get3A_7 in 1 : vector<1000x64xf32>, vector<1000x64xf32> -> vector<1000x128xf32>
    %get3A_8 = arith.constant 0 : index
    %get3A_9 = arith.constant 0 : index
    %get3A_10 = vector.load %arg1[%get3A_8, %get3A_9] : memref<1000x128xf32, #tpu.memory_space<vmem>>, vector<1000x128xf32>
    %get3A_11 = arith.constant 0 : index
    %get3A_12 = arith.constant 0 : index
    %get3A_13 = vector.load %arg5[%get3A_11, %get3A_12] : memref<128x128xf32, #tpu.memory_space<vmem>>, vector<128x128xf32>
    %dot_general3A = arith.constant dense<0.000000e+00> : vector<1000x128xf32>
    %dot_general3A_14 = tpu.matmul %concatenate3A, %get3A_13, %dot_general3A {dimension_numbers = #tpu.dot_dimension_numbers<[1], [0], [0], [1], [0, 0, 1, 1], [], []>, transpose_lhs_hint = false} : vector<1000x128xf32>, vector<128x128xf32>, vector<1000x128xf32> -> vector<1000x128xf32>
    %add3A = arith.addf %get3A_10, %dot_general3A_14 : vector<1000x128xf32>
    %get3A_15 = arith.constant 0 : index
    %get3A_16 = arith.constant 0 : index
    %get3A_17 = vector.load %arg1[%get3A_15, %get3A_16] : memref<1000x128xf32, #tpu.memory_space<vmem>>, vector<1000x128xf32>
    %get3A_18 = arith.constant 0 : index
    %get3A_19 = arith.constant 0 : index
    %get3A_20 = vector.load %arg6[%get3A_18, %get3A_19] : memref<128x128xf32, #tpu.memory_space<vmem>>, vector<128x128xf32>
    %dot_general3A_21 = arith.constant dense<0.000000e+00> : vector<1000x128xf32>
    %dot_general3A_22 = tpu.matmul %get3A_17, %get3A_20, %dot_general3A_21 {dimension_numbers = #tpu.dot_dimension_numbers<[1], [0], [0], [1], [0, 0, 1, 1], [], []>, transpose_lhs_hint = false} : vector<1000x128xf32>, vector<128x128xf32>, vector<1000x128xf32> -> vector<1000x128xf32>
    %get3A_23 = arith.constant 0 : index
    %get3A_24 = arith.constant 0 : index
    %get3A_25 = vector.load %arg8[%get3A_23, %get3A_24] : memref<1x128xf32, #tpu.memory_space<vmem>>, vector<1x128xf32>
    %add3A_26 = vector.broadcast %get3A_25 : vector<1x128xf32> to vector<1000x128xf32>
    %add3A_27 = arith.addf %dot_general3A_22, %add3A_26 : vector<1000x128xf32>
    %mul3A = vector.broadcast %slice3A : vector<1000x1xf32> to vector<1000x128xf32>
    %mul3A_28 = arith.mulf %mul3A, %add3A_27 : vector<1000x128xf32>
    %add3A_29 = arith.addf %add3A, %mul3A_28 : vector<1000x128xf32>
    %get3A_30 = arith.constant 0 : index
    %get3A_31 = arith.constant 0 : index
    %get3A_32 = vector.load %arg7[%get3A_30, %get3A_31] : memref<16x128xf32, #tpu.memory_space<vmem>>, vector<16x128xf32>
    %dot_general3A_33 = arith.constant dense<0.000000e+00> : vector<1000x128xf32>
    %dot_general3A_34 = tpu.matmul %get3A_1, %get3A_32, %dot_general3A_33 {dimension_numbers = #tpu.dot_dimension_numbers<[1], [0], [0], [1], [0, 0, 1, 1], [], []>, transpose_lhs_hint = false} : vector<1000x16xf32>, vector<16x128xf32>, vector<1000x128xf32> -> vector<1000x128xf32>
    %add3A_35 = arith.addf %add3A_29, %dot_general3A_34 : vector<1000x128xf32>
    %swap3A = arith.constant 0 : index
    %swap3A_36 = arith.constant 0 : index
    %swap3A_37 = vector.load %arg9[%swap3A, %swap3A_36] : memref<1000x128xf32, #tpu.memory_space<vmem>>, vector<1000x128xf32>
    tpu.vector_store %arg9[%swap3A, %swap3A_36], %add3A_35 {strides = array<i32>} : memref<1000x128xf32, #tpu.memory_space<vmem>>, vector<1000x128xf32>,
    %slice3A_38 = vector.extract_strided_slice %add3A_35 {offsets = [0, 0], sizes = [1000, 64], strides = [1, 1]} : vector<1000x128xf32> to vector<1000x64xf32>
    %swap3A_39 = arith.constant 0 : index
    %swap3A_40 = arith.constant 0 : index
    %swap3A_41 = vector.load %arg10[%swap3A_39, %swap3A_40] : memref<1000x64xf32, #tpu.memory_space<vmem>>, vector<1000x64xf32>
    tpu.vector_store %arg10[%swap3A_39, %swap3A_40], %slice3A_38 {strides = array<i32>} : memref<1000x64xf32, #tpu.memory_space<vmem>>, vector<1000x64xf32>,
    %slice3A_42 = vector.extract_strided_slice %add3A_35 {offsets = [0, 64], sizes = [1000, 64], strides = [1, 1]} : vector<1000x128xf32> to vector<1000x64xf32>
    %swap3A_43 = arith.constant 0 : index
    %swap3A_44 = arith.constant 0 : index
    %swap3A_45 = vector.load %arg11[%swap3A_43, %swap3A_44] : memref<1000x64xf32, #tpu.memory_space<vmem>>, vector<1000x64xf32>
    tpu.vector_store %arg11[%swap3A_43, %swap3A_44], %slice3A_42 {strides = array<i32>} : memref<1000x64xf32, #tpu.memory_space<vmem>>, vector<1000x64xf32>,
    return
  }
  func.func @transform_0(%arg0: i32) -> (i32, i32) {
    %c0_i32 = arith.constant 0 : i32
    %c0_i32_0 = arith.constant 0 : i32
    return %arg0, %c0_i32 : i32, i32
  }
  func.func @transform_1(%arg0: i32) -> (i32, i32) {
    %c0_i32 = arith.constant 0 : i32
    %c0_i32_0 = arith.constant 0 : i32
    return %arg0, %c0_i32 : i32, i32
  }
  func.func @transform_2(%arg0: i32) -> (i32, i32) {
    %c0_i32 = arith.constant 0 : i32
    %c0_i32_0 = arith.constant 0 : i32
    return %arg0, %c0_i32 : i32, i32
  }
  func.func @transform_3(%arg0: i32) -> (i32, i32) {
    %c0_i32 = arith.constant 0 : i32
    %c0_i32_0 = arith.constant 0 : i32
    return %arg0, %c0_i32 : i32, i32
  }
  func.func @transform_4(%arg0: i32) -> (i32, i32) {
    %c0_i32 = arith.constant 0 : i32
    %c0_i32_0 = arith.constant 0 : i32
    %c0_i32_1 = arith.constant 0 : i32
    return %c0_i32, %c0_i32_0 : i32, i32
  }
  func.func @transform_5(%arg0: i32) -> (i32, i32) {
    %c0_i32 = arith.constant 0 : i32
    %c0_i32_0 = arith.constant 0 : i32
    %c0_i32_1 = arith.constant 0 : i32
    return %c0_i32, %c0_i32_0 : i32, i32
  }
  func.func @transform_6(%arg0: i32) -> (i32, i32) {
    %c0_i32 = arith.constant 0 : i32
    %c0_i32_0 = arith.constant 0 : i32
    %c0_i32_1 = arith.constant 0 : i32
    return %c0_i32, %c0_i32_0 : i32, i32
  }
  func.func @transform_7(%arg0: i32) -> (i32, i32) {
    %c0_i32 = arith.constant 0 : i32
    %c0_i32_0 = arith.constant 0 : i32
    %c0_i32_1 = arith.constant 0 : i32
    return %c0_i32, %c0_i32_0 : i32, i32
  }
  func.func @transform_8(%arg0: i32) -> (i32, i32) {
    %c0_i32 = arith.constant 0 : i32
    %c0_i32_0 = arith.constant 0 : i32
    return %arg0, %c0_i32 : i32, i32
  }
  func.func @transform_9(%arg0: i32) -> (i32, i32) {
    %c0_i32 = arith.constant 0 : i32
    %c0_i32_0 = arith.constant 0 : i32
    return %arg0, %c0_i32 : i32, i32
  }
  func.func @transform_10(%arg0: i32) -> (i32, i32) {
    %c0_i32 = arith.constant 0 : i32
    %c0_i32_0 = arith.constant 0 : i32
    return %arg0, %c0_i32 : i32, i32
  }
}

module attributes {stable_mosaic.version = 14 : i64} {
  func.func @body(%arg0: i32, %arg1: memref<1000x128xf32, #tpu.memory_space<vmem>>, %arg2: memref<1000x64xf32, #tpu.memory_space<vmem>>, %arg3: memref<1000x64xf32, #tpu.memory_space<vmem>>, %arg4: memref<1000x16xf32, #tpu.memory_space<vmem>>, %arg5: memref<128x128xf32, #tpu.memory_space<vmem>>, %arg6: memref<128x128xf32, #tpu.memory_space<vmem>>, %arg7: memref<16x128xf32, #tpu.memory_space<vmem>>, %arg8: memref<1x128xf32, #tpu.memory_space<vmem>>, %arg9: memref<1000x128xf32, #tpu.memory_space<vmem>>) attributes {dimension_semantics = [#tpu.dimension_semantics<arbitrary>], iteration_bounds = array<i64: 10>, scalar_prefetch = 0 : i64, scratch_operands = 0 : i64, tpu.core_type = #tpu.core_type<tc>, window_params = [{transform_indices = @transform_0, window_bounds = array<i64: 1000, 128>}, {transform_indices = @transform_1, window_bounds = array<i64: 1000, 64>}, {transform_indices = @transform_2, window_bounds = array<i64: 1000, 64>}, {transform_indices = @transform_3, window_bounds = array<i64: 1000, 16>}, {pipeline_mode = #tpu.pipeline_mode<synchronous>, transform_indices = @transform_4, window_bounds = array<i64: 128, 128>}, {pipeline_mode = #tpu.pipeline_mode<synchronous>, transform_indices = @transform_5, window_bounds = array<i64: 128, 128>}, {pipeline_mode = #tpu.pipeline_mode<synchronous>, transform_indices = @transform_6, window_bounds = array<i64: 16, 128>}, {pipeline_mode = #tpu.pipeline_mode<synchronous>, transform_indices = @transform_7, window_bounds = array<i64: 1, 128>}, {transform_indices = @transform_8, window_bounds = array<i64: 1000, 128>}]} {
    %get3A = arith.constant 0 : index
    %get3A_0 = arith.constant 0 : index
    %get3A_1 = vector.load %arg4[%get3A, %get3A_0] : memref<1000x16xf32, #tpu.memory_space<vmem>>, vector<1000x16xf32>
    %slice3A = vector.extract_strided_slice %get3A_1 {offsets = [0, 6], sizes = [1000, 1], strides = [1, 1]} : vector<1000x16xf32> to vector<1000x1xf32>
    %get3A_2 = arith.constant 0 : index
    %get3A_3 = arith.constant 0 : index
    %get3A_4 = vector.load %arg2[%get3A_2, %get3A_3] : memref<1000x64xf32, #tpu.memory_space<vmem>>, vector<1000x64xf32>
    %get3A_5 = arith.constant 0 : index
    %get3A_6 = arith.constant 0 : index
    %get3A_7 = vector.load %arg3[%get3A_5, %get3A_6] : memref<1000x64xf32, #tpu.memory_space<vmem>>, vector<1000x64xf32>
    %concatenate3A = tpu.concatenate %get3A_4, %get3A_7 in 1 : vector<1000x64xf32>, vector<1000x64xf32> -> vector<1000x128xf32>
    %get3A_8 = arith.constant 0 : index
    %get3A_9 = arith.constant 0 : index
    %get3A_10 = vector.load %arg1[%get3A_8, %get3A_9] : memref<1000x128xf32, #tpu.memory_space<vmem>>, vector<1000x128xf32>
    %get3A_11 = arith.constant 0 : index
    %get3A_12 = arith.constant 0 : index
    %get3A_13 = vector.load %arg5[%get3A_11, %get3A_12] : memref<128x128xf32, #tpu.memory_space<vmem>>, vector<128x128xf32>
    %dot_general3A = arith.constant dense<0.000000e+00> : vector<1000x128xf32>
    %dot_general3A_14 = tpu.matmul %concatenate3A, %get3A_13, %dot_general3A {dimension_numbers = #tpu.dot_dimension_numbers<[1], [0], [0], [1], [0, 0, 1, 1], [], []>, transpose_lhs_hint = false} : vector<1000x128xf32>, vector<128x128xf32>, vector<1000x128xf32> -> vector<1000x128xf32>
    %add3A = arith.addf %get3A_10, %dot_general3A_14 : vector<1000x128xf32>
    %get3A_15 = arith.constant 0 : index
    %get3A_16 = arith.constant 0 : index
    %get3A_17 = vector.load %arg1[%get3A_15, %get3A_16] : memref<1000x128xf32, #tpu.memory_space<vmem>>, vector<1000x128xf32>
    %get3A_18 = arith.constant 0 : index
    %get3A_19 = arith.constant 0 : index
    %get3A_20 = vector.load %arg6[%get3A_18, %get3A_19] : memref<128x128xf32, #tpu.memory_space<vmem>>, vector<128x128xf32>
    %dot_general3A_21 = arith.constant dense<0.000000e+00> : vector<1000x128xf32>
    %dot_general3A_22 = tpu.matmul %get3A_17, %get3A_20, %dot_general3A_21 {dimension_numbers = #tpu.dot_dimension_numbers<[1], [0], [0], [1], [0, 0, 1, 1], [], []>, transpose_lhs_hint = false} : vector<1000x128xf32>, vector<128x128xf32>, vector<1000x128xf32> -> vector<1000x128xf32>
    %get3A_23 = arith.constant 0 : index
    %get3A_24 = arith.constant 0 : index
    %get3A_25 = vector.load %arg8[%get3A_23, %get3A_24] : memref<1x128xf32, #tpu.memory_space<vmem>>, vector<1x128xf32>
    %add3A_26 = vector.broadcast %get3A_25 : vector<1x128xf32> to vector<1000x128xf32>
    %add3A_27 = arith.addf %dot_general3A_22, %add3A_26 : vector<1000x128xf32>
    %mul3A = vector.broadcast %slice3A : vector<1000x1xf32> to vector<1000x128xf32>
    %mul3A_28 = arith.mulf %mul3A, %add3A_27 : vector<1000x128xf32>
    %add3A_29 = arith.addf %add3A, %mul3A_28 : vector<1000x128xf32>
    %get3A_30 = arith.constant 0 : index
    %get3A_31 = arith.constant 0 : index
    %get3A_32 = vector.load %arg7[%get3A_30, %get3A_31] : memref<16x128xf32, #tpu.memory_space<vmem>>, vector<16x128xf32>
    %dot_general3A_33 = arith.constant dense<0.000000e+00> : vector<1000x128xf32>
    %dot_general3A_34 = tpu.matmul %get3A_1, %get3A_32, %dot_general3A_33 {dimension_numbers = #tpu.dot_dimension_numbers<[1], [0], [0], [1], [0, 0, 1, 1], [], []>, transpose_lhs_hint = false} : vector<1000x16xf32>, vector<16x128xf32>, vector<1000x128xf32> -> vector<1000x128xf32>
    %add3A_35 = arith.addf %add3A_29, %dot_general3A_34 : vector<1000x128xf32>
    %swap3A = arith.constant 0 : index
    %swap3A_36 = arith.constant 0 : index
    %swap3A_37 = vector.load %arg9[%swap3A, %swap3A_36] : memref<1000x128xf32, #tpu.memory_space<vmem>>, vector<1000x128xf32>
    tpu.vector_store %arg9[%swap3A, %swap3A_36], %add3A_35 {strides = array<i32>} : memref<1000x128xf32, #tpu.memory_space<vmem>>, vector<1000x128xf32>,
    return
  }
  func.func @transform_0(%arg0: i32) -> (i32, i32) {
    %c0_i32 = arith.constant 0 : i32
    %c0_i32_0 = arith.constant 0 : i32
    return %arg0, %c0_i32 : i32, i32
  }
  func.func @transform_1(%arg0: i32) -> (i32, i32) {
    %c0_i32 = arith.constant 0 : i32
    %c0_i32_0 = arith.constant 0 : i32
    return %arg0, %c0_i32 : i32, i32
  }
  func.func @transform_2(%arg0: i32) -> (i32, i32) {
    %c0_i32 = arith.constant 0 : i32
    %c0_i32_0 = arith.constant 0 : i32
    return %arg0, %c0_i32 : i32, i32
  }
  func.func @transform_3(%arg0: i32) -> (i32, i32) {
    %c0_i32 = arith.constant 0 : i32
    %c0_i32_0 = arith.constant 0 : i32
    return %arg0, %c0_i32 : i32, i32
  }
  func.func @transform_4(%arg0: i32) -> (i32, i32) {
    %c0_i32 = arith.constant 0 : i32
    %c0_i32_0 = arith.constant 0 : i32
    %c0_i32_1 = arith.constant 0 : i32
    return %c0_i32, %c0_i32_0 : i32, i32
  }
  func.func @transform_5(%arg0: i32) -> (i32, i32) {
    %c0_i32 = arith.constant 0 : i32
    %c0_i32_0 = arith.constant 0 : i32
    %c0_i32_1 = arith.constant 0 : i32
    return %c0_i32, %c0_i32_0 : i32, i32
  }
  func.func @transform_6(%arg0: i32) -> (i32, i32) {
    %c0_i32 = arith.constant 0 : i32
    %c0_i32_0 = arith.constant 0 : i32
    %c0_i32_1 = arith.constant 0 : i32
    return %c0_i32, %c0_i32_0 : i32, i32
  }
  func.func @transform_7(%arg0: i32) -> (i32, i32) {
    %c0_i32 = arith.constant 0 : i32
    %c0_i32_0 = arith.constant 0 : i32
    %c0_i32_1 = arith.constant 0 : i32
    return %c0_i32, %c0_i32_0 : i32, i32
  }
  func.func @transform_8(%arg0: i32) -> (i32, i32) {
    %c0_i32 = arith.constant 0 : i32
    %c0_i32_0 = arith.constant 0 : i32
    return %arg0, %c0_i32 : i32, i32
  }
}

</mosaic_0001>

<sc_bundles>
// kernel: kernel.10.cloned.1.call-start
scs
__scs_entry_jumppad:
0x0: {  	(pc) =	sbr.rel $0x88, $3  }
0x1: {  	(tag) =	ssettag $0x0;
	lr =	simm.s32 $0x1  }
0x2: {  	[smem:$0x3F8B] =	sst lr;
	_ =	strace $0xD0000000  }
0x3: {  	_ = 	snop  }
0x4: {  	_ = 	snop  }
0x5: {  	_ = 	snop  }
0x6: {  	_ = 	snop  }
0x7: {  	_ = 	snop  }
__scs_overlays_trampoline_lowered:
0x8: {  	[smem:$0x3F9A] =	sst s0  }
0x9: {  	[smem:$0x3F9B] =	sst s1  }
0xa: {  	[smem:$0x3F9C] =	sst s2  }
0xb: {  	[smem:$0x3F9D] =	sst s3  }
0xc: {  	[smem:$0x3F9E] =	sst s4  }
0xd: {  	[smem:$0x3F9F] =	sst s5  }
0xe: {  	[smem:$0x3FA0] =	sst s6  }
0xf: {  	[smem:$0x3FA1] =	sst s7  }
0x10: {  	[smem:$0x3FA2] =	sst s8  }
0x11: {  	[smem:$0x3FA3] =	sst s9;
	s0 =	simm.s32 @!p0 $0x0  }
0x12: {  	s1 =	sld [smem:$0x3F89];
	s0 =	simm.s32 @p0 $0x1  }
0x13: {  	[smem:$0x3FA4] =	sst s0;
	s0 =	simm.s32 @!p1 $0x0  }
0x14: {  	s2 =	sld [smem:$0x3F88];
	s0 =	simm.s32 @p1 $0x1  }
0x15: {  	[smem:$0x3FA5] =	sst s0;
	s0 =	simm.s32 @!p2 $0x0  }
0x16: {  	s3 =	sld [smem:$0x3FDB];
	s0 =	simm.s32 @p2 $0x1  }
0x17: {  	s4 =	simm.s32 $0x1BF5;
	[smem:$0x3FA7] =	sst s0  }
0x18: {  	s0 =	sld [smem:$0x3F8A];
	_ =	swait.ge [sflag:s4], $0x0  }
0x19: {  	s7 =	sld [smem:$0x3F8B]  }
0x1a: {  	s8 =	sadd.s32 $0xFFFFE003, lr  }
0x1b: {  	s9 =	sadd.s32 $0xFFFFFEF7, lr;
	s5 =	simm.s32 $0xFFFFFFFF;
	p2 =	slt.u32 s8, $0xFFFFF086  }
0x1c: {  	p1 =	slt.u32 s9, $0xF7A;
	s5 =	simm.s32 @!p2 $0x0  }
0x1d: {  	s5 =	simm.s32 @p1 $0x1;
	p0 =	seq.s32 s7, s2  }
0x1e: {  	s7 =	smul.u32 @!p0 $0xF7A, s2;
	p2 =	seq.s32 @!p0 s5, $0x0  }
0x1f: {  	s9 =	smul.u32 $0xF7A, s1;
	s8 =	simm.s32 @!p0 $0x1BF5;
	p2 =	por !p2, p0  }
0x20: {  	[sflag:s8] =	ssyncset.s32 @!p0 $0xFFFFF086;
	s6 =	sadd.s32 @!p0 s3, s7;
	s7 =	simm.s32 @!p0 $0x108  }
0x21: {  	s3 =	sadd.s32 s3, s9;
	s6 =	sadd.s32 @!p0 $0x88, s6;
	s7 =	simm.s32 @p2 $0x1082  }
0x22: {  	[simem:s7], [sflag:s8] =	dma.local @!p0 [hbm:s6], $0xF7A  }
0x23: {  	s9 =	sor.u32 $0xD0000000, s2;
	s6 =	simm.s32 $0x108;
	_ =	swait.ge @!p0 [sflag:s8], $0x0  }
0x24: {  	s3 =	sadd.s32 $0x88, s3;
	s6 =	simm.s32 @!p1 $0x1082;
	[sflag:s4] =	ssyncset.s32 $0xFFFFF086  }
0x25: {  	[simem:s6], [sflag:s4] =	dma.local [hbm:s3], $0xF7A  }
0x26: {  	[smem:$0x3F8B] =	sst s1;
	(tag) =	ssettag s2;
	_ =	strace s9  }
0x27: {  	s1 =	sld [smem:$0x3F9B]  }
0x28: {  	s2 =	sld [smem:$0x3F9C]  }
0x29: {  	s4 =	sld [smem:$0x3F9E]  }
0x2a: {  	p0 =	seq.s32 s5, $0x0;
	s5 =	sld [smem:$0x3F9F]  }
0x2b: {  	s6 =	sld [smem:$0x3FA0]  }
0x2c: {  	s7 =	sld [smem:$0x3FA1]  }
0x2d: {  	s3 =	simm.s32 $0x108;
	s8 =	sld [smem:$0x3FA2]  }
0x2e: {  	s3 =	simm.s32 @!p0 $0x1082;
	s9 =	sld [smem:$0x3FA3]  }
0x2f: {  	lr =	sadd.s32 s0, s3;
	s0 =	sld [smem:$0x3F9A]  }
0x30: {  	s3 =	sld [smem:$0x3F9D]  }
0x31: {  	[smem:$0x3FA6] =	sst s10  }
0x32: {  	s10 =	sld [smem:$0x3FA4];
	_ =	sdelay $0x3  }
0x33: {  	p0 =	seq.s32 s10, $0x1;
	s10 =	sld [smem:$0x3FA6];
	_ =	sdelay $0x3  }
0x34: {  	[smem:$0x3FA6] =	sst s10  }
0x35: {  	s10 =	sld [smem:$0x3FA5];
	_ =	sdelay $0x3  }
0x36: {  	p1 =	seq.s32 s10, $0x1;
	s10 =	sld [smem:$0x3FA6];
	_ =	sdelay $0x3  }
0x37: {  	[smem:$0x3FA6] =	sst s10  }
0x38: {  	s10 =	sld [smem:$0x3FA7]  }
0x39: {  	_ = 	snop;
	(pc) =	sbr.ind lr, $3  }
0x3a: {  	_ = 	snop  }
0x3b: {  	_ = 	snop  }
0x3c: {  	p2 =	seq.s32 s10, $0x1;
	s10 =	sld [smem:$0x3FA6]  }
0x3d: {  	_ =	shalt  }
0x3e: {  	_ =	shalt  }
0x3f: {  	_ =	shalt  }
0x40: {  	_ =	shalt  }
0x41: {  	_ =	shalt  }
0x42: {  	_ =	shalt  }
0x43: {  	_ =	shalt  }
0x44: {  	_ =	shalt  }
0x45: {  	_ =	shalt  }
0x46: {  	_ =	shalt  }
0x47: {  	_ =	shalt  }
0x48: {  	_ =	shalt  }
0x49: {  	_ =	shalt  }
0x4a: {  	_ =	shalt  }
0x4b: {  	_ =	shalt  }
0x4c: {  	_ =	shalt  }
0x4d: {  	_ =	shalt  }
0x4e: {  	_ =	shalt  }
0x4f: {  	_ =	shalt  }
0x50: {  	_ =	shalt  }
0x51: {  	_ =	shalt  }
0x52: {  	_ =	shalt  }
0x53: {  	_ =	shalt  }
0x54: {  	_ =	shalt  }
0x55: {  	_ =	shalt  }
0x56: {  	_ =	shalt  }
0x57: {  	_ =	shalt  }
0x58: {  	_ =	shalt  }
0x59: {  	_ =	shalt  }
0x5a: {  	_ =	shalt  }
0x5b: {  	_ =	shalt  }
0x5c: {  	_ =	shalt  }
0x5d: {  	_ =	shalt  }
0x5e: {  	_ =	shalt  }
0x5f: {  	_ =	shalt  }
0x60: {  	_ =	shalt  }
0x61: {  	_ =	shalt  }
0x62: {  	_ =	shalt  }
0x63: {  	_ =	shalt  }
0x64: {  	_ =	shalt  }
0x65: {  	_ =	shalt  }
0x66: {  	_ =	shalt  }
0x67: {  	_ =	shalt  }
0x68: {  	_ =	shalt  }
0x69: {  	_ =	shalt  }
0x6a: {  	_ =	shalt  }
0x6b: {  	_ =	shalt  }
0x6c: {  	_ =	shalt  }
0x6d: {  	_ =	shalt  }
0x6e: {  	_ =	shalt  }
0x6f: {  	_ =	shalt  }
0x70: {  	_ =	shalt  }
0x71: {  	_ =	shalt  }
0x72: {  	_ =	shalt  }
0x73: {  	_ =	shalt  }
0x74: {  	_ =	shalt  }
0x75: {  	_ =	shalt  }
0x76: {  	_ =	shalt  }
0x77: {  	_ =	shalt  }
0x78: {  	_ =	shalt  }
0x79: {  	_ =	shalt  }
0x7a: {  	_ =	shalt  }
0x7b: {  	_ =	shalt  }
0x7c: {  	_ =	shalt  }
0x7d: {  	_ =	shalt  }
0x7e: {  	_ =	shalt  }
0x7f: {  	_ =	shalt  }
0x80: {  	_ =	shalt  }
0x81: {  	_ =	shalt  }
0x82: {  	_ =	shalt  }
0x83: {  	_ =	shalt  }
0x84: {  	_ =	shalt  }
0x85: {  	_ =	shalt  }
0x86: {  	_ =	shalt  }
0x87: {  	_ =	shalt  }
.Lfunc_end0:
.L_simem_size_0:
called_computation_lowered:
.L_overlay_start_0:
0x88: {  	s2 =	sld [smem:$0x3FD9]  }
0x89: {  	s3 =	sld [smem:$0x3FFE];
	_ =	sdelay $0x1  }
0x8a: {  	s1 =	srdreg.scid  }
0x8b: {  	s0 =	sand.u32 $0x1, s1  }
0x8c: {  	s14 =	sshll.u32 s0, $0xA;
	s2 =	sadd.s32 s3, s2  }
0x8d: {  	s2 =	sadd.s32 s2, s14  }
0x8e: {  	[smem:$0x3FB2] =	sst s2  }
0x8f: {  	_ = 	snop  }
0x90: {  	s2 =	sld [smem:$0x3FD0];
	_ =	sdelay $0x2  }
0x91: {  	s15 =	simm.s32 $0xB;
	s4 =	simm.s32 $0x10  }
0x92: {  	[smem:s4], [sflag:s15] =	dma.local [hbm:s2], $0x1  }
0x93: {  	_ =	swait.eq [sflag:s15], $0x1  }
0x94: {  	[sflag:s15] =	ssyncset.done $0x0  }
0x95: {  	s16 =	sld [smem:$0x10];
	[sflag:s15] =	ssyncadd.s32 $0xFFFFFFFF  }
0x96: {  	s17 =	sld [smem:$0x11];
	(tm) =	ssettm $0x1  }
0x97: {  	s18 =	sld [smem:$0x3FFB];
	_ =	sdelay $0x3  }
0x98: {  	_ =	strace s18  }
0x99: {  	s4 =	sld [smem:$0x3FFC];
	_ =	sdelay $0x3  }
0x9a: {  	_ =	strace s4  }
0x9b: {  	s4 =	sld [smem:$0x3FFD];
	_ =	sdelay $0x3  }
0x9c: {  	_ =	strace s4  }
0x9d: {  	_ =	strace $0x8FFFFFFF  }
0x9e: {  	s19 =	sld [smem:$0x3FDB];
	_ =	sdelay $0x1  }
0x9f: {  	s5 =	simm.s32 $_scs_section_size  }
0xa0: {  	s6 =	simm.s32 $_size__tile_overlayer_lowered;
	s7 =	simm.s32 $_tile_overlayer_lowered  }
0xa1: {  	s22 =	simm.s32 $0x1BFF;
	s21 =	sshll.u32 s7, $0x1;
	s4 =	sadd.s32 s5, s19  }
0xa2: {  	s8 =	simm.s32 $0x0;
	s20 =	sshll.u32 s6, $0x1;
	s6 =	sadd.s32 s21, s4  }
0xa3: {  	[timem:s8], [sflag:s22] =	dma.local [hbm:s6], s20  }
0xa4: {  	_ =	swait.ge [sflag:s22], s20  }
0xa5: {  	s5 =	ssub.s32 $0x0, s20;
	[sflag:s22] =	ssyncset.done $0x0  }
0xa6: {  	[sflag:s22] =	ssyncadd.s32 s5;
	_ =	sdelay $0x1  }
0xa7: {  	s23 =	simm.s32 $0x1B8B  }
0xa8: {  	_ =	swait.ge [sflag:s23], $0x1  }
0xa9: {  	[sflag:s23] =	ssyncset.done $0x0  }
0xaa: {  	s25 =	simm.s32 $0x1B8E;
	s24 =	sld [smem:$0x3FFE];
	[sflag:s23] =	ssyncadd.s32 $0xFFFFFFFF  }
0xab: {  	s26 =	simm.s32 $execute0_lowered;
	[smem:$0x3FD2] =	sst s25  }
0xac: {  	s6 =	sshll.u32 s26, $0x1;
	_ =	strace $0x80000046;
	[dreg:$0x1] =	wrdreg $0xFFFFFFFF  }
0xad: {  	s28 =	simm.s32 $_size_execute0_lowered;
	s4 =	sadd.s32 s4, s6;
	[dreg:$0x0] =	wrdreg $0x0  }
0xae: {  	s6 =	sshll.u32 s28, $0x1;
	[dreg:$0x2] =	wrdreg s4  }
0xaf: {  	[dreg:$0x3] =	wrdreg s6  }
0xb0: {  	[dreg:$0x4] =	wrdreg $0xC0  }
0xb1: {  	_ =	task [dreg:s8], $0x5FFFF  }
0xb2: {  	[dreg:$0x1] =	wrdreg $0xFFFFFFFF  }
0xb3: {  	[dreg:$0x0] =	wrdreg $0x60  }
0xb4: {  	[dreg:$0x2] =	wrdreg s24  }
0xb5: {  	[dreg:$0x3] =	wrdreg s16  }
0xb6: {  	[dreg:$0x4] =	wrdreg s17  }
0xb7: {  	[dreg:$0x5] =	wrdreg $0x11B800  }
0xb8: {  	[dreg:$0x6] =	wrdreg $0x1B9800  }
0xb9: {  	[dreg:$0x7] =	wrdreg $0xA  }
0xba: {  	_ =	task.clear_ibuf [dreg:s8], $0x8FFFF;
	_ =	strace $0x90000046  }
0xbb: {  	s29 =	simm.s32 $0xA;
	_ =	strace $0x80000048  }
0xbc: {  	_ =	swait.ge [sflag:s29], $0x1  }
0xbd: {  	[sflag:s29] =	ssyncadd.s32 $0xFFFFFFFF  }
0xbe: {  	_ =	strace $0x90000048  }
0xbf: {  	_ =	sfence  }
0xc0: {  	s30 =	sld [smem:$0x0];
	_ =	sdelay $0x2  }
0xc1: {  	s31 =	sshll.u32 s1, $0xD;
	s1 =	sshrl.u32 s1, $0x2  }
0xc2: {  	s3 =	sand.u32 $0x4000, s31;
	s1 =	sadd.s32 s1, s30  }
0xc3: {  	s0 =	sor.u32 s3, s0;
	s1 =	sshll.u32 s1, $0x11  }
0xc4: {  	s0 =	sor.u32 s1, s0  }
0xc5: {  	s0 =	sadd.s32 $0x8F2B, s0  }
0xc6: {  	[sflag:s0] =	ssyncadd.remote.s32 $0x1  }
0xc7: {  	_ =	sfence.sel $0xFFFF  }
0xc8: {  	[dreg:$0x0] =	wrdreg $0xFFFFFFFF;
	(pc) =	sbr.abs _section_cstart, $3  }
0xc9: {  	[dreg:$0x1] =	wrdreg $0xFFFFFFFF  }
0xca: {  	_ =	task.clear_ibuf [dreg:s8], $0x2FFFF;
	_ =	strace $0x9FFFFFFF  }
0xcb: {  	(tm) =	ssettm $0x7FFFFFFF  }
tec
execute0_lowered:
.L_overlay_start_1:
0x0: {  	(tag) =	ssettag $0x1  }
0x1: {  	s0 =	rddreg [dreg:$0x0]  }
0x2: {  	s4 =	rddreg [dreg:$0x3]  }
0x3: {  	s5 =	rddreg [dreg:$0x4];
	s15 =	stileid.u32;
	s6 =	simm.s32 $0x0  }
0x4: {  	s14 =	srdreg.scid;
	s28 =	simm.s32 $0x4E80;
	s29 =	simm.s32 $0x80  }
0x5: {  	s30 =	simm.s32 $0xEB80;
	s31 =	simm.s32 $0x10B80;
	s1 =	smul.u32 $0x4E80, s15  }
0x6: {  	[smem:$0x7FF] =	sst s6;
	s7 =	sadd.s32 $0xF1C00, s0;
	s3 =	smul.u32 $0x9D00, s15  }
0x7: {  	s8 =	sadd.s32 $0xDE200, s0;
	s12 =	sadd.s32 $0x2D800, s0;
	s9 =	sadd.s32 $0x105600, s0  }
0x8: {  	s10 =	sadd.s32 $0x106A00, s0;
	s11 =	sadd.s32 $0x107000, s0;
	s20 =	smul.u32 $0x9E00, s15  }
0x9: {  	s24 =	sand.u32 $0x1, s14;
	s23 =	sadd.s32 $0x107200, s0;
	s21 =	smul.u32 $0x2780, s15  }
0xa: {  	s15 =	sshll.u32 s15, $0x6;
	_ =	strace $0x80000047;
	[dreg:$0x6] =	wrdreg s23  }
0xb: {  	s25 =	ssub.s32 $0x2, s24;
	s15 =	sor.u32 $0x1C01, s15;
	p0 =	sne.s32 s24, $0x0  }
0xc: {  	s24 =	simm.s32 $0x1;
	s1 =	sshrl.u32 s1, $0x3;
	s3 =	sadd.s32 s3, s0  }
0xd: {  	s26 =	sshrl.u32 s25, $0x1;
	s14 =	sadd.s32 s20, s4;
	s16 =	sadd.s32 s21, s5  }
.Ltmp0:
0xe: {  	s20 =	sshrl.u32 s20, $0x3;
	s21 =	sshrl.u32 s21, $0x3;
	(pc) =	sbr.rel .LBB2_1-.Ltmp0, $4  }
0xf: {  	s2 =	sadd.s32 $0x9D00, s1;
	s17 =	sadd.s32 s12, s1;
	s23 =	sadd.s32 $0x41200, s3  }
0x10: {  	s13 =	sadd.s32 s2, s0;
	s0 =	sadd.s32 $0x10C200, s0;
	s18 =	sadd.s32 s12, s2  }
0x11: {  	[dreg:$0x7] =	wrdreg s0;
	s0 =	ssub.s32 s25, s26;
	s19 =	sadd.s32 $0x19E00, s13  }
0x12: {  	s25 =	simm.s32 $0x11380;
	s22 =	smax.u32 s0, $0x1;
	s0 =	simm.s32 $0x0  }
.LBB2_7:
0x13: {  	s12 =	sshra.s32 s12, $0x2;
	[sflag:s24] =	ssyncadd.s32 $0xFFFFF800  }
0x14: {  	[tilespmem:s30], [sflag:$0x1] =	stream.indirect.gather [hbm4b:s8+s29], $0x40, s12, s29, $0xb8;
	[tilespmem:$0x1E100] =	vst v63  }
0x15: {  	_ =	swait.ge [sflag:s24], $0x2000  }
0x16: {  	[sflag:s24] =	ssyncset.done $0x0  }
0x17: {  	s13 =	sadd.s32 $0x4E80, s12;
	[sflag:s24] =	ssyncadd.s32 $0xFFFFE000  }
0x18: {  	[spmem:s4] =	stream.indirect.scatter.add.f32 [tilespmem:s30], [sflag:$0x1], $0x40, s13, s29, $0xb8;
	[tilespmem:$0x1E100] =	vst v63  }
0x19: {  	_ =	swait.ge [sflag:s24], $0x2000  }
0x1a: {  	[sflag:s24] =	ssyncset.done $0x0  }
0x1b: {  	[sflag:s24] =	ssyncadd.s32 $0xFFFFE000  }
0x1c: {  	[tilespmem:s31], [sflag:$0x1] =	stream.linear.gather [hbm4b:s3+s6], $0x800, $0x38;
	[tilespmem:$0x1E100] =	vst v63  }
0x1d: {  	_ =	swait.ge [sflag:s24], $0x800  }
0x1e: {  	[sflag:s24] =	ssyncset.done $0x0  }
0x1f: {  	s26 =	sadd.s32 $0x9D00, s12;
	[sflag:s24] =	ssyncadd.s32 $0xFFFFF800  }
0x20: {  	[spmem:s5] =	stream.indirect.scatter.add.f32 [tilespmem:s31], [sflag:$0x1], $0x10, s26, s29, $0xb8;
	[tilespmem:$0x1E100] =	vst v63  }
0x21: {  	_ =	swait.ge [sflag:s24], $0x800  }
0x22: {  	[sflag:s24] =	ssyncset.done $0x0  }
0x23: {  	s3 =	rddreg [dreg:$0x7];
	[sflag:s24] =	ssyncadd.s32 $0xFFFFF800  }
0x24: {  	s28 =	simm.s32 $0x4E80;
	s12 =	rddreg [dreg:$0x2]  }
.LBB2_8:
0x25: {  	s12 =	sadd.s32 s12, s20;
	[bflag:$0x0] =	sbarrier.arrive $0xFFFF  }
0x26: {  	[hbm:s12], [sflag:s15] =	dma.local [spmem:s1], $0x13C0  }
0x27: {  	s0 =	sadd.s32 $0x1, s0;
	_ =	swait.ge [sflag:s24], $0x13C0  }
0x28: {  	p1 =	sne.s32 s0, s22;
	[sflag:s24] =	ssyncset.done $0x0  }
.Ltmp1:
0x29: {  	s26 =	sadd.s32 s3, s21;
	[sflag:s24] =	ssyncadd.s32 $0xFFFFEC40;
	(pc) =	sbr.rel @!p1 .LBB2_9-.Ltmp1, $4  }
0x2a: {  	[hbm:s26], [sflag:s15] =	dma.local [spmem:s2], $0x4F0  }
0x2b: {  	_ =	swait.ge [sflag:s24], $0x4F0  }
0x2c: {  	[sflag:s24] =	ssyncset.done $0x0  }
0x2d: {  	[sflag:s24] =	ssyncadd.s32 $0xFFFFFB10  }
.LBB2_1:
0x2e: {  	s1 =	sshrl.u32 s14, $0x3  }
0x2f: {  	[spmem:s1], [sflag:s15] =	dma.local [hbm:s9], $0x13C0  }
0x30: {  	_ =	swait.ge [sflag:s24], $0x13C0  }
0x31: {  	[sflag:s24] =	ssyncset.done $0x0  }
0x32: {  	s2 =	sshrl.u32 s16, $0x3;
	[sflag:s24] =	ssyncadd.s32 $0xFFFFEC40  }
0x33: {  	[spmem:s2], [sflag:s15] =	dma.local [hbm:s10], $0x4F0  }
0x34: {  	_ =	swait.ge [sflag:s24], $0x4F0  }
0x35: {  	[sflag:s24] =	ssyncset.done $0x0  }
0x36: {  	[sflag:s24] =	ssyncadd.s32 $0xFFFFFB10  }
0x37: {  	[tilespmem:s25], [sflag:$0x1] =	stream.linear.gather [hbm4b:s11+s6], $0x800, $0x38;
	[tilespmem:$0x1E100] =	vst v63  }
0x38: {  	_ =	swait.ge [sflag:s24], $0x800  }
0x39: {  	[sflag:s24] =	ssyncset.done $0x0  }
0x3a: {  	[sflag:s24] =	ssyncadd.s32 $0xFFFFF800  }
0x3b: {  	[bflag:$0x0] =	sbarrier.arrive $0xFFFF  }
0x3c: {  	[tilespmem:s6], [sflag:$0x1] =	stream.linear.gather [hbm4b:s17+s6], $0x4E80, $0x38;
	[tilespmem:$0x1E100] =	vst v63  }
0x3d: {  	_ =	swait.ge [sflag:s24], $0x4E80  }
0x3e: {  	[sflag:s24] =	ssyncset.done $0x0  }
0x3f: {  	[sflag:s24] =	ssyncadd.s32 $0xFFFFB180  }
0x40: {  	[tilespmem:s28], [sflag:$0x1] =	stream.linear.gather [hbm4b:s18+s6], $0x4E80, $0x38;
	[tilespmem:$0x1E100] =	vst v63  }
0x41: {  	_ =	swait.ge [sflag:s24], $0x4E80  }
0x42: {  	[sflag:s24] =	ssyncset.done $0x0  }
0x43: {  	s3 =	simm.s32 $0x9D00;
	[sflag:s24] =	ssyncadd.s32 $0xFFFFB180  }
0x44: {  	[tilespmem:s3], [sflag:$0x1] =	stream.linear.gather [hbm4b:s19+s6], $0x4E80, $0x38;
	[tilespmem:$0x1E100] =	vst v63  }
.Ltmp2:
0x45: {  	_ =	swait.ge [sflag:s24], $0x4E80;
	(pc) =	sbr.rel @p0 .LBB2_5-.Ltmp2, $4  }
0x46: {  	[sflag:s24] =	ssyncset.done $0x0  }
0x47: {  	[sflag:s24] =	ssyncadd.s32 $0xFFFFB180  }
0x48: {  	[bflag:$0x0] =	sbarrier.arrive $0xFFFF  }
0x49: {  	s3 =	simm.s32 $0x0  }
0x4a: {  	[tilespmem:s30], [sflag:$0x1] =	stream.indirect.gather [hbm4b:s7+s29], $0x40, s3, s29, $0xb8;
	[tilespmem:$0x1E100] =	vst v63  }
0x4b: {  	_ =	swait.ge [sflag:s24], $0x2000  }
0x4c: {  	[sflag:s24] =	ssyncset.done $0x0  }
0x4d: {  	s26 =	simm.s32 $0x4E80;
	[sflag:s24] =	ssyncadd.s32 $0xFFFFE000  }
0x4e: {  	[spmem:s4] =	stream.indirect.scatter.add.f32 [tilespmem:s30], [sflag:$0x1], $0x40, s26, s29, $0xb8;
	[tilespmem:$0x1E100] =	vst v63  }
0x4f: {  	_ =	swait.ge [sflag:s24], $0x2000  }
0x50: {  	[sflag:s24] =	ssyncset.done $0x0  }
0x51: {  	[sflag:s24] =	ssyncadd.s32 $0xFFFFE000  }
0x52: {  	[spmem:s5] =	stream.indirect.scatter.add.f32 [tilespmem:s25], [sflag:$0x1], $0x10, s26, s29, $0xb8;
	[tilespmem:$0x1E100] =	vst v63  }
0x53: {  	_ =	swait.ge [sflag:s24], $0x800  }
0x54: {  	s3 =	simm.s32 $0x200;
	s12 =	simm.s32 $0x400;
	[sflag:s24] =	ssyncset.done $0x0  }
.LBB2_3:
0x55: {  	s13 =	sshra.s32 s3, $0x2  }
0x56: {  	[sflag:s24] =	ssyncadd.s32 $0xFFFFF800;
	s3 =	smov.u32 s12;
	s26 =	sadd.s32 $0x200, s12  }
0x57: {  	[tilespmem:s30], [sflag:$0x1] =	stream.indirect.gather [hbm4b:s7+s29], $0x40, s13, s29, $0xb8;
	[tilespmem:$0x1E100] =	vst v63  }
0x58: {  	p1 =	seq.s32 s12, $0x13800;
	_ =	swait.ge [sflag:s24], $0x2000  }
0x59: {  	[sflag:s24] =	ssyncset.done $0x0  }
0x5a: {  	s12 =	sadd.s32 $0x4E80, s13;
	[sflag:s24] =	ssyncadd.s32 $0xFFFFE000  }
0x5b: {  	[spmem:s4] =	stream.indirect.scatter.add.f32 [tilespmem:s30], [sflag:$0x1], $0x40, s12, s29, $0xb8;
	[tilespmem:$0x1E100] =	vst v63  }
0x5c: {  	_ =	swait.ge [sflag:s24], $0x2000  }
.Ltmp3:
0x5d: {  	[sflag:s24] =	ssyncset.done $0x0;
	(pc) =	sbr.rel @!p1 .LBB2_3-.Ltmp3, $4  }
0x5e: {  	[sflag:s24] =	ssyncadd.s32 $0xFFFFE000  }
0x5f: {  	[spmem:s5] =	stream.indirect.scatter.add.f32 [tilespmem:s25], [sflag:$0x1], $0x10, s12, s29, $0xb8;
	[tilespmem:$0x1E100] =	vst v63  }
0x60: {  	_ =	swait.ge [sflag:s24], $0x800  }
0x61: {  	s12 =	smov.u32 s26;
	[sflag:s24] =	ssyncset.done $0x0  }
0x62: {  	s3 =	sshra.s32 s3, $0x2;
	[sflag:s24] =	ssyncadd.s32 $0xFFFFF800  }
0x63: {  	[tilespmem:s30], [sflag:$0x1] =	stream.indirect.gather [hbm4b:s7+s29], $0x40, s3, s29, $0xb8;
	[tilespmem:$0x1E100] =	vst v63  }
0x64: {  	_ =	swait.ge [sflag:s24], $0x2000  }
0x65: {  	[sflag:s24] =	ssyncset.done $0x0  }
0x66: {  	s3 =	sadd.s32 $0x4E80, s3;
	[sflag:s24] =	ssyncadd.s32 $0xFFFFE000  }
0x67: {  	[spmem:s4] =	stream.indirect.scatter.add.f32 [tilespmem:s30], [sflag:$0x1], $0x40, s3, s29, $0xb8;
	[tilespmem:$0x1E100] =	vst v63  }
0x68: {  	_ =	swait.ge [sflag:s24], $0x2000  }
0x69: {  	[sflag:s24] =	ssyncset.done $0x0  }
0x6a: {  	[sflag:s24] =	ssyncadd.s32 $0xFFFFE000  }
0x6b: {  	[spmem:s5] =	stream.indirect.scatter.add.f32 [tilespmem:s25], [sflag:$0x1], $0x10, s3, s29, $0xb8;
	[tilespmem:$0x1E100] =	vst v63  }
.Ltmp4:
0x6c: {  	_ = 	snop;
	(pc) =	sbr.rel .LBB2_8-.Ltmp4, $4  }
0x6d: {  	_ =	swait.ge [sflag:s24], $0x800  }
0x6e: {  	[sflag:s24] =	ssyncset.done $0x0  }
0x6f: {  	s3 =	rddreg [dreg:$0x6];
	[sflag:s24] =	ssyncadd.s32 $0xFFFFF800  }
0x70: {  	s12 =	rddreg [dreg:$0x1]  }
.LBB2_5:
0x71: {  	[tilespmem:s30], [sflag:$0x1] =	stream.indirect.gather [hbm4b:s8+s29], $0x40, s3, s29, $0xb8;
	[tilespmem:$0x1E100] =	vst v63  }
0x72: {  	_ =	swait.ge [sflag:s24], $0x2000  }
0x73: {  	[sflag:s24] =	ssyncset.done $0x0  }
0x74: {  	s26 =	simm.s32 $0x4E80;
	[sflag:s24] =	ssyncadd.s32 $0xFFFFE000  }
0x75: {  	[spmem:s4] =	stream.indirect.scatter.add.f32 [tilespmem:s30], [sflag:$0x1], $0x40, s26, s29, $0xb8;
	[tilespmem:$0x1E100] =	vst v63  }
0x76: {  	_ =	swait.ge [sflag:s24], $0x2000  }
0x77: {  	[sflag:s24] =	ssyncset.done $0x0  }
0x78: {  	[sflag:s24] =	ssyncadd.s32 $0xFFFFE000  }
0x79: {  	[tilespmem:s31], [sflag:$0x1] =	stream.linear.gather [hbm4b:s23+s6], $0x800, $0x38;
	[tilespmem:$0x1E100] =	vst v63  }
0x7a: {  	_ =	swait.ge [sflag:s24], $0x800  }
0x7b: {  	[sflag:s24] =	ssyncset.done $0x0  }
0x7c: {  	s28 =	simm.s32 $0x9D00;
	[sflag:s24] =	ssyncadd.s32 $0xFFFFF800  }
0x7d: {  	[spmem:s5] =	stream.indirect.scatter.add.f32 [tilespmem:s31], [sflag:$0x1], $0x10, s28, s29, $0xb8;
	[tilespmem:$0x1E100] =	vst v63  }
0x7e: {  	s12 =	simm.s32 $0x200;
	_ =	swait.ge [sflag:s24], $0x800  }
0x7f: {  	s13 =	simm.s32 $0x400;
	s3 =	sadd.s32 $0x100, s23;
	[sflag:s24] =	ssyncset.done $0x0  }
.LBB2_6:
0x80: {  	s26 =	sshra.s32 s12, $0x2  }
0x81: {  	[sflag:s24] =	ssyncadd.s32 $0xFFFFF800;
	s12 =	smov.u32 s13;
	s28 =	sadd.s32 $0x200, s13  }
0x82: {  	[tilespmem:s30], [sflag:$0x1] =	stream.indirect.gather [hbm4b:s8+s29], $0x40, s26, s29, $0xb8;
	[tilespmem:$0x1E100] =	vst v63  }
0x83: {  	p1 =	sne.s32 s13, $0x13800;
	_ =	swait.ge [sflag:s24], $0x2000  }
0x84: {  	[sflag:s24] =	ssyncset.done $0x0  }
0x85: {  	s13 =	sadd.s32 $0x4E80, s26;
	[sflag:s24] =	ssyncadd.s32 $0xFFFFE000  }
0x86: {  	[spmem:s4] =	stream.indirect.scatter.add.f32 [tilespmem:s30], [sflag:$0x1], $0x40, s13, s29, $0xb8;
	[tilespmem:$0x1E100] =	vst v63  }
0x87: {  	_ =	swait.ge [sflag:s24], $0x2000  }
0x88: {  	[sflag:s24] =	ssyncset.done $0x0  }
0x89: {  	[sflag:s24] =	ssyncadd.s32 $0xFFFFE000  }
0x8a: {  	[tilespmem:s31], [sflag:$0x1] =	stream.linear.gather [hbm4b:s3+s6], $0x800, $0x38;
	[tilespmem:$0x1E100] =	vst v63  }
0x8b: {  	_ =	swait.ge [sflag:s24], $0x800  }
.Ltmp5:
0x8c: {  	[sflag:s24] =	ssyncset.done $0x0;
	(pc) =	sbr.rel @p1 .LBB2_6-.Ltmp5, $4  }
0x8d: {  	s13 =	sadd.s32 $0x9D00, s26;
	[sflag:s24] =	ssyncadd.s32 $0xFFFFF800  }
0x8e: {  	[spmem:s5] =	stream.indirect.scatter.add.f32 [tilespmem:s31], [sflag:$0x1], $0x10, s13, s29, $0xb8;
	[tilespmem:$0x1E100] =	vst v63  }
0x8f: {  	_ =	swait.ge [sflag:s24], $0x800  }
0x90: {  	s3 =	sadd.s32 $0x100, s3;
	s13 =	smov.u32 s28;
	[sflag:s24] =	ssyncset.done $0x0  }
.Ltmp6:
0x91: {  	_ = 	snop;
	(pc) =	sbr.rel .LBB2_7-.Ltmp6, $1  }
0x92: {  	_ =	sdelay $0x3  }
.LBB2_9:
0x93: {  	_ =	sfence.sel $0x180000  }
0x94: {  	[bflag:$0x0] =	sbarrier.arrive $0xFFFF  }
0x95: {  	_ =	strace $0x90000047  }
0x96: {  	s0 =	stileid.u32;
	[bflag:$0x2] =	sbarrier.arrive $0xFFFF  }
0x97: {  	p0 =	sne.s32 s0, $0x0;
	s0 =	rddreg [dreg:$0x5]  }
0x98: {  	s0 =	sadd.s32 @!p0 $0x100000, s0  }
0x99: {  	[sflag:s0] =	ssyncadd.tile.s32 @!p0 $0x1;
	_ =	shalt  }
.Lfunc_end2:
_tile_overlayer_lowered:
.L_overlay_start_2:
0x9a: {  	(tag) =	ssettag $0x2  }
0x9b: {  	s0 =	rddreg [dreg:$0x0];
	s2 =	stileid.u32  }
0x9c: {  	s1 =	rddreg [dreg:$0x1];
	p0 =	sne.s32 s2, $0x0  }
0x9d: {  	s3 =	rddreg [dreg:$0x2];
	[bflag:$0x3] =	sbarrier.arrive $0xFFFF;
	s2 =	simm.s32 @!p0 $0x1C01  }
0x9e: {  	[timem:s3], [sflag:s2] =	dma.local @!p0 [hbm:s0], s1  }
0x9f: {  	s0 =	simm.s32 @!p0 $0x1  }
0xa0: {  	_ =	swait.ge @!p0 [sflag:s0], s1  }
0xa1: {  	s1 =	ssub.s32 @!p0 $0x0, s1;
	[sflag:s0] =	ssyncset.done @!p0 $0x0  }
0xa2: {  	[sflag:s0] =	ssyncadd.s32 @!p0 s1  }
0xa3: {  	[bflag:$0x3] =	sbarrier.arrive $0xFFFF  }
0xa4: {  	_ =	shalt  }

// kernel: kernel.13.cloned.1.call-start
scs
__scs_entry_jumppad:
0x0: {  	(pc) =	sbr.rel $0x88, $3  }
0x1: {  	(tag) =	ssettag $0x0;
	lr =	simm.s32 $0x1  }
0x2: {  	[smem:$0x3F8B] =	sst lr;
	_ =	strace $0xD0000000  }
0x3: {  	_ = 	snop  }
0x4: {  	_ = 	snop  }
0x5: {  	_ = 	snop  }
0x6: {  	_ = 	snop  }
0x7: {  	_ = 	snop  }
__scs_overlays_trampoline_lowered:
0x8: {  	[smem:$0x3F9A] =	sst s0  }
0x9: {  	[smem:$0x3F9B] =	sst s1  }
0xa: {  	[smem:$0x3F9C] =	sst s2  }
0xb: {  	[smem:$0x3F9D] =	sst s3  }
0xc: {  	[smem:$0x3F9E] =	sst s4  }
0xd: {  	[smem:$0x3F9F] =	sst s5  }
0xe: {  	[smem:$0x3FA0] =	sst s6  }
0xf: {  	[smem:$0x3FA1] =	sst s7  }
0x10: {  	[smem:$0x3FA2] =	sst s8  }
0x11: {  	[smem:$0x3FA3] =	sst s9;
	s0 =	simm.s32 @!p0 $0x0  }
0x12: {  	s1 =	sld [smem:$0x3F89];
	s0 =	simm.s32 @p0 $0x1  }
0x13: {  	[smem:$0x3FA4] =	sst s0;
	s0 =	simm.s32 @!p1 $0x0  }
0x14: {  	s2 =	sld [smem:$0x3F88];
	s0 =	simm.s32 @p1 $0x1  }
0x15: {  	[smem:$0x3FA5] =	sst s0;
	s0 =	simm.s32 @!p2 $0x0  }
0x16: {  	s3 =	sld [smem:$0x3FDB];
	s0 =	simm.s32 @p2 $0x1  }
0x17: {  	s4 =	simm.s32 $0x1BF5;
	[smem:$0x3FA7] =	sst s0  }
0x18: {  	s0 =	sld [smem:$0x3F8A];
	_ =	swait.ge [sflag:s4], $0x0  }
0x19: {  	s7 =	sld [smem:$0x3F8B]  }
0x1a: {  	s8 =	sadd.s32 $0xFFFFE003, lr  }
0x1b: {  	s9 =	sadd.s32 $0xFFFFFEF7, lr;
	s5 =	simm.s32 $0xFFFFFFFF;
	p2 =	slt.u32 s8, $0xFFFFF086  }
0x1c: {  	p1 =	slt.u32 s9, $0xF7A;
	s5 =	simm.s32 @!p2 $0x0  }
0x1d: {  	s5 =	simm.s32 @p1 $0x1;
	p0 =	seq.s32 s7, s2  }
0x1e: {  	s7 =	smul.u32 @!p0 $0xF7A, s2;
	p2 =	seq.s32 @!p0 s5, $0x0  }
0x1f: {  	s9 =	smul.u32 $0xF7A, s1;
	s8 =	simm.s32 @!p0 $0x1BF5;
	p2 =	por !p2, p0  }
0x20: {  	[sflag:s8] =	ssyncset.s32 @!p0 $0xFFFFF086;
	s6 =	sadd.s32 @!p0 s3, s7;
	s7 =	simm.s32 @!p0 $0x108  }
0x21: {  	s3 =	sadd.s32 s3, s9;
	s6 =	sadd.s32 @!p0 $0x88, s6;
	s7 =	simm.s32 @p2 $0x1082  }
0x22: {  	[simem:s7], [sflag:s8] =	dma.local @!p0 [hbm:s6], $0xF7A  }
0x23: {  	s9 =	sor.u32 $0xD0000000, s2;
	s6 =	simm.s32 $0x108;
	_ =	swait.ge @!p0 [sflag:s8], $0x0  }
0x24: {  	s3 =	sadd.s32 $0x88, s3;
	s6 =	simm.s32 @!p1 $0x1082;
	[sflag:s4] =	ssyncset.s32 $0xFFFFF086  }
0x25: {  	[simem:s6], [sflag:s4] =	dma.local [hbm:s3], $0xF7A  }
0x26: {  	[smem:$0x3F8B] =	sst s1;
	(tag) =	ssettag s2;
	_ =	strace s9  }
0x27: {  	s1 =	sld [smem:$0x3F9B]  }
0x28: {  	s2 =	sld [smem:$0x3F9C]  }
0x29: {  	s4 =	sld [smem:$0x3F9E]  }
0x2a: {  	p0 =	seq.s32 s5, $0x0;
	s5 =	sld [smem:$0x3F9F]  }
0x2b: {  	s6 =	sld [smem:$0x3FA0]  }
0x2c: {  	s7 =	sld [smem:$0x3FA1]  }
0x2d: {  	s3 =	simm.s32 $0x108;
	s8 =	sld [smem:$0x3FA2]  }
0x2e: {  	s3 =	simm.s32 @!p0 $0x1082;
	s9 =	sld [smem:$0x3FA3]  }
0x2f: {  	lr =	sadd.s32 s0, s3;
	s0 =	sld [smem:$0x3F9A]  }
0x30: {  	s3 =	sld [smem:$0x3F9D]  }
0x31: {  	[smem:$0x3FA6] =	sst s10  }
0x32: {  	s10 =	sld [smem:$0x3FA4];
	_ =	sdelay $0x3  }
0x33: {  	p0 =	seq.s32 s10, $0x1;
	s10 =	sld [smem:$0x3FA6];
	_ =	sdelay $0x3  }
0x34: {  	[smem:$0x3FA6] =	sst s10  }
0x35: {  	s10 =	sld [smem:$0x3FA5];
	_ =	sdelay $0x3  }
0x36: {  	p1 =	seq.s32 s10, $0x1;
	s10 =	sld [smem:$0x3FA6];
	_ =	sdelay $0x3  }
0x37: {  	[smem:$0x3FA6] =	sst s10  }
0x38: {  	s10 =	sld [smem:$0x3FA7]  }
0x39: {  	_ = 	snop;
	(pc) =	sbr.ind lr, $3  }
0x3a: {  	_ = 	snop  }
0x3b: {  	_ = 	snop  }
0x3c: {  	p2 =	seq.s32 s10, $0x1;
	s10 =	sld [smem:$0x3FA6]  }
0x3d: {  	_ =	shalt  }
0x3e: {  	_ =	shalt  }
0x3f: {  	_ =	shalt  }
0x40: {  	_ =	shalt  }
0x41: {  	_ =	shalt  }
0x42: {  	_ =	shalt  }
0x43: {  	_ =	shalt  }
0x44: {  	_ =	shalt  }
0x45: {  	_ =	shalt  }
0x46: {  	_ =	shalt  }
0x47: {  	_ =	shalt  }
0x48: {  	_ =	shalt  }
0x49: {  	_ =	shalt  }
0x4a: {  	_ =	shalt  }
0x4b: {  	_ =	shalt  }
0x4c: {  	_ =	shalt  }
0x4d: {  	_ =	shalt  }
0x4e: {  	_ =	shalt  }
0x4f: {  	_ =	shalt  }
0x50: {  	_ =	shalt  }
0x51: {  	_ =	shalt  }
0x52: {  	_ =	shalt  }
0x53: {  	_ =	shalt  }
0x54: {  	_ =	shalt  }
0x55: {  	_ =	shalt  }
0x56: {  	_ =	shalt  }
0x57: {  	_ =	shalt  }
0x58: {  	_ =	shalt  }
0x59: {  	_ =	shalt  }
0x5a: {  	_ =	shalt  }
0x5b: {  	_ =	shalt  }
0x5c: {  	_ =	shalt  }
0x5d: {  	_ =	shalt  }
0x5e: {  	_ =	shalt  }
0x5f: {  	_ =	shalt  }
0x60: {  	_ =	shalt  }
0x61: {  	_ =	shalt  }
0x62: {  	_ =	shalt  }
0x63: {  	_ =	shalt  }
0x64: {  	_ =	shalt  }
0x65: {  	_ =	shalt  }
0x66: {  	_ =	shalt  }
0x67: {  	_ =	shalt  }
0x68: {  	_ =	shalt  }
0x69: {  	_ =	shalt  }
0x6a: {  	_ =	shalt  }
0x6b: {  	_ =	shalt  }
0x6c: {  	_ =	shalt  }
0x6d: {  	_ =	shalt  }
0x6e: {  	_ =	shalt  }
0x6f: {  	_ =	shalt  }
0x70: {  	_ =	shalt  }
0x71: {  	_ =	shalt  }
0x72: {  	_ =	shalt  }
0x73: {  	_ =	shalt  }
0x74: {  	_ =	shalt  }
0x75: {  	_ =	shalt  }
0x76: {  	_ =	shalt  }
0x77: {  	_ =	shalt  }
0x78: {  	_ =	shalt  }
0x79: {  	_ =	shalt  }
0x7a: {  	_ =	shalt  }
0x7b: {  	_ =	shalt  }
0x7c: {  	_ =	shalt  }
0x7d: {  	_ =	shalt  }
0x7e: {  	_ =	shalt  }
0x7f: {  	_ =	shalt  }
0x80: {  	_ =	shalt  }
0x81: {  	_ =	shalt  }
0x82: {  	_ =	shalt  }
0x83: {  	_ =	shalt  }
0x84: {  	_ =	shalt  }
0x85: {  	_ =	shalt  }
0x86: {  	_ =	shalt  }
0x87: {  	_ =	shalt  }
.Lfunc_end0:
.L_simem_size_0:
called_computation.1_lowered:
.L_overlay_start_0:
0x88: {  	s2 =	sld [smem:$0x3FD9]  }
0x89: {  	s3 =	sld [smem:$0x3FFE];
	_ =	sdelay $0x1  }
0x8a: {  	s1 =	srdreg.scid  }
0x8b: {  	s0 =	sand.u32 $0x1, s1  }
0x8c: {  	s17 =	sshll.u32 s0, $0xA;
	s2 =	sadd.s32 s3, s2  }
0x8d: {  	s2 =	sadd.s32 s2, s17  }
0x8e: {  	[smem:$0x3FB2] =	sst s2  }
0x8f: {  	_ = 	snop  }
0x90: {  	(tm) =	ssettm $0x1  }
0x91: {  	s18 =	sld [smem:$0x3FFB];
	_ =	sdelay $0x3  }
0x92: {  	_ =	strace s18  }
0x93: {  	s2 =	sld [smem:$0x3FFC];
	_ =	sdelay $0x3  }
0x94: {  	_ =	strace s2  }
0x95: {  	s2 =	sld [smem:$0x3FFD];
	_ =	sdelay $0x3  }
0x96: {  	_ =	strace s2  }
0x97: {  	_ =	strace $0x8FFFFFFF  }
0x98: {  	s19 =	sld [smem:$0x3FDB];
	_ =	sdelay $0x1  }
0x99: {  	s20 =	simm.s32 $_scs_section_size  }
0x9a: {  	s4 =	simm.s32 $_size__tile_overlayer_lowered;
	s5 =	simm.s32 $_tile_overlayer_lowered  }
0x9b: {  	s6 =	simm.s32 $0x1BFF;
	s21 =	sshll.u32 s5, $0x1;
	s3 =	sadd.s32 s20, s19  }
0x9c: {  	s22 =	simm.s32 $0x0;
	s4 =	sshll.u32 s4, $0x1;
	s5 =	sadd.s32 s21, s3  }
0x9d: {  	[timem:s22], [sflag:s6] =	dma.local [hbm:s5], s4  }
0x9e: {  	_ =	swait.ge [sflag:s6], s4  }
0x9f: {  	s4 =	ssub.s32 $0x0, s4;
	[sflag:s6] =	ssyncset.done $0x0  }
0xa0: {  	[sflag:s6] =	ssyncadd.s32 s4;
	_ =	sdelay $0x1  }
0xa1: {  	s23 =	simm.s32 $0x1B8B  }
0xa2: {  	_ =	swait.ge [sflag:s23], $0x1  }
0xa3: {  	[sflag:s23] =	ssyncset.done $0x0  }
0xa4: {  	[sflag:s23] =	ssyncadd.s32 $0xFFFFFFFF  }
0xa5: {  	s4 =	sld [smem:$0x0]  }
0xa6: {  	s5 =	sand.u32 $0xFFFFFFFE, s1  }
0xa7: {  	p0 =	sne.s32 s1, s5  }
0xa8: {  	s5 =	sshll.u32 @p0 s5, $0xE  }
0xa9: {  	s5 =	sadd.s32 @p0 $0x11B8D, s5;
	s6 =	sshll.u32 @p0 s4, $0x11  }
0xaa: {  	s5 =	sor.u32 @p0 s6, s5  }
0xab: {  	[sflag:s5] =	ssyncadd.remote.s32 @p0 $0x1;
	_ =	sdelay $0x1  }
0xac: {  	s5 =	simm.s32 @p0 $0x1B8D  }
0xad: {  	_ =	swait.eq @p0 [sflag:s5], $0x1  }
0xae: {  	[sflag:s5] =	ssyncadd.s32 @p0 $0xFFFFFFFF  }
0xaf: {  	s6 =	sshll.u32 @!p0 s1, $0xE  }
0xb0: {  	s6 =	sor.u32 @!p0 $0x4000, s6;
	s5 =	simm.s32 @!p0 $0x1B8D  }
0xb1: {  	s4 =	sshll.u32 @!p0 s4, $0x11;
	s6 =	sadd.s32 @!p0 $0x11B8D, s6;
	_ =	swait.eq @!p0 [sflag:s5], $0x1  }
0xb2: {  	s4 =	sor.u32 @!p0 s4, s6;
	[sflag:s5] =	ssyncadd.s32 @!p0 $0xFFFFFFFF  }
0xb3: {  	s25 =	simm.s32 $0x1B8E;
	s24 =	sld [smem:$0x3FFE];
	[sflag:s4] =	ssyncadd.remote.s32 @!p0 $0x1  }
0xb4: {  	s26 =	simm.s32 $execute0_lowered;
	[smem:$0x3FD2] =	sst s25  }
0xb5: {  	s5 =	sshll.u32 s26, $0x1;
	_ =	strace $0x80000049;
	[dreg:$0x1] =	wrdreg $0xFFFFFFFF  }
0xb6: {  	s28 =	simm.s32 $_size_execute0_lowered;
	s3 =	sadd.s32 s3, s5;
	[dreg:$0x0] =	wrdreg $0x0  }
0xb7: {  	s5 =	sshll.u32 s28, $0x1;
	[dreg:$0x2] =	wrdreg s3  }
0xb8: {  	[dreg:$0x3] =	wrdreg s5  }
0xb9: {  	[dreg:$0x4] =	wrdreg $0xC0  }
0xba: {  	_ =	task [dreg:s22], $0x5FFFF  }
0xbb: {  	[dreg:$0x1] =	wrdreg $0xFFFFFFFF  }
0xbc: {  	[dreg:$0x0] =	wrdreg $0x60  }
0xbd: {  	[dreg:$0x2] =	wrdreg s24  }
0xbe: {  	[dreg:$0x3] =	wrdreg $0x11B800  }
0xbf: {  	[dreg:$0x4] =	wrdreg $0x1B9800  }
0xc0: {  	[dreg:$0x5] =	wrdreg $0x9  }
0xc1: {  	_ =	task.clear_ibuf [dreg:s22], $0x6FFFF;
	_ =	strace $0x90000049  }
0xc2: {  	s29 =	simm.s32 $0x9;
	_ =	strace $0x8000004B  }
0xc3: {  	_ =	swait.ge [sflag:s29], $0x1  }
0xc4: {  	[sflag:s29] =	ssyncadd.s32 $0xFFFFFFFF  }
0xc5: {  	_ =	strace $0x9000004B  }
0xc6: {  	_ =	sfence  }
0xc7: {  	s30 =	sld [smem:$0x0];
	_ =	sdelay $0x2  }
0xc8: {  	s31 =	sshll.u32 s1, $0xD;
	s1 =	sshrl.u32 s1, $0x2  }
0xc9: {  	s4 =	sand.u32 $0x4000, s31;
	s1 =	sadd.s32 s1, s30  }
0xca: {  	s0 =	sor.u32 s4, s0;
	s1 =	sshll.u32 s1, $0x11  }
0xcb: {  	s0 =	sor.u32 s1, s0  }
0xcc: {  	s0 =	sadd.s32 $0x8F2B, s0  }
0xcd: {  	[sflag:s0] =	ssyncadd.remote.s32 $0x1  }
0xce: {  	_ =	sfence.sel $0xFFFF  }
0xcf: {  	[dreg:$0x0] =	wrdreg $0xFFFFFFFF;
	(pc) =	sbr.abs _section_cstart, $3  }
0xd0: {  	[dreg:$0x1] =	wrdreg $0xFFFFFFFF  }
0xd1: {  	_ =	task.clear_ibuf [dreg:s22], $0x2FFFF;
	_ =	strace $0x9FFFFFFF  }
0xd2: {  	(tm) =	ssettm $0x7FFFFFFF  }
0xd3: {  	_ =	shalt  }
tec
execute0_lowered:
.L_overlay_start_1:
0x0: {  	(tag) =	ssettag $0x1  }
0x1: {  	s0 =	rddreg [dreg:$0x0]  }
0x2: {  	s2 =	rddreg [dreg:$0x1]  }
0x3: {  	s3 =	rddreg [dreg:$0x2]  }
0x4: {  	s4 =	simm.s32 $0x0;
	s15 =	stileid.u32;
	s14 =	srdreg.scid  }
0x5: {  	s28 =	simm.s32 $0x4E80;
	s30 =	simm.s32 $0xEB80;
	s31 =	simm.s32 $0x10B80  }
0x6: {  	[smem:$0x7FF] =	sst s4;
	s1 =	smul.u32 $0x4E80, s15;
	s5 =	sadd.s32 $0x138600, s0  }
0x7: {  	s29 =	simm.s32 $0x80;
	s6 =	sadd.s32 $0x124C00, s0;
	s10 =	sadd.s32 $0x111200, s0  }
0x8: {  	s7 =	smul.u32 $0x9D00, s15;
	s8 =	sadd.s32 $0x106A00, s0;
	s9 =	sadd.s32 $0x107000, s0  }
0x9: {  	s16 =	sadd.s32 $0x164C00, s0;
	s22 =	sadd.s32 $0x151000, s0;
	s24 =	sand.u32 $0x1, s14  }
0xa: {  	s20 =	smul.u32 $0x9E00, s15;
	_ =	strace $0x8000004A;
	[dreg:$0x4] =	wrdreg s16  }
0xb: {  	s23 =	sadd.s32 $0x14C000, s0;
	s21 =	smul.u32 $0x2780, s15;
	[dreg:$0x5] =	wrdreg s22  }
0xc: {  	s15 =	sshll.u32 s15, $0x6;
	[dreg:$0x6] =	wrdreg s23;
	s25 =	ssub.s32 $0x2, s24  }
0xd: {  	s15 =	sor.u32 $0x1C01, s15;
	p0 =	sne.s32 s24, $0x0;
	s24 =	simm.s32 $0x1  }
0xe: {  	s1 =	sshrl.u32 s1, $0x3;
	s13 =	sadd.s32 s7, s0;
	s7 =	sadd.s32 $0x105600, s0  }
0xf: {  	s26 =	sshrl.u32 s25, $0x1;
	s14 =	sadd.s32 s20, s2;
	s16 =	sadd.s32 s21, s3  }
.Ltmp0:
0x10: {  	s20 =	sshrl.u32 s20, $0x3;
	s21 =	sshrl.u32 s21, $0x3;
	(pc) =	sbr.rel .LBB2_1-.Ltmp0, $4  }
0x11: {  	s11 =	sadd.s32 $0x9D00, s1;
	s17 =	sadd.s32 s10, s1;
	s23 =	sadd.s32 $0x41200, s13  }
0x12: {  	s12 =	sadd.s32 s11, s0;
	s0 =	sadd.s32 $0x178800, s0;
	s18 =	sadd.s32 s10, s11  }
0x13: {  	[dreg:$0x7] =	wrdreg s0;
	s0 =	ssub.s32 s25, s26;
	s19 =	sadd.s32 $0x6200, s12  }
0x14: {  	s25 =	simm.s32 $0x11380;
	s22 =	smax.u32 s0, $0x1;
	s0 =	simm.s32 $0x0  }
.LBB2_7:
0x15: {  	s12 =	sshra.s32 s12, $0x2;
	[sflag:s24] =	ssyncadd.s32 $0xFFFFF800  }
0x16: {  	[tilespmem:s30], [sflag:$0x1] =	stream.indirect.gather [hbm4b:s6+s29], $0x40, s12, s29, $0xb8;
	[tilespmem:$0x1E100] =	vst v63  }
0x17: {  	_ =	swait.ge [sflag:s24], $0x2000  }
0x18: {  	[sflag:s24] =	ssyncset.done $0x0  }
0x19: {  	s13 =	sadd.s32 $0x4E80, s12;
	[sflag:s24] =	ssyncadd.s32 $0xFFFFE000  }
0x1a: {  	[spmem:s2] =	stream.indirect.scatter.add.f32 [tilespmem:s30], [sflag:$0x1], $0x40, s13, s29, $0xb8;
	[tilespmem:$0x1E100] =	vst v63  }
0x1b: {  	_ =	swait.ge [sflag:s24], $0x2000  }
0x1c: {  	[sflag:s24] =	ssyncset.done $0x0  }
0x1d: {  	[sflag:s24] =	ssyncadd.s32 $0xFFFFE000  }
0x1e: {  	[tilespmem:s31], [sflag:$0x1] =	stream.linear.gather [hbm4b:s11+s4], $0x800, $0x38;
	[tilespmem:$0x1E100] =	vst v63  }
0x1f: {  	_ =	swait.ge [sflag:s24], $0x800  }
0x20: {  	[sflag:s24] =	ssyncset.done $0x0  }
0x21: {  	s26 =	sadd.s32 $0x9D00, s12;
	[sflag:s24] =	ssyncadd.s32 $0xFFFFF800  }
0x22: {  	[spmem:s3] =	stream.indirect.scatter.add.f32 [tilespmem:s31], [sflag:$0x1], $0x10, s26, s29, $0xb8;
	[tilespmem:$0x1E100] =	vst v63  }
0x23: {  	_ =	swait.ge [sflag:s24], $0x800  }
0x24: {  	[sflag:s24] =	ssyncset.done $0x0;
	s12 =	rddreg [dreg:$0x5]  }
0x25: {  	s28 =	simm.s32 $0x4E80;
	s11 =	rddreg [dreg:$0x7];
	[sflag:s24] =	ssyncadd.s32 $0xFFFFF800  }
.LBB2_8:
0x26: {  	s12 =	sadd.s32 s12, s20;
	[bflag:$0x0] =	sbarrier.arrive $0xFFFF  }
0x27: {  	[hbm:s12], [sflag:s15] =	dma.local [spmem:s1], $0x13C0  }
0x28: {  	s0 =	sadd.s32 $0x1, s0;
	_ =	swait.ge [sflag:s24], $0x13C0  }
0x29: {  	p1 =	sne.s32 s0, s22;
	[sflag:s24] =	ssyncset.done $0x0  }
.Ltmp1:
0x2a: {  	s26 =	sadd.s32 s11, s21;
	[sflag:s24] =	ssyncadd.s32 $0xFFFFEC40;
	(pc) =	sbr.rel @!p1 .LBB2_9-.Ltmp1, $4  }
0x2b: {  	[hbm:s26], [sflag:s15] =	dma.local [spmem:s10], $0x4F0  }
0x2c: {  	_ =	swait.ge [sflag:s24], $0x4F0  }
0x2d: {  	[sflag:s24] =	ssyncset.done $0x0  }
0x2e: {  	[sflag:s24] =	ssyncadd.s32 $0xFFFFFB10  }
.LBB2_1:
0x2f: {  	s1 =	sshrl.u32 s14, $0x3  }
0x30: {  	[spmem:s1], [sflag:s15] =	dma.local [hbm:s7], $0x13C0  }
0x31: {  	_ =	swait.ge [sflag:s24], $0x13C0  }
0x32: {  	[sflag:s24] =	ssyncset.done $0x0  }
0x33: {  	s10 =	sshrl.u32 s16, $0x3;
	[sflag:s24] =	ssyncadd.s32 $0xFFFFEC40  }
0x34: {  	[spmem:s10], [sflag:s15] =	dma.local [hbm:s8], $0x4F0  }
0x35: {  	_ =	swait.ge [sflag:s24], $0x4F0  }
0x36: {  	[sflag:s24] =	ssyncset.done $0x0  }
0x37: {  	[sflag:s24] =	ssyncadd.s32 $0xFFFFFB10  }
0x38: {  	[tilespmem:s25], [sflag:$0x1] =	stream.linear.gather [hbm4b:s9+s4], $0x800, $0x38;
	[tilespmem:$0x1E100] =	vst v63  }
0x39: {  	_ =	swait.ge [sflag:s24], $0x800  }
0x3a: {  	[sflag:s24] =	ssyncset.done $0x0  }
0x3b: {  	[sflag:s24] =	ssyncadd.s32 $0xFFFFF800  }
0x3c: {  	[bflag:$0x0] =	sbarrier.arrive $0xFFFF  }
0x3d: {  	[tilespmem:s4], [sflag:$0x1] =	stream.linear.gather [hbm4b:s17+s4], $0x4E80, $0x38;
	[tilespmem:$0x1E100] =	vst v63  }
0x3e: {  	_ =	swait.ge [sflag:s24], $0x4E80  }
0x3f: {  	[sflag:s24] =	ssyncset.done $0x0  }
0x40: {  	[sflag:s24] =	ssyncadd.s32 $0xFFFFB180  }
0x41: {  	[tilespmem:s28], [sflag:$0x1] =	stream.linear.gather [hbm4b:s18+s4], $0x4E80, $0x38;
	[tilespmem:$0x1E100] =	vst v63  }
0x42: {  	_ =	swait.ge [sflag:s24], $0x4E80  }
0x43: {  	[sflag:s24] =	ssyncset.done $0x0  }
0x44: {  	s11 =	simm.s32 $0x9D00;
	[sflag:s24] =	ssyncadd.s32 $0xFFFFB180  }
0x45: {  	[tilespmem:s11], [sflag:$0x1] =	stream.linear.gather [hbm4b:s19+s4], $0x4E80, $0x38;
	[tilespmem:$0x1E100] =	vst v63  }
.Ltmp2:
0x46: {  	_ =	swait.ge [sflag:s24], $0x4E80;
	(pc) =	sbr.rel @p0 .LBB2_5-.Ltmp2, $4  }
0x47: {  	[sflag:s24] =	ssyncset.done $0x0  }
0x48: {  	[sflag:s24] =	ssyncadd.s32 $0xFFFFB180  }
0x49: {  	[bflag:$0x0] =	sbarrier.arrive $0xFFFF  }
0x4a: {  	s11 =	simm.s32 $0x0  }
0x4b: {  	[tilespmem:s30], [sflag:$0x1] =	stream.indirect.gather [hbm4b:s5+s29], $0x40, s11, s29, $0xb8;
	[tilespmem:$0x1E100] =	vst v63  }
0x4c: {  	_ =	swait.ge [sflag:s24], $0x2000  }
0x4d: {  	[sflag:s24] =	ssyncset.done $0x0  }
0x4e: {  	s26 =	simm.s32 $0x4E80;
	[sflag:s24] =	ssyncadd.s32 $0xFFFFE000  }
0x4f: {  	[spmem:s2] =	stream.indirect.scatter.add.f32 [tilespmem:s30], [sflag:$0x1], $0x40, s26, s29, $0xb8;
	[tilespmem:$0x1E100] =	vst v63  }
0x50: {  	_ =	swait.ge [sflag:s24], $0x2000  }
0x51: {  	[sflag:s24] =	ssyncset.done $0x0  }
0x52: {  	[sflag:s24] =	ssyncadd.s32 $0xFFFFE000  }
0x53: {  	[spmem:s3] =	stream.indirect.scatter.add.f32 [tilespmem:s25], [sflag:$0x1], $0x10, s26, s29, $0xb8;
	[tilespmem:$0x1E100] =	vst v63  }
0x54: {  	_ =	swait.ge [sflag:s24], $0x800  }
0x55: {  	s11 =	simm.s32 $0x200;
	s12 =	simm.s32 $0x400;
	[sflag:s24] =	ssyncset.done $0x0  }
.LBB2_3:
0x56: {  	s13 =	sshra.s32 s11, $0x2  }
0x57: {  	[sflag:s24] =	ssyncadd.s32 $0xFFFFF800;
	s11 =	smov.u32 s12;
	s26 =	sadd.s32 $0x200, s12  }
0x58: {  	[tilespmem:s30], [sflag:$0x1] =	stream.indirect.gather [hbm4b:s5+s29], $0x40, s13, s29, $0xb8;
	[tilespmem:$0x1E100] =	vst v63  }
0x59: {  	p1 =	seq.s32 s12, $0x13800;
	_ =	swait.ge [sflag:s24], $0x2000  }
0x5a: {  	[sflag:s24] =	ssyncset.done $0x0  }
0x5b: {  	s12 =	sadd.s32 $0x4E80, s13;
	[sflag:s24] =	ssyncadd.s32 $0xFFFFE000  }
0x5c: {  	[spmem:s2] =	stream.indirect.scatter.add.f32 [tilespmem:s30], [sflag:$0x1], $0x40, s12, s29, $0xb8;
	[tilespmem:$0x1E100] =	vst v63  }
0x5d: {  	_ =	swait.ge [sflag:s24], $0x2000  }
.Ltmp3:
0x5e: {  	[sflag:s24] =	ssyncset.done $0x0;
	(pc) =	sbr.rel @!p1 .LBB2_3-.Ltmp3, $4  }
0x5f: {  	[sflag:s24] =	ssyncadd.s32 $0xFFFFE000  }
0x60: {  	[spmem:s3] =	stream.indirect.scatter.add.f32 [tilespmem:s25], [sflag:$0x1], $0x10, s12, s29, $0xb8;
	[tilespmem:$0x1E100] =	vst v63  }
0x61: {  	_ =	swait.ge [sflag:s24], $0x800  }
0x62: {  	s12 =	smov.u32 s26;
	[sflag:s24] =	ssyncset.done $0x0  }
0x63: {  	s11 =	sshra.s32 s11, $0x2;
	[sflag:s24] =	ssyncadd.s32 $0xFFFFF800  }
0x64: {  	[tilespmem:s30], [sflag:$0x1] =	stream.indirect.gather [hbm4b:s5+s29], $0x40, s11, s29, $0xb8;
	[tilespmem:$0x1E100] =	vst v63  }
0x65: {  	_ =	swait.ge [sflag:s24], $0x2000  }
0x66: {  	[sflag:s24] =	ssyncset.done $0x0  }
0x67: {  	s11 =	sadd.s32 $0x4E80, s11;
	[sflag:s24] =	ssyncadd.s32 $0xFFFFE000  }
0x68: {  	[spmem:s2] =	stream.indirect.scatter.add.f32 [tilespmem:s30], [sflag:$0x1], $0x40, s11, s29, $0xb8;
	[tilespmem:$0x1E100] =	vst v63  }
0x69: {  	_ =	swait.ge [sflag:s24], $0x2000  }
0x6a: {  	[sflag:s24] =	ssyncset.done $0x0  }
.Ltmp4:
0x6b: {  	[sflag:s24] =	ssyncadd.s32 $0xFFFFE000;
	(pc) =	sbr.rel .LBB2_8-.Ltmp4, $4  }
0x6c: {  	[spmem:s3] =	stream.indirect.scatter.add.f32 [tilespmem:s25], [sflag:$0x1], $0x10, s11, s29, $0xb8;
	[tilespmem:$0x1E100] =	vst v63  }
0x6d: {  	_ =	swait.ge [sflag:s24], $0x800  }
0x6e: {  	[sflag:s24] =	ssyncset.done $0x0;
	s12 =	rddreg [dreg:$0x4]  }
0x6f: {  	s11 =	rddreg [dreg:$0x6];
	[sflag:s24] =	ssyncadd.s32 $0xFFFFF800  }
.LBB2_5:
0x70: {  	[tilespmem:s30], [sflag:$0x1] =	stream.indirect.gather [hbm4b:s6+s29], $0x40, s11, s29, $0xb8;
	[tilespmem:$0x1E100] =	vst v63  }
0x71: {  	_ =	swait.ge [sflag:s24], $0x2000  }
0x72: {  	[sflag:s24] =	ssyncset.done $0x0  }
0x73: {  	s26 =	simm.s32 $0x4E80;
	[sflag:s24] =	ssyncadd.s32 $0xFFFFE000  }
0x74: {  	[spmem:s2] =	stream.indirect.scatter.add.f32 [tilespmem:s30], [sflag:$0x1], $0x40, s26, s29, $0xb8;
	[tilespmem:$0x1E100] =	vst v63  }
0x75: {  	_ =	swait.ge [sflag:s24], $0x2000  }
0x76: {  	[sflag:s24] =	ssyncset.done $0x0  }
0x77: {  	[sflag:s24] =	ssyncadd.s32 $0xFFFFE000  }
0x78: {  	[tilespmem:s31], [sflag:$0x1] =	stream.linear.gather [hbm4b:s23+s4], $0x800, $0x38;
	[tilespmem:$0x1E100] =	vst v63  }
0x79: {  	_ =	swait.ge [sflag:s24], $0x800  }
0x7a: {  	[sflag:s24] =	ssyncset.done $0x0  }
0x7b: {  	s28 =	simm.s32 $0x9D00;
	[sflag:s24] =	ssyncadd.s32 $0xFFFFF800  }
0x7c: {  	[spmem:s3] =	stream.indirect.scatter.add.f32 [tilespmem:s31], [sflag:$0x1], $0x10, s28, s29, $0xb8;
	[tilespmem:$0x1E100] =	vst v63  }
0x7d: {  	s12 =	simm.s32 $0x200;
	_ =	swait.ge [sflag:s24], $0x800  }
0x7e: {  	s13 =	simm.s32 $0x400;
	s11 =	sadd.s32 $0x100, s23;
	[sflag:s24] =	ssyncset.done $0x0  }
.LBB2_6:
0x7f: {  	s26 =	sshra.s32 s12, $0x2  }
0x80: {  	[sflag:s24] =	ssyncadd.s32 $0xFFFFF800;
	s12 =	smov.u32 s13;
	s28 =	sadd.s32 $0x200, s13  }
0x81: {  	[tilespmem:s30], [sflag:$0x1] =	stream.indirect.gather [hbm4b:s6+s29], $0x40, s26, s29, $0xb8;
	[tilespmem:$0x1E100] =	vst v63  }
0x82: {  	p1 =	sne.s32 s13, $0x13800;
	_ =	swait.ge [sflag:s24], $0x2000  }
0x83: {  	[sflag:s24] =	ssyncset.done $0x0  }
0x84: {  	s13 =	sadd.s32 $0x4E80, s26;
	[sflag:s24] =	ssyncadd.s32 $0xFFFFE000  }
0x85: {  	[spmem:s2] =	stream.indirect.scatter.add.f32 [tilespmem:s30], [sflag:$0x1], $0x40, s13, s29, $0xb8;
	[tilespmem:$0x1E100] =	vst v63  }
0x86: {  	_ =	swait.ge [sflag:s24], $0x2000  }
0x87: {  	[sflag:s24] =	ssyncset.done $0x0  }
0x88: {  	[sflag:s24] =	ssyncadd.s32 $0xFFFFE000  }
0x89: {  	[tilespmem:s31], [sflag:$0x1] =	stream.linear.gather [hbm4b:s11+s4], $0x800, $0x38;
	[tilespmem:$0x1E100] =	vst v63  }
0x8a: {  	_ =	swait.ge [sflag:s24], $0x800  }
.Ltmp5:
0x8b: {  	[sflag:s24] =	ssyncset.done $0x0;
	(pc) =	sbr.rel @p1 .LBB2_6-.Ltmp5, $4  }
0x8c: {  	s13 =	sadd.s32 $0x9D00, s26;
	[sflag:s24] =	ssyncadd.s32 $0xFFFFF800  }
0x8d: {  	[spmem:s3] =	stream.indirect.scatter.add.f32 [tilespmem:s31], [sflag:$0x1], $0x10, s13, s29, $0xb8;
	[tilespmem:$0x1E100] =	vst v63  }
0x8e: {  	_ =	swait.ge [sflag:s24], $0x800  }
0x8f: {  	s11 =	sadd.s32 $0x100, s11;
	s13 =	smov.u32 s28;
	[sflag:s24] =	ssyncset.done $0x0  }
.Ltmp6:
0x90: {  	_ = 	snop;
	(pc) =	sbr.rel .LBB2_7-.Ltmp6, $1  }
0x91: {  	_ =	sdelay $0x3  }
.LBB2_9:
0x92: {  	_ =	sfence.sel $0x180000  }
0x93: {  	[bflag:$0x0] =	sbarrier.arrive $0xFFFF  }
0x94: {  	_ =	strace $0x9000004A  }
0x95: {  	s0 =	stileid.u32;
	[bflag:$0x2] =	sbarrier.arrive $0xFFFF  }
0x96: {  	p0 =	sne.s32 s0, $0x0;
	s0 =	rddreg [dreg:$0x3]  }
0x97: {  	s0 =	sadd.s32 @!p0 $0x100000, s0  }
0x98: {  	[sflag:s0] =	ssyncadd.tile.s32 @!p0 $0x1;
	_ =	shalt  }
.Lfunc_end2:
_tile_overlayer_lowered:
.L_overlay_start_2:
0x99: {  	(tag) =	ssettag $0x2  }
0x9a: {  	s0 =	rddreg [dreg:$0x0];
	s2 =	stileid.u32  }
0x9b: {  	s1 =	rddreg [dreg:$0x1];
	p0 =	sne.s32 s2, $0x0  }
0x9c: {  	s3 =	rddreg [dreg:$0x2];
	[bflag:$0x3] =	sbarrier.arrive $0xFFFF;
	s2 =	simm.s32 @!p0 $0x1C01  }
0x9d: {  	[timem:s3], [sflag:s2] =	dma.local @!p0 [hbm:s0], s1  }
0x9e: {  	s0 =	simm.s32 @!p0 $0x1  }
0x9f: {  	_ =	swait.ge @!p0 [sflag:s0], s1  }
0xa0: {  	s1 =	ssub.s32 @!p0 $0x0, s1;
	[sflag:s0] =	ssyncset.done @!p0 $0x0  }
0xa1: {  	[sflag:s0] =	ssyncadd.s32 @!p0 s1  }
0xa2: {  	[bflag:$0x3] =	sbarrier.arrive $0xFFFF  }
0xa3: {  	_ =	shalt  }

// kernel: kernel.16.cloned.1.call-start
scs
__scs_entry_jumppad:
0x0: {  	(pc) =	sbr.rel $0x88, $3  }
0x1: {  	(tag) =	ssettag $0x0;
	lr =	simm.s32 $0x1  }
0x2: {  	[smem:$0x3F8B] =	sst lr;
	_ =	strace $0xD0000000  }
0x3: {  	_ = 	snop  }
0x4: {  	_ = 	snop  }
0x5: {  	_ = 	snop  }
0x6: {  	_ = 	snop  }
0x7: {  	_ = 	snop  }
__scs_overlays_trampoline_lowered:
0x8: {  	[smem:$0x3F9A] =	sst s0  }
0x9: {  	[smem:$0x3F9B] =	sst s1  }
0xa: {  	[smem:$0x3F9C] =	sst s2  }
0xb: {  	[smem:$0x3F9D] =	sst s3  }
0xc: {  	[smem:$0x3F9E] =	sst s4  }
0xd: {  	[smem:$0x3F9F] =	sst s5  }
0xe: {  	[smem:$0x3FA0] =	sst s6  }
0xf: {  	[smem:$0x3FA1] =	sst s7  }
0x10: {  	[smem:$0x3FA2] =	sst s8  }
0x11: {  	[smem:$0x3FA3] =	sst s9;
	s0 =	simm.s32 @!p0 $0x0  }
0x12: {  	s1 =	sld [smem:$0x3F89];
	s0 =	simm.s32 @p0 $0x1  }
0x13: {  	[smem:$0x3FA4] =	sst s0;
	s0 =	simm.s32 @!p1 $0x0  }
0x14: {  	s2 =	sld [smem:$0x3F88];
	s0 =	simm.s32 @p1 $0x1  }
0x15: {  	[smem:$0x3FA5] =	sst s0;
	s0 =	simm.s32 @!p2 $0x0  }
0x16: {  	s3 =	sld [smem:$0x3FDB];
	s0 =	simm.s32 @p2 $0x1  }
0x17: {  	s4 =	simm.s32 $0x1BF5;
	[smem:$0x3FA7] =	sst s0  }
0x18: {  	s0 =	sld [smem:$0x3F8A];
	_ =	swait.ge [sflag:s4], $0x0  }
0x19: {  	s7 =	sld [smem:$0x3F8B]  }
0x1a: {  	s8 =	sadd.s32 $0xFFFFE003, lr  }
0x1b: {  	s9 =	sadd.s32 $0xFFFFFEF7, lr;
	s5 =	simm.s32 $0xFFFFFFFF;
	p2 =	slt.u32 s8, $0xFFFFF086  }
0x1c: {  	p1 =	slt.u32 s9, $0xF7A;
	s5 =	simm.s32 @!p2 $0x0  }
0x1d: {  	s5 =	simm.s32 @p1 $0x1;
	p0 =	seq.s32 s7, s2  }
0x1e: {  	s7 =	smul.u32 @!p0 $0xF7A, s2;
	p2 =	seq.s32 @!p0 s5, $0x0  }
0x1f: {  	s9 =	smul.u32 $0xF7A, s1;
	s8 =	simm.s32 @!p0 $0x1BF5;
	p2 =	por !p2, p0  }
0x20: {  	[sflag:s8] =	ssyncset.s32 @!p0 $0xFFFFF086;
	s6 =	sadd.s32 @!p0 s3, s7;
	s7 =	simm.s32 @!p0 $0x108  }
0x21: {  	s3 =	sadd.s32 s3, s9;
	s6 =	sadd.s32 @!p0 $0x88, s6;
	s7 =	simm.s32 @p2 $0x1082  }
0x22: {  	[simem:s7], [sflag:s8] =	dma.local @!p0 [hbm:s6], $0xF7A  }
0x23: {  	s9 =	sor.u32 $0xD0000000, s2;
	s6 =	simm.s32 $0x108;
	_ =	swait.ge @!p0 [sflag:s8], $0x0  }
0x24: {  	s3 =	sadd.s32 $0x88, s3;
	s6 =	simm.s32 @!p1 $0x1082;
	[sflag:s4] =	ssyncset.s32 $0xFFFFF086  }
0x25: {  	[simem:s6], [sflag:s4] =	dma.local [hbm:s3], $0xF7A  }
0x26: {  	[smem:$0x3F8B] =	sst s1;
	(tag) =	ssettag s2;
	_ =	strace s9  }
0x27: {  	s1 =	sld [smem:$0x3F9B]  }
0x28: {  	s2 =	sld [smem:$0x3F9C]  }
0x29: {  	s4 =	sld [smem:$0x3F9E]  }
0x2a: {  	p0 =	seq.s32 s5, $0x0;
	s5 =	sld [smem:$0x3F9F]  }
0x2b: {  	s6 =	sld [smem:$0x3FA0]  }
0x2c: {  	s7 =	sld [smem:$0x3FA1]  }
0x2d: {  	s3 =	simm.s32 $0x108;
	s8 =	sld [smem:$0x3FA2]  }
0x2e: {  	s3 =	simm.s32 @!p0 $0x1082;
	s9 =	sld [smem:$0x3FA3]  }
0x2f: {  	lr =	sadd.s32 s0, s3;
	s0 =	sld [smem:$0x3F9A]  }
0x30: {  	s3 =	sld [smem:$0x3F9D]  }
0x31: {  	[smem:$0x3FA6] =	sst s10  }
0x32: {  	s10 =	sld [smem:$0x3FA4];
	_ =	sdelay $0x3  }
0x33: {  	p0 =	seq.s32 s10, $0x1;
	s10 =	sld [smem:$0x3FA6];
	_ =	sdelay $0x3  }
0x34: {  	[smem:$0x3FA6] =	sst s10  }
0x35: {  	s10 =	sld [smem:$0x3FA5];
	_ =	sdelay $0x3  }
0x36: {  	p1 =	seq.s32 s10, $0x1;
	s10 =	sld [smem:$0x3FA6];
	_ =	sdelay $0x3  }
0x37: {  	[smem:$0x3FA6] =	sst s10  }
0x38: {  	s10 =	sld [smem:$0x3FA7]  }
0x39: {  	_ = 	snop;
	(pc) =	sbr.ind lr, $3  }
0x3a: {  	_ = 	snop  }
0x3b: {  	_ = 	snop  }
0x3c: {  	p2 =	seq.s32 s10, $0x1;
	s10 =	sld [smem:$0x3FA6]  }
0x3d: {  	_ =	shalt  }
0x3e: {  	_ =	shalt  }
0x3f: {  	_ =	shalt  }
0x40: {  	_ =	shalt  }
0x41: {  	_ =	shalt  }
0x42: {  	_ =	shalt  }
0x43: {  	_ =	shalt  }
0x44: {  	_ =	shalt  }
0x45: {  	_ =	shalt  }
0x46: {  	_ =	shalt  }
0x47: {  	_ =	shalt  }
0x48: {  	_ =	shalt  }
0x49: {  	_ =	shalt  }
0x4a: {  	_ =	shalt  }
0x4b: {  	_ =	shalt  }
0x4c: {  	_ =	shalt  }
0x4d: {  	_ =	shalt  }
0x4e: {  	_ =	shalt  }
0x4f: {  	_ =	shalt  }
0x50: {  	_ =	shalt  }
0x51: {  	_ =	shalt  }
0x52: {  	_ =	shalt  }
0x53: {  	_ =	shalt  }
0x54: {  	_ =	shalt  }
0x55: {  	_ =	shalt  }
0x56: {  	_ =	shalt  }
0x57: {  	_ =	shalt  }
0x58: {  	_ =	shalt  }
0x59: {  	_ =	shalt  }
0x5a: {  	_ =	shalt  }
0x5b: {  	_ =	shalt  }
0x5c: {  	_ =	shalt  }
0x5d: {  	_ =	shalt  }
0x5e: {  	_ =	shalt  }
0x5f: {  	_ =	shalt  }
0x60: {  	_ =	shalt  }
0x61: {  	_ =	shalt  }
0x62: {  	_ =	shalt  }
0x63: {  	_ =	shalt  }
0x64: {  	_ =	shalt  }
0x65: {  	_ =	shalt  }
0x66: {  	_ =	shalt  }
0x67: {  	_ =	shalt  }
0x68: {  	_ =	shalt  }
0x69: {  	_ =	shalt  }
0x6a: {  	_ =	shalt  }
0x6b: {  	_ =	shalt  }
0x6c: {  	_ =	shalt  }
0x6d: {  	_ =	shalt  }
0x6e: {  	_ =	shalt  }
0x6f: {  	_ =	shalt  }
0x70: {  	_ =	shalt  }
0x71: {  	_ =	shalt  }
0x72: {  	_ =	shalt  }
0x73: {  	_ =	shalt  }
0x74: {  	_ =	shalt  }
0x75: {  	_ =	shalt  }
0x76: {  	_ =	shalt  }
0x77: {  	_ =	shalt  }
0x78: {  	_ =	shalt  }
0x79: {  	_ =	shalt  }
0x7a: {  	_ =	shalt  }
0x7b: {  	_ =	shalt  }
0x7c: {  	_ =	shalt  }
0x7d: {  	_ =	shalt  }
0x7e: {  	_ =	shalt  }
0x7f: {  	_ =	shalt  }
0x80: {  	_ =	shalt  }
0x81: {  	_ =	shalt  }
0x82: {  	_ =	shalt  }
0x83: {  	_ =	shalt  }
0x84: {  	_ =	shalt  }
0x85: {  	_ =	shalt  }
0x86: {  	_ =	shalt  }
0x87: {  	_ =	shalt  }
.Lfunc_end0:
.L_simem_size_0:
called_computation.2_lowered:
.L_overlay_start_0:
0x88: {  	s2 =	sld [smem:$0x3FD9]  }
0x89: {  	s3 =	sld [smem:$0x3FFE];
	_ =	sdelay $0x1  }
0x8a: {  	s1 =	srdreg.scid  }
0x8b: {  	s0 =	sand.u32 $0x1, s1  }
0x8c: {  	s15 =	sshll.u32 s0, $0xA;
	s2 =	sadd.s32 s3, s2  }
0x8d: {  	s2 =	sadd.s32 s2, s15  }
0x8e: {  	[smem:$0x3FB2] =	sst s2  }
0x8f: {  	_ = 	snop  }
0x90: {  	s2 =	sld [smem:$0x3FD0];
	_ =	sdelay $0x2  }
0x91: {  	s16 =	simm.s32 $0xB;
	s4 =	simm.s32 $0x10  }
0x92: {  	[smem:s4], [sflag:s16] =	dma.local [hbm:s2], $0x1  }
0x93: {  	_ =	swait.eq [sflag:s16], $0x1  }
0x94: {  	[sflag:s16] =	ssyncset.done $0x0  }
0x95: {  	[sflag:s16] =	ssyncadd.s32 $0xFFFFFFFF  }
0x96: {  	s17 =	sld [smem:$0x11];
	(tm) =	ssettm $0x1  }
0x97: {  	s18 =	sld [smem:$0x3FFB];
	_ =	sdelay $0x3  }
0x98: {  	_ =	strace s18  }
0x99: {  	s2 =	sld [smem:$0x3FFC];
	_ =	sdelay $0x3  }
0x9a: {  	_ =	strace s2  }
0x9b: {  	s2 =	sld [smem:$0x3FFD];
	_ =	sdelay $0x3  }
0x9c: {  	_ =	strace s2  }
0x9d: {  	_ =	strace $0x8FFFFFFF  }
0x9e: {  	s19 =	sld [smem:$0x3FDB];
	_ =	sdelay $0x1  }
0x9f: {  	s20 =	simm.s32 $_scs_section_size  }
0xa0: {  	s5 =	simm.s32 $_size__tile_overlayer_lowered;
	s6 =	simm.s32 $_tile_overlayer_lowered  }
0xa1: {  	s7 =	simm.s32 $0x1BFF;
	s21 =	sshll.u32 s6, $0x1;
	s4 =	sadd.s32 s20, s19  }
0xa2: {  	s22 =	simm.s32 $0x0;
	s5 =	sshll.u32 s5, $0x1;
	s6 =	sadd.s32 s21, s4  }
0xa3: {  	[timem:s22], [sflag:s7] =	dma.local [hbm:s6], s5  }
0xa4: {  	_ =	swait.ge [sflag:s7], s5  }
0xa5: {  	s5 =	ssub.s32 $0x0, s5;
	[sflag:s7] =	ssyncset.done $0x0  }
0xa6: {  	[sflag:s7] =	ssyncadd.s32 s5;
	_ =	sdelay $0x1  }
0xa7: {  	s23 =	simm.s32 $0x1B8B  }
0xa8: {  	_ =	swait.ge [sflag:s23], $0x1  }
0xa9: {  	[sflag:s23] =	ssyncset.done $0x0  }
0xaa: {  	[sflag:s23] =	ssyncadd.s32 $0xFFFFFFFF  }
0xab: {  	s5 =	sld [smem:$0x0]  }
0xac: {  	s6 =	sand.u32 $0xFFFFFFFE, s1  }
0xad: {  	p0 =	sne.s32 s1, s6  }
0xae: {  	s6 =	sshll.u32 @p0 s6, $0xE  }
0xaf: {  	s6 =	sadd.s32 @p0 $0x11B8D, s6;
	s7 =	sshll.u32 @p0 s5, $0x11  }
0xb0: {  	s6 =	sor.u32 @p0 s7, s6  }
0xb1: {  	[sflag:s6] =	ssyncadd.remote.s32 @p0 $0x1;
	_ =	sdelay $0x1  }
0xb2: {  	s6 =	simm.s32 @p0 $0x1B8D  }
0xb3: {  	_ =	swait.eq @p0 [sflag:s6], $0x1  }
0xb4: {  	[sflag:s6] =	ssyncadd.s32 @p0 $0xFFFFFFFF  }
0xb5: {  	s7 =	sshll.u32 @!p0 s1, $0xE  }
0xb6: {  	s7 =	sor.u32 @!p0 $0x4000, s7;
	s6 =	simm.s32 @!p0 $0x1B8D  }
0xb7: {  	s5 =	sshll.u32 @!p0 s5, $0x11;
	s7 =	sadd.s32 @!p0 $0x11B8D, s7;
	_ =	swait.eq @!p0 [sflag:s6], $0x1  }
0xb8: {  	s5 =	sor.u32 @!p0 s5, s7;
	[sflag:s6] =	ssyncadd.s32 @!p0 $0xFFFFFFFF  }
0xb9: {  	s25 =	simm.s32 $0x1B8E;
	s24 =	sld [smem:$0x3FFE];
	[sflag:s5] =	ssyncadd.remote.s32 @!p0 $0x1  }
0xba: {  	s26 =	simm.s32 $execute0_lowered;
	[smem:$0x3FD2] =	sst s25  }
0xbb: {  	s6 =	sshll.u32 s26, $0x1;
	_ =	strace $0x8000004C;
	[dreg:$0x1] =	wrdreg $0xFFFFFFFF  }
0xbc: {  	s28 =	simm.s32 $_size_execute0_lowered;
	s4 =	sadd.s32 s4, s6;
	[dreg:$0x0] =	wrdreg $0x0  }
0xbd: {  	s6 =	sshll.u32 s28, $0x1;
	[dreg:$0x2] =	wrdreg s4  }
0xbe: {  	[dreg:$0x3] =	wrdreg s6  }
0xbf: {  	[dreg:$0x4] =	wrdreg $0xC0  }
0xc0: {  	_ =	task [dreg:s22], $0x5FFFF  }
0xc1: {  	[dreg:$0x1] =	wrdreg $0xFFFFFFFF  }
0xc2: {  	[dreg:$0x0] =	wrdreg $0x60  }
0xc3: {  	[dreg:$0x2] =	wrdreg s24  }
0xc4: {  	[dreg:$0x3] =	wrdreg s17  }
0xc5: {  	[dreg:$0x4] =	wrdreg $0xBD000  }
0xc6: {  	[dreg:$0x5] =	wrdreg $0xA  }
0xc7: {  	_ =	task.clear_ibuf [dreg:s22], $0x6FFFF;
	_ =	strace $0x9000004C  }
0xc8: {  	s29 =	simm.s32 $0xA;
	_ =	strace $0x8000004E  }
0xc9: {  	_ =	swait.ge [sflag:s29], $0x1  }
0xca: {  	[sflag:s29] =	ssyncadd.s32 $0xFFFFFFFF  }
0xcb: {  	_ =	strace $0x9000004E  }
0xcc: {  	_ =	sfence  }
0xcd: {  	s30 =	sld [smem:$0x0];
	_ =	sdelay $0x2  }
0xce: {  	s31 =	sshll.u32 s1, $0xD;
	s1 =	sshrl.u32 s1, $0x2  }
0xcf: {  	s4 =	sand.u32 $0x4000, s31;
	s1 =	sadd.s32 s1, s30  }
0xd0: {  	s0 =	sor.u32 s4, s0;
	s1 =	sshll.u32 s1, $0x11  }
0xd1: {  	s0 =	sor.u32 s1, s0  }
0xd2: {  	s0 =	sadd.s32 $0x8F2B, s0  }
0xd3: {  	[sflag:s0] =	ssyncadd.remote.s32 $0x1  }
0xd4: {  	_ =	sfence.sel $0xFFFF  }
0xd5: {  	[dreg:$0x0] =	wrdreg $0xFFFFFFFF;
	(pc) =	sbr.abs _section_cstart, $3  }
0xd6: {  	[dreg:$0x1] =	wrdreg $0xFFFFFFFF  }
0xd7: {  	_ =	task.clear_ibuf [dreg:s22], $0x2FFFF;
	_ =	strace $0x9FFFFFFF  }
0xd8: {  	(tm) =	ssettm $0x7FFFFFFF  }
0xd9: {  	_ =	shalt  }
tec
execute0_lowered:
.L_overlay_start_1:
0x0: {  	(tag) =	ssettag $0x1  }
0x1: {  	s8 =	rddreg [dreg:$0x0]  }
0x2: {  	s2 =	rddreg [dreg:$0x1]  }
0x3: {  	s3 =	rddreg [dreg:$0x2]  }
0x4: {  	s0 =	rddreg [dreg:$0x3];
	s4 =	simm.s32 $0x0;
	s1 =	stileid.u32  }
0x5: {  	s9 =	srdreg.scid;
	s16 =	simm.s32 $0x4E80;
	s17 =	simm.s32 $0x80  }
0x6: {  	s18 =	simm.s32 $0x9D00;
	s19 =	simm.s32 $0x0;
	[smem:$0x7FF] =	sst s4  }
0x7: {  	s7 =	smul.u32 $0x4E80, s1;
	s5 =	sadd.s32 $0xDE200, s8;
	s6 =	sadd.s32 $0x2D800, s8  }
0x8: {  	s14 =	sand.u32 $0x1, s9;
	s12 =	smul.u32 $0x9E00, s1;
	s31 =	sshll.u32 s1, $0x6  }
0x9: {  	_ =	strace $0x8000004D;
	s9 =	ssub.s32 $0x2, s14;
	p0 =	sne.s32 s14, $0x0  }
.Ltmp0:
0xa: {  	s7 =	sshrl.u32 s7, $0x3;
	s10 =	sshrl.u32 s9, $0x1;
	(pc) =	sbr.rel .LBB2_1-.Ltmp0, $4  }
0xb: {  	s15 =	sadd.s32 s12, s3;
	s12 =	sshrl.u32 s12, $0x3;
	s11 =	sadd.s32 s7, s8  }
0xc: {  	s7 =	sadd.s32 $0x105600, s8;
	s8 =	sadd.s32 $0x17D800, s8;
	s13 =	ssub.s32 s9, s10  }
0xd: {  	s9 =	sor.u32 $0x1C01, s31;
	s14 =	sshrl.u32 s15, $0x3;
	s15 =	simm.s32 $0x1  }
0xe: {  	s10 =	sadd.s32 $0x6200, s11;
	s11 =	sadd.s32 $0xFF00, s11;
	s13 =	smax.u32 s13, $0x1  }
.LBB2_7:
0xf: {  	s20 =	sshra.s32 s20, $0x2;
	[sflag:s15] =	ssyncadd.s32 $0xFFFFE000  }
0x10: {  	[tilespmem:s18], [sflag:$0x1] =	stream.indirect.gather [hbm4b:s6+s17], $0x40, s20, s17, $0xb8;
	[tilespmem:$0x15B00] =	vst v63  }
0x11: {  	_ =	swait.ge [sflag:s15], $0x2000  }
0x12: {  	[sflag:s15] =	ssyncset.done $0x0  }
0x13: {  	s20 =	sadd.s32 $0x4E80, s20;
	[sflag:s15] =	ssyncadd.s32 $0xFFFFE000  }
0x14: {  	[spmem:s3] =	stream.indirect.scatter.add.f32 [tilespmem:s18], [sflag:$0x1], $0x40, s20, s17, $0xb8;
	[tilespmem:$0x15B00] =	vst v63  }
0x15: {  	_ =	swait.ge [sflag:s15], $0x2000  }
0x16: {  	[sflag:s15] =	ssyncset.done $0x0  }
0x17: {  	s20 =	smov.u32 s8;
	[sflag:s15] =	ssyncadd.s32 $0xFFFFE000  }
.LBB2_8:
0x18: {  	s19 =	sadd.s32 $0x1, s19  }
0x19: {  	p1 =	sne.s32 s19, s13  }
.Ltmp1:
0x1a: {  	s20 =	sadd.s32 s20, s12;
	[bflag:$0x0] =	sbarrier.arrive $0xFFFF;
	(pc) =	sbr.rel @!p1 .LBB2_9-.Ltmp1, $4  }
0x1b: {  	[hbm:s20], [sflag:s9] =	dma.local [spmem:s14], $0x13C0  }
0x1c: {  	_ =	swait.ge [sflag:s15], $0x13C0  }
0x1d: {  	[sflag:s15] =	ssyncset.done $0x0  }
0x1e: {  	[sflag:s15] =	ssyncadd.s32 $0xFFFFEC40  }
.LBB2_1:
0x1f: {  	[spmem:s14], [sflag:s9] =	dma.local [hbm:s7], $0x13C0  }
0x20: {  	_ =	swait.ge [sflag:s15], $0x13C0  }
0x21: {  	[sflag:s15] =	ssyncset.done $0x0  }
0x22: {  	[sflag:s15] =	ssyncadd.s32 $0xFFFFEC40  }
0x23: {  	[tilespmem:s4], [sflag:$0x1] =	stream.linear.gather [hbm4b:s10+s4], $0x4E80, $0x38;
	[tilespmem:$0x15B00] =	vst v63  }
0x24: {  	_ =	swait.ge [sflag:s15], $0x4E80  }
0x25: {  	[sflag:s15] =	ssyncset.done $0x0  }
0x26: {  	[sflag:s15] =	ssyncadd.s32 $0xFFFFB180  }
0x27: {  	[tilespmem:s16], [sflag:$0x1] =	stream.linear.gather [hbm4b:s11+s4], $0x4E80, $0x38;
	[tilespmem:$0x15B00] =	vst v63  }
.Ltmp2:
0x28: {  	_ =	swait.ge [sflag:s15], $0x4E80;
	(pc) =	sbr.rel @p0 .LBB2_5-.Ltmp2, $4  }
0x29: {  	[sflag:s15] =	ssyncset.done $0x0  }
0x2a: {  	[sflag:s15] =	ssyncadd.s32 $0xFFFFB180  }
0x2b: {  	[bflag:$0x0] =	sbarrier.arrive $0xFFFF  }
0x2c: {  	s20 =	simm.s32 $0x0  }
0x2d: {  	[tilespmem:s18], [sflag:$0x1] =	stream.indirect.gather [hbm4b:s5+s17], $0x40, s20, s17, $0xb8;
	[tilespmem:$0x15B00] =	vst v63  }
0x2e: {  	_ =	swait.ge [sflag:s15], $0x2000  }
0x2f: {  	[sflag:s15] =	ssyncset.done $0x0  }
0x30: {  	s31 =	simm.s32 $0x4E80;
	[sflag:s15] =	ssyncadd.s32 $0xFFFFE000  }
0x31: {  	[spmem:s3] =	stream.indirect.scatter.add.f32 [tilespmem:s18], [sflag:$0x1], $0x40, s31, s17, $0xb8;
	[tilespmem:$0x15B00] =	vst v63  }
0x32: {  	_ =	swait.ge [sflag:s15], $0x2000  }
0x33: {  	s20 =	simm.s32 $0x200;
	s21 =	simm.s32 $0x400;
	[sflag:s15] =	ssyncset.done $0x0  }
.LBB2_3:
0x34: {  	s22 =	sshra.s32 s20, $0x2  }
0x35: {  	[sflag:s15] =	ssyncadd.s32 $0xFFFFE000;
	s20 =	smov.u32 s21;
	s23 =	sadd.s32 $0x200, s21  }
0x36: {  	[tilespmem:s18], [sflag:$0x1] =	stream.indirect.gather [hbm4b:s5+s17], $0x40, s22, s17, $0xb8;
	[tilespmem:$0x15B00] =	vst v63  }
0x37: {  	p1 =	seq.s32 s21, $0x13800;
	_ =	swait.ge [sflag:s15], $0x2000  }
.Ltmp3:
0x38: {  	[sflag:s15] =	ssyncset.done $0x0;
	(pc) =	sbr.rel @!p1 .LBB2_3-.Ltmp3, $4  }
0x39: {  	s21 =	sadd.s32 $0x4E80, s22;
	[sflag:s15] =	ssyncadd.s32 $0xFFFFE000  }
0x3a: {  	[spmem:s3] =	stream.indirect.scatter.add.f32 [tilespmem:s18], [sflag:$0x1], $0x40, s21, s17, $0xb8;
	[tilespmem:$0x15B00] =	vst v63  }
0x3b: {  	_ =	swait.ge [sflag:s15], $0x2000  }
0x3c: {  	s21 =	smov.u32 s23;
	[sflag:s15] =	ssyncset.done $0x0  }
0x3d: {  	s20 =	sshra.s32 s20, $0x2;
	[sflag:s15] =	ssyncadd.s32 $0xFFFFE000  }
0x3e: {  	[tilespmem:s18], [sflag:$0x1] =	stream.indirect.gather [hbm4b:s5+s17], $0x40, s20, s17, $0xb8;
	[tilespmem:$0x15B00] =	vst v63  }
0x3f: {  	_ =	swait.ge [sflag:s15], $0x2000  }
0x40: {  	[sflag:s15] =	ssyncset.done $0x0  }
.Ltmp4:
0x41: {  	s20 =	sadd.s32 $0x4E80, s20;
	[sflag:s15] =	ssyncadd.s32 $0xFFFFE000;
	(pc) =	sbr.rel .LBB2_8-.Ltmp4, $4  }
0x42: {  	[spmem:s3] =	stream.indirect.scatter.add.f32 [tilespmem:s18], [sflag:$0x1], $0x40, s20, s17, $0xb8;
	[tilespmem:$0x15B00] =	vst v63  }
0x43: {  	_ =	swait.ge [sflag:s15], $0x2000  }
0x44: {  	[sflag:s15] =	ssyncset.done $0x0  }
0x45: {  	s20 =	smov.u32 s2;
	[sflag:s15] =	ssyncadd.s32 $0xFFFFE000  }
.LBB2_5:
0x46: {  	[tilespmem:s18], [sflag:$0x1] =	stream.indirect.gather [hbm4b:s6+s17], $0x40, s20, s17, $0xb8;
	[tilespmem:$0x15B00] =	vst v63  }
0x47: {  	_ =	swait.ge [sflag:s15], $0x2000  }
0x48: {  	[sflag:s15] =	ssyncset.done $0x0  }
0x49: {  	s31 =	simm.s32 $0x4E80;
	[sflag:s15] =	ssyncadd.s32 $0xFFFFE000  }
0x4a: {  	[spmem:s3] =	stream.indirect.scatter.add.f32 [tilespmem:s18], [sflag:$0x1], $0x40, s31, s17, $0xb8;
	[tilespmem:$0x15B00] =	vst v63  }
0x4b: {  	_ =	swait.ge [sflag:s15], $0x2000  }
0x4c: {  	s20 =	simm.s32 $0x200;
	s21 =	simm.s32 $0x400;
	[sflag:s15] =	ssyncset.done $0x0  }
.LBB2_6:
0x4d: {  	s22 =	sshra.s32 s20, $0x2  }
0x4e: {  	[sflag:s15] =	ssyncadd.s32 $0xFFFFE000;
	s20 =	smov.u32 s21;
	s23 =	sadd.s32 $0x200, s21  }
0x4f: {  	[tilespmem:s18], [sflag:$0x1] =	stream.indirect.gather [hbm4b:s6+s17], $0x40, s22, s17, $0xb8;
	[tilespmem:$0x15B00] =	vst v63  }
0x50: {  	p1 =	sne.s32 s21, $0x13800;
	_ =	swait.ge [sflag:s15], $0x2000  }
.Ltmp5:
0x51: {  	[sflag:s15] =	ssyncset.done $0x0;
	(pc) =	sbr.rel @p1 .LBB2_6-.Ltmp5, $4  }
0x52: {  	s21 =	sadd.s32 $0x4E80, s22;
	[sflag:s15] =	ssyncadd.s32 $0xFFFFE000  }
0x53: {  	[spmem:s3] =	stream.indirect.scatter.add.f32 [tilespmem:s18], [sflag:$0x1], $0x40, s21, s17, $0xb8;
	[tilespmem:$0x15B00] =	vst v63  }
0x54: {  	_ =	swait.ge [sflag:s15], $0x2000  }
0x55: {  	s21 =	smov.u32 s23;
	[sflag:s15] =	ssyncset.done $0x0  }
.Ltmp6:
0x56: {  	_ = 	snop;
	(pc) =	sbr.rel .LBB2_7-.Ltmp6, $1  }
0x57: {  	_ =	sdelay $0x3  }
.LBB2_9:
0x58: {  	_ =	sfence.sel $0x180000  }
0x59: {  	[bflag:$0x0] =	sbarrier.arrive $0xFFFF  }
0x5a: {  	p0 =	sne.s32 s1, $0x0;
	_ =	strace $0x9000004D  }
0x5b: {  	s0 =	sadd.s32 @!p0 $0x100000, s0;
	[bflag:$0x2] =	sbarrier.arrive $0xFFFF  }
0x5c: {  	[sflag:s0] =	ssyncadd.tile.s32 @!p0 $0x1;
	_ =	shalt  }
.Lfunc_end2:
_tile_overlayer_lowered:
.L_overlay_start_2:
0x5d: {  	(tag) =	ssettag $0x2  }
0x5e: {  	s0 =	rddreg [dreg:$0x0];
	s2 =	stileid.u32  }
0x5f: {  	s1 =	rddreg [dreg:$0x1];
	p0 =	sne.s32 s2, $0x0  }
0x60: {  	s3 =	rddreg [dreg:$0x2];
	[bflag:$0x3] =	sbarrier.arrive $0xFFFF;
	s2 =	simm.s32 @!p0 $0x1C01  }
0x61: {  	[timem:s3], [sflag:s2] =	dma.local @!p0 [hbm:s0], s1  }
0x62: {  	s0 =	simm.s32 @!p0 $0x1  }
0x63: {  	_ =	swait.ge @!p0 [sflag:s0], s1  }
0x64: {  	s1 =	ssub.s32 @!p0 $0x0, s1;
	[sflag:s0] =	ssyncset.done @!p0 $0x0  }
0x65: {  	[sflag:s0] =	ssyncadd.s32 @!p0 s1  }
0x66: {  	[bflag:$0x3] =	sbarrier.arrive $0xFFFF  }
0x67: {  	_ =	shalt  }

// kernel: kernel.19.cloned.1.call-start
scs
__scs_entry_jumppad:
0x0: {  	(pc) =	sbr.rel $0x88, $3  }
0x1: {  	(tag) =	ssettag $0x0;
	lr =	simm.s32 $0x1  }
0x2: {  	[smem:$0x3F8B] =	sst lr;
	_ =	strace $0xD0000000  }
0x3: {  	_ = 	snop  }
0x4: {  	_ = 	snop  }
0x5: {  	_ = 	snop  }
0x6: {  	_ = 	snop  }
0x7: {  	_ = 	snop  }
__scs_overlays_trampoline_lowered:
0x8: {  	[smem:$0x3F9A] =	sst s0  }
0x9: {  	[smem:$0x3F9B] =	sst s1  }
0xa: {  	[smem:$0x3F9C] =	sst s2  }
0xb: {  	[smem:$0x3F9D] =	sst s3  }
0xc: {  	[smem:$0x3F9E] =	sst s4  }
0xd: {  	[smem:$0x3F9F] =	sst s5  }
0xe: {  	[smem:$0x3FA0] =	sst s6  }
0xf: {  	[smem:$0x3FA1] =	sst s7  }
0x10: {  	[smem:$0x3FA2] =	sst s8  }
0x11: {  	[smem:$0x3FA3] =	sst s9;
	s0 =	simm.s32 @!p0 $0x0  }
0x12: {  	s1 =	sld [smem:$0x3F89];
	s0 =	simm.s32 @p0 $0x1  }
0x13: {  	[smem:$0x3FA4] =	sst s0;
	s0 =	simm.s32 @!p1 $0x0  }
0x14: {  	s2 =	sld [smem:$0x3F88];
	s0 =	simm.s32 @p1 $0x1  }
0x15: {  	[smem:$0x3FA5] =	sst s0;
	s0 =	simm.s32 @!p2 $0x0  }
0x16: {  	s3 =	sld [smem:$0x3FDB];
	s0 =	simm.s32 @p2 $0x1  }
0x17: {  	s4 =	simm.s32 $0x1BF5;
	[smem:$0x3FA7] =	sst s0  }
0x18: {  	s0 =	sld [smem:$0x3F8A];
	_ =	swait.ge [sflag:s4], $0x0  }
0x19: {  	s7 =	sld [smem:$0x3F8B]  }
0x1a: {  	s8 =	sadd.s32 $0xFFFFE003, lr  }
0x1b: {  	s9 =	sadd.s32 $0xFFFFFEF7, lr;
	s5 =	simm.s32 $0xFFFFFFFF;
	p2 =	slt.u32 s8, $0xFFFFF086  }
0x1c: {  	p1 =	slt.u32 s9, $0xF7A;
	s5 =	simm.s32 @!p2 $0x0  }
0x1d: {  	s5 =	simm.s32 @p1 $0x1;
	p0 =	seq.s32 s7, s2  }
0x1e: {  	s7 =	smul.u32 @!p0 $0xF7A, s2;
	p2 =	seq.s32 @!p0 s5, $0x0  }
0x1f: {  	s9 =	smul.u32 $0xF7A, s1;
	s8 =	simm.s32 @!p0 $0x1BF5;
	p2 =	por !p2, p0  }
0x20: {  	[sflag:s8] =	ssyncset.s32 @!p0 $0xFFFFF086;
	s6 =	sadd.s32 @!p0 s3, s7;
	s7 =	simm.s32 @!p0 $0x108  }
0x21: {  	s3 =	sadd.s32 s3, s9;
	s6 =	sadd.s32 @!p0 $0x88, s6;
	s7 =	simm.s32 @p2 $0x1082  }
0x22: {  	[simem:s7], [sflag:s8] =	dma.local @!p0 [hbm:s6], $0xF7A  }
0x23: {  	s9 =	sor.u32 $0xD0000000, s2;
	s6 =	simm.s32 $0x108;
	_ =	swait.ge @!p0 [sflag:s8], $0x0  }
0x24: {  	s3 =	sadd.s32 $0x88, s3;
	s6 =	simm.s32 @!p1 $0x1082;
	[sflag:s4] =	ssyncset.s32 $0xFFFFF086  }
0x25: {  	[simem:s6], [sflag:s4] =	dma.local [hbm:s3], $0xF7A  }
0x26: {  	[smem:$0x3F8B] =	sst s1;
	(tag) =	ssettag s2;
	_ =	strace s9  }
0x27: {  	s1 =	sld [smem:$0x3F9B]  }
0x28: {  	s2 =	sld [smem:$0x3F9C]  }
0x29: {  	s4 =	sld [smem:$0x3F9E]  }
0x2a: {  	p0 =	seq.s32 s5, $0x0;
	s5 =	sld [smem:$0x3F9F]  }
0x2b: {  	s6 =	sld [smem:$0x3FA0]  }
0x2c: {  	s7 =	sld [smem:$0x3FA1]  }
0x2d: {  	s3 =	simm.s32 $0x108;
	s8 =	sld [smem:$0x3FA2]  }
0x2e: {  	s3 =	simm.s32 @!p0 $0x1082;
	s9 =	sld [smem:$0x3FA3]  }
0x2f: {  	lr =	sadd.s32 s0, s3;
	s0 =	sld [smem:$0x3F9A]  }
0x30: {  	s3 =	sld [smem:$0x3F9D]  }
0x31: {  	[smem:$0x3FA6] =	sst s10  }
0x32: {  	s10 =	sld [smem:$0x3FA4];
	_ =	sdelay $0x3  }
0x33: {  	p0 =	seq.s32 s10, $0x1;
	s10 =	sld [smem:$0x3FA6];
	_ =	sdelay $0x3  }
0x34: {  	[smem:$0x3FA6] =	sst s10  }
0x35: {  	s10 =	sld [smem:$0x3FA5];
	_ =	sdelay $0x3  }
0x36: {  	p1 =	seq.s32 s10, $0x1;
	s10 =	sld [smem:$0x3FA6];
	_ =	sdelay $0x3  }
0x37: {  	[smem:$0x3FA6] =	sst s10  }
0x38: {  	s10 =	sld [smem:$0x3FA7]  }
0x39: {  	_ = 	snop;
	(pc) =	sbr.ind lr, $3  }
0x3a: {  	_ = 	snop  }
0x3b: {  	_ = 	snop  }
0x3c: {  	p2 =	seq.s32 s10, $0x1;
	s10 =	sld [smem:$0x3FA6]  }
0x3d: {  	_ =	shalt  }
0x3e: {  	_ =	shalt  }
0x3f: {  	_ =	shalt  }
0x40: {  	_ =	shalt  }
0x41: {  	_ =	shalt  }
0x42: {  	_ =	shalt  }
0x43: {  	_ =	shalt  }
0x44: {  	_ =	shalt  }
0x45: {  	_ =	shalt  }
0x46: {  	_ =	shalt  }
0x47: {  	_ =	shalt  }
0x48: {  	_ =	shalt  }
0x49: {  	_ =	shalt  }
0x4a: {  	_ =	shalt  }
0x4b: {  	_ =	shalt  }
0x4c: {  	_ =	shalt  }
0x4d: {  	_ =	shalt  }
0x4e: {  	_ =	shalt  }
0x4f: {  	_ =	shalt  }
0x50: {  	_ =	shalt  }
0x51: {  	_ =	shalt  }
0x52: {  	_ =	shalt  }
0x53: {  	_ =	shalt  }
0x54: {  	_ =	shalt  }
0x55: {  	_ =	shalt  }
0x56: {  	_ =	shalt  }
0x57: {  	_ =	shalt  }
0x58: {  	_ =	shalt  }
0x59: {  	_ =	shalt  }
0x5a: {  	_ =	shalt  }
0x5b: {  	_ =	shalt  }
0x5c: {  	_ =	shalt  }
0x5d: {  	_ =	shalt  }
0x5e: {  	_ =	shalt  }
0x5f: {  	_ =	shalt  }
0x60: {  	_ =	shalt  }
0x61: {  	_ =	shalt  }
0x62: {  	_ =	shalt  }
0x63: {  	_ =	shalt  }
0x64: {  	_ =	shalt  }
0x65: {  	_ =	shalt  }
0x66: {  	_ =	shalt  }
0x67: {  	_ =	shalt  }
0x68: {  	_ =	shalt  }
0x69: {  	_ =	shalt  }
0x6a: {  	_ =	shalt  }
0x6b: {  	_ =	shalt  }
0x6c: {  	_ =	shalt  }
0x6d: {  	_ =	shalt  }
0x6e: {  	_ =	shalt  }
0x6f: {  	_ =	shalt  }
0x70: {  	_ =	shalt  }
0x71: {  	_ =	shalt  }
0x72: {  	_ =	shalt  }
0x73: {  	_ =	shalt  }
0x74: {  	_ =	shalt  }
0x75: {  	_ =	shalt  }
0x76: {  	_ =	shalt  }
0x77: {  	_ =	shalt  }
0x78: {  	_ =	shalt  }
0x79: {  	_ =	shalt  }
0x7a: {  	_ =	shalt  }
0x7b: {  	_ =	shalt  }
0x7c: {  	_ =	shalt  }
0x7d: {  	_ =	shalt  }
0x7e: {  	_ =	shalt  }
0x7f: {  	_ =	shalt  }
0x80: {  	_ =	shalt  }
0x81: {  	_ =	shalt  }
0x82: {  	_ =	shalt  }
0x83: {  	_ =	shalt  }
0x84: {  	_ =	shalt  }
0x85: {  	_ =	shalt  }
0x86: {  	_ =	shalt  }
0x87: {  	_ =	shalt  }
.Lfunc_end0:
.L_simem_size_0:
called_computation.3_lowered:
.L_overlay_start_0:
0x88: {  	s2 =	sld [smem:$0x3FD9]  }
0x89: {  	s3 =	sld [smem:$0x3FFE];
	_ =	sdelay $0x1  }
0x8a: {  	s1 =	srdreg.scid  }
0x8b: {  	s0 =	sand.u32 $0x1, s1  }
0x8c: {  	s16 =	sshll.u32 s0, $0xA;
	s2 =	sadd.s32 s3, s2  }
0x8d: {  	s2 =	sadd.s32 s2, s16  }
0x8e: {  	[smem:$0x3FB2] =	sst s2  }
0x8f: {  	_ = 	snop  }
0x90: {  	(tm) =	ssettm $0x1  }
0x91: {  	s17 =	sld [smem:$0x3FFB];
	_ =	sdelay $0x3  }
0x92: {  	_ =	strace s17  }
0x93: {  	s2 =	sld [smem:$0x3FFC];
	_ =	sdelay $0x3  }
0x94: {  	_ =	strace s2  }
0x95: {  	s2 =	sld [smem:$0x3FFD];
	_ =	sdelay $0x3  }
0x96: {  	_ =	strace s2  }
0x97: {  	_ =	strace $0x8FFFFFFF  }
0x98: {  	s18 =	sld [smem:$0x3FDB];
	_ =	sdelay $0x1  }
0x99: {  	s19 =	simm.s32 $_scs_section_size  }
0x9a: {  	s4 =	simm.s32 $_size__tile_overlayer_lowered;
	s5 =	simm.s32 $_tile_overlayer_lowered  }
0x9b: {  	s22 =	simm.s32 $0x1BFF;
	s21 =	sshll.u32 s5, $0x1;
	s2 =	sadd.s32 s19, s18  }
0x9c: {  	s6 =	simm.s32 $0x0;
	s20 =	sshll.u32 s4, $0x1;
	s4 =	sadd.s32 s21, s2  }
0x9d: {  	[timem:s6], [sflag:s22] =	dma.local [hbm:s4], s20  }
0x9e: {  	_ =	swait.ge [sflag:s22], s20  }
0x9f: {  	s3 =	ssub.s32 $0x0, s20;
	[sflag:s22] =	ssyncset.done $0x0  }
0xa0: {  	[sflag:s22] =	ssyncadd.s32 s3;
	_ =	sdelay $0x1  }
0xa1: {  	s23 =	simm.s32 $0x1B8B  }
0xa2: {  	_ =	swait.ge [sflag:s23], $0x1  }
0xa3: {  	[sflag:s23] =	ssyncset.done $0x0  }
0xa4: {  	s25 =	simm.s32 $0x1B8E;
	s24 =	sld [smem:$0x3FFE];
	[sflag:s23] =	ssyncadd.s32 $0xFFFFFFFF  }
0xa5: {  	s26 =	simm.s32 $execute0_lowered;
	[smem:$0x3FD2] =	sst s25  }
0xa6: {  	s4 =	sshll.u32 s26, $0x1;
	_ =	strace $0x8000004F;
	[dreg:$0x1] =	wrdreg $0xFFFFFFFF  }
0xa7: {  	s28 =	simm.s32 $_size_execute0_lowered;
	s2 =	sadd.s32 s2, s4;
	[dreg:$0x0] =	wrdreg $0x0  }
0xa8: {  	s4 =	sshll.u32 s28, $0x1;
	[dreg:$0x2] =	wrdreg s2  }
0xa9: {  	[dreg:$0x3] =	wrdreg s4  }
0xaa: {  	[dreg:$0x4] =	wrdreg $0xC0  }
0xab: {  	_ =	task [dreg:s6], $0x5FFFF  }
0xac: {  	[dreg:$0x1] =	wrdreg $0xFFFFFFFF  }
0xad: {  	[dreg:$0x0] =	wrdreg $0x60  }
0xae: {  	[dreg:$0x2] =	wrdreg s24  }
0xaf: {  	[dreg:$0x3] =	wrdreg $0xBD000  }
0xb0: {  	[dreg:$0x4] =	wrdreg $0x9  }
0xb1: {  	_ =	task.clear_ibuf [dreg:s6], $0x5FFFF;
	_ =	strace $0x9000004F  }
0xb2: {  	s29 =	simm.s32 $0x9;
	_ =	strace $0x80000051  }
0xb3: {  	_ =	swait.ge [sflag:s29], $0x1  }
0xb4: {  	[sflag:s29] =	ssyncadd.s32 $0xFFFFFFFF  }
0xb5: {  	_ =	strace $0x90000051  }
0xb6: {  	_ =	sfence  }
0xb7: {  	s30 =	sld [smem:$0x0];
	_ =	sdelay $0x2  }
0xb8: {  	s31 =	sshll.u32 s1, $0xD;
	s1 =	sshrl.u32 s1, $0x2  }
0xb9: {  	s3 =	sand.u32 $0x4000, s31;
	s1 =	sadd.s32 s1, s30  }
0xba: {  	s0 =	sor.u32 s3, s0;
	s1 =	sshll.u32 s1, $0x11  }
0xbb: {  	s0 =	sor.u32 s1, s0  }
0xbc: {  	s0 =	sadd.s32 $0x8F2B, s0  }
0xbd: {  	[sflag:s0] =	ssyncadd.remote.s32 $0x1  }
0xbe: {  	_ =	sfence.sel $0xFFFF  }
0xbf: {  	[dreg:$0x0] =	wrdreg $0xFFFFFFFF;
	(pc) =	sbr.abs _section_cstart, $3  }
0xc0: {  	[dreg:$0x1] =	wrdreg $0xFFFFFFFF  }
0xc1: {  	_ =	task.clear_ibuf [dreg:s6], $0x2FFFF;
	_ =	strace $0x9FFFFFFF  }
0xc2: {  	(tm) =	ssettm $0x7FFFFFFF  }
0xc3: {  	_ =	shalt  }
tec
execute0_lowered:
.L_overlay_start_1:
0x0: {  	(tag) =	ssettag $0x1  }
0x1: {  	s8 =	rddreg [dreg:$0x0]  }
0x2: {  	s2 =	rddreg [dreg:$0x1]  }
0x3: {  	s0 =	rddreg [dreg:$0x2]  }
0x4: {  	s3 =	simm.s32 $0x0;
	s1 =	stileid.u32;
	s7 =	srdreg.scid  }
0x5: {  	s16 =	simm.s32 $0x4E80;
	s17 =	simm.s32 $0x80;
	s18 =	simm.s32 $0x9D00  }
0x6: {  	s19 =	simm.s32 $0x0;
	[smem:$0x7FF] =	sst s3;
	s5 =	smul.u32 $0x4E80, s1  }
0x7: {  	s4 =	sadd.s32 $0x2D800, s8;
	s14 =	sand.u32 $0x1, s7;
	s12 =	smul.u32 $0x9E00, s1  }
0x8: {  	s7 =	sadd.s32 $0x54E00, s8;
	s31 =	sshll.u32 s1, $0x6;
	_ =	strace $0x80000050  }
0x9: {  	s9 =	ssub.s32 $0x2, s14;
	p0 =	sne.s32 s14, $0x0;
	s6 =	sshrl.u32 s5, $0x3  }
.Ltmp0:
0xa: {  	s5 =	sadd.s32 $0x6200, s8;
	s10 =	sshrl.u32 s9, $0x1;
	(pc) =	sbr.rel .LBB2_1-.Ltmp0, $4  }
0xb: {  	s15 =	sadd.s32 s12, s2;
	s12 =	sshrl.u32 s12, $0x3;
	s11 =	sadd.s32 s6, s8  }
0xc: {  	s6 =	sadd.s32 $0x105600, s8;
	s8 =	sadd.s32 $0x41200, s8;
	s13 =	ssub.s32 s9, s10  }
0xd: {  	s9 =	sor.u32 $0x1C01, s31;
	s14 =	sshrl.u32 s15, $0x3;
	s15 =	simm.s32 $0x1  }
0xe: {  	s10 =	sadd.s32 $0x19E00, s11;
	s11 =	sadd.s32 $0x23B00, s11;
	s13 =	smax.u32 s13, $0x1  }
.LBB2_7:
0xf: {  	s20 =	sshra.s32 s20, $0x2;
	[sflag:s15] =	ssyncadd.s32 $0xFFFFE000  }
0x10: {  	[tilespmem:s18], [sflag:$0x1] =	stream.indirect.gather [hbm4b:s5+s17], $0x40, s20, s17, $0xb8;
	[tilespmem:$0x15B00] =	vst v63  }
0x11: {  	_ =	swait.ge [sflag:s15], $0x2000  }
0x12: {  	[sflag:s15] =	ssyncset.done $0x0  }
0x13: {  	s20 =	sadd.s32 $0x4E80, s20;
	[sflag:s15] =	ssyncadd.s32 $0xFFFFE000  }
0x14: {  	[spmem:s2] =	stream.indirect.scatter.add.f32 [tilespmem:s18], [sflag:$0x1], $0x40, s20, s17, $0xb8;
	[tilespmem:$0x15B00] =	vst v63  }
0x15: {  	_ =	swait.ge [sflag:s15], $0x2000  }
0x16: {  	[sflag:s15] =	ssyncset.done $0x0  }
0x17: {  	s20 =	smov.u32 s8;
	[sflag:s15] =	ssyncadd.s32 $0xFFFFE000  }
.LBB2_8:
0x18: {  	s19 =	sadd.s32 $0x1, s19  }
0x19: {  	p1 =	sne.s32 s19, s13  }
.Ltmp1:
0x1a: {  	s20 =	sadd.s32 s20, s12;
	[bflag:$0x0] =	sbarrier.arrive $0xFFFF;
	(pc) =	sbr.rel @!p1 .LBB2_9-.Ltmp1, $4  }
0x1b: {  	[hbm:s20], [sflag:s9] =	dma.local [spmem:s14], $0x13C0  }
0x1c: {  	_ =	swait.ge [sflag:s15], $0x13C0  }
0x1d: {  	[sflag:s15] =	ssyncset.done $0x0  }
0x1e: {  	[sflag:s15] =	ssyncadd.s32 $0xFFFFEC40  }
.LBB2_1:
0x1f: {  	[spmem:s14], [sflag:s9] =	dma.local [hbm:s6], $0x13C0  }
0x20: {  	_ =	swait.ge [sflag:s15], $0x13C0  }
0x21: {  	[sflag:s15] =	ssyncset.done $0x0  }
0x22: {  	[sflag:s15] =	ssyncadd.s32 $0xFFFFEC40  }
0x23: {  	[tilespmem:s3], [sflag:$0x1] =	stream.linear.gather [hbm4b:s10+s3], $0x4E80, $0x38;
	[tilespmem:$0x15B00] =	vst v63  }
0x24: {  	_ =	swait.ge [sflag:s15], $0x4E80  }
0x25: {  	[sflag:s15] =	ssyncset.done $0x0  }
0x26: {  	[sflag:s15] =	ssyncadd.s32 $0xFFFFB180  }
0x27: {  	[tilespmem:s16], [sflag:$0x1] =	stream.linear.gather [hbm4b:s11+s3], $0x4E80, $0x38;
	[tilespmem:$0x15B00] =	vst v63  }
.Ltmp2:
0x28: {  	_ =	swait.ge [sflag:s15], $0x4E80;
	(pc) =	sbr.rel @p0 .LBB2_5-.Ltmp2, $4  }
0x29: {  	[sflag:s15] =	ssyncset.done $0x0  }
0x2a: {  	[sflag:s15] =	ssyncadd.s32 $0xFFFFB180  }
0x2b: {  	[bflag:$0x0] =	sbarrier.arrive $0xFFFF  }
0x2c: {  	s20 =	simm.s32 $0x0  }
0x2d: {  	[tilespmem:s18], [sflag:$0x1] =	stream.indirect.gather [hbm4b:s4+s17], $0x40, s20, s17, $0xb8;
	[tilespmem:$0x15B00] =	vst v63  }
0x2e: {  	_ =	swait.ge [sflag:s15], $0x2000  }
0x2f: {  	[sflag:s15] =	ssyncset.done $0x0  }
0x30: {  	s31 =	simm.s32 $0x4E80;
	[sflag:s15] =	ssyncadd.s32 $0xFFFFE000  }
0x31: {  	[spmem:s2] =	stream.indirect.scatter.add.f32 [tilespmem:s18], [sflag:$0x1], $0x40, s31, s17, $0xb8;
	[tilespmem:$0x15B00] =	vst v63  }
0x32: {  	_ =	swait.ge [sflag:s15], $0x2000  }
0x33: {  	s20 =	simm.s32 $0x200;
	s21 =	simm.s32 $0x400;
	[sflag:s15] =	ssyncset.done $0x0  }
.LBB2_3:
0x34: {  	s22 =	sshra.s32 s20, $0x2  }
0x35: {  	[sflag:s15] =	ssyncadd.s32 $0xFFFFE000;
	s20 =	smov.u32 s21;
	s23 =	sadd.s32 $0x200, s21  }
0x36: {  	[tilespmem:s18], [sflag:$0x1] =	stream.indirect.gather [hbm4b:s4+s17], $0x40, s22, s17, $0xb8;
	[tilespmem:$0x15B00] =	vst v63  }
0x37: {  	p1 =	seq.s32 s21, $0x13800;
	_ =	swait.ge [sflag:s15], $0x2000  }
.Ltmp3:
0x38: {  	[sflag:s15] =	ssyncset.done $0x0;
	(pc) =	sbr.rel @!p1 .LBB2_3-.Ltmp3, $4  }
0x39: {  	s21 =	sadd.s32 $0x4E80, s22;
	[sflag:s15] =	ssyncadd.s32 $0xFFFFE000  }
0x3a: {  	[spmem:s2] =	stream.indirect.scatter.add.f32 [tilespmem:s18], [sflag:$0x1], $0x40, s21, s17, $0xb8;
	[tilespmem:$0x15B00] =	vst v63  }
0x3b: {  	_ =	swait.ge [sflag:s15], $0x2000  }
0x3c: {  	s21 =	smov.u32 s23;
	[sflag:s15] =	ssyncset.done $0x0  }
0x3d: {  	s20 =	sshra.s32 s20, $0x2;
	[sflag:s15] =	ssyncadd.s32 $0xFFFFE000  }
0x3e: {  	[tilespmem:s18], [sflag:$0x1] =	stream.indirect.gather [hbm4b:s4+s17], $0x40, s20, s17, $0xb8;
	[tilespmem:$0x15B00] =	vst v63  }
0x3f: {  	_ =	swait.ge [sflag:s15], $0x2000  }
0x40: {  	[sflag:s15] =	ssyncset.done $0x0  }
.Ltmp4:
0x41: {  	s20 =	sadd.s32 $0x4E80, s20;
	[sflag:s15] =	ssyncadd.s32 $0xFFFFE000;
	(pc) =	sbr.rel .LBB2_8-.Ltmp4, $4  }
0x42: {  	[spmem:s2] =	stream.indirect.scatter.add.f32 [tilespmem:s18], [sflag:$0x1], $0x40, s20, s17, $0xb8;
	[tilespmem:$0x15B00] =	vst v63  }
0x43: {  	_ =	swait.ge [sflag:s15], $0x2000  }
0x44: {  	[sflag:s15] =	ssyncset.done $0x0  }
0x45: {  	s20 =	smov.u32 s7;
	[sflag:s15] =	ssyncadd.s32 $0xFFFFE000  }
.LBB2_5:
0x46: {  	[tilespmem:s18], [sflag:$0x1] =	stream.indirect.gather [hbm4b:s5+s17], $0x40, s20, s17, $0xb8;
	[tilespmem:$0x15B00] =	vst v63  }
0x47: {  	_ =	swait.ge [sflag:s15], $0x2000  }
0x48: {  	[sflag:s15] =	ssyncset.done $0x0  }
0x49: {  	s31 =	simm.s32 $0x4E80;
	[sflag:s15] =	ssyncadd.s32 $0xFFFFE000  }
0x4a: {  	[spmem:s2] =	stream.indirect.scatter.add.f32 [tilespmem:s18], [sflag:$0x1], $0x40, s31, s17, $0xb8;
	[tilespmem:$0x15B00] =	vst v63  }
0x4b: {  	_ =	swait.ge [sflag:s15], $0x2000  }
0x4c: {  	s20 =	simm.s32 $0x200;
	s21 =	simm.s32 $0x400;
	[sflag:s15] =	ssyncset.done $0x0  }
.LBB2_6:
0x4d: {  	s22 =	sshra.s32 s20, $0x2  }
0x4e: {  	[sflag:s15] =	ssyncadd.s32 $0xFFFFE000;
	s20 =	smov.u32 s21;
	s23 =	sadd.s32 $0x200, s21  }
0x4f: {  	[tilespmem:s18], [sflag:$0x1] =	stream.indirect.gather [hbm4b:s5+s17], $0x40, s22, s17, $0xb8;
	[tilespmem:$0x15B00] =	vst v63  }
0x50: {  	p1 =	sne.s32 s21, $0x13800;
	_ =	swait.ge [sflag:s15], $0x2000  }
.Ltmp5:
0x51: {  	[sflag:s15] =	ssyncset.done $0x0;
	(pc) =	sbr.rel @p1 .LBB2_6-.Ltmp5, $4  }
0x52: {  	s21 =	sadd.s32 $0x4E80, s22;
	[sflag:s15] =	ssyncadd.s32 $0xFFFFE000  }
0x53: {  	[spmem:s2] =	stream.indirect.scatter.add.f32 [tilespmem:s18], [sflag:$0x1], $0x40, s21, s17, $0xb8;
	[tilespmem:$0x15B00] =	vst v63  }
0x54: {  	_ =	swait.ge [sflag:s15], $0x2000  }
0x55: {  	s21 =	smov.u32 s23;
	[sflag:s15] =	ssyncset.done $0x0  }
.Ltmp6:
0x56: {  	_ = 	snop;
	(pc) =	sbr.rel .LBB2_7-.Ltmp6, $1  }
0x57: {  	_ =	sdelay $0x3  }
.LBB2_9:
0x58: {  	_ =	sfence.sel $0x180000  }
0x59: {  	[bflag:$0x0] =	sbarrier.arrive $0xFFFF  }
0x5a: {  	p0 =	sne.s32 s1, $0x0;
	_ =	strace $0x90000050  }
0x5b: {  	s0 =	sadd.s32 @!p0 $0x100000, s0;
	[bflag:$0x2] =	sbarrier.arrive $0xFFFF  }
0x5c: {  	[sflag:s0] =	ssyncadd.tile.s32 @!p0 $0x1;
	_ =	shalt  }
.Lfunc_end2:
_tile_overlayer_lowered:
.L_overlay_start_2:
0x5d: {  	(tag) =	ssettag $0x2  }
0x5e: {  	s0 =	rddreg [dreg:$0x0];
	s2 =	stileid.u32  }
0x5f: {  	s1 =	rddreg [dreg:$0x1];
	p0 =	sne.s32 s2, $0x0  }
0x60: {  	s3 =	rddreg [dreg:$0x2];
	[bflag:$0x3] =	sbarrier.arrive $0xFFFF;
	s2 =	simm.s32 @!p0 $0x1C01  }
0x61: {  	[timem:s3], [sflag:s2] =	dma.local @!p0 [hbm:s0], s1  }
0x62: {  	s0 =	simm.s32 @!p0 $0x1  }
0x63: {  	_ =	swait.ge @!p0 [sflag:s0], s1  }
0x64: {  	s1 =	ssub.s32 @!p0 $0x0, s1;
	[sflag:s0] =	ssyncset.done @!p0 $0x0  }
0x65: {  	[sflag:s0] =	ssyncadd.s32 @!p0 s1  }
0x66: {  	[bflag:$0x3] =	sbarrier.arrive $0xFFFF  }
0x67: {  	_ =	shalt  }

</sc_bundles>
